<compile_context>
chip_gen: v7x
topology: tpu7x:2x2x1
jax: 0.10.2.dev20260603
libtpu: 0.0.44.dev20260713+nightly
codegen_flags: <defaults>
</compile_context>

<pallas_src>
import functools

import jax
import jax.numpy as jnp
from jax import lax
from jax.experimental import pallas as pl
from jax.experimental.pallas import tpu as pltpu
from jax.experimental.pallas import tpu_sc as plsc

_NW = 32
_CH = 128


def _silu(x):
    return x * jax.nn.sigmoid(x)


def _sc_gather_coords(cx, cy, cz, src_pad):
    nw, nchunk, ch = src_pad.shape
    n = cx.shape[0]
    deg = 16
    epad = nw * nchunk * ch
    npad = epad // deg
    nrows = ch // deg
    wrows = nchunk * nrows
    mesh = plsc.VectorSubcoreMesh(core_axis_name="c", subcore_axis_name="s")

    @functools.partial(
        pl.kernel,
        out_type=(
            jax.ShapeDtypeStruct((npad, deg), jnp.float32),
            jax.ShapeDtypeStruct((npad, deg), jnp.float32),
            jax.ShapeDtypeStruct((npad, deg), jnp.float32),
        ),
        mesh=mesh,
        scratch_types=[
            pltpu.VMEM((nchunk, ch), jnp.int32),
            pltpu.VMEM((n,), jnp.float32),
            pltpu.VMEM((n,), jnp.float32),
            pltpu.VMEM((n,), jnp.float32),
            pltpu.VMEM((2, nrows, deg), jnp.float32),
            pltpu.VMEM((2, nrows, deg), jnp.float32),
            pltpu.VMEM((2, nrows, deg), jnp.float32),
            [pltpu.SemaphoreType.DMA] * 2,
        ],
        compiler_params=pltpu.CompilerParams(needs_layout_passes=False),
    )
    def coord_kernel(cx_hbm, cy_hbm, cz_hbm, src_hbm,
                     xx_hbm, xy_hbm, xz_hbm,
                     idx_v, cxv, cyv, czv, xb, yb, zb, csems):
        wid = lax.axis_index("s") * 2 + lax.axis_index("c")
        pltpu.sync_copy(src_hbm.at[wid], idx_v)
        pltpu.sync_copy(cx_hbm, cxv)
        pltpu.sync_copy(cy_hbm, cyv)
        pltpu.sync_copy(cz_hbm, czv)
        base = wid * nchunk

        def cgather(jj, carry):
            for b in range(2):
                j = jj * 2 + b
                nrow = (base + j) * nrows

                @pl.when(j >= 2)
                def _():
                    for cb0, oh in ((xb, xx_hbm), (yb, xy_hbm), (zb, xz_hbm)):
                        pltpu.make_async_copy(
                            cb0.at[b], oh.at[pl.ds(nrow, nrows)],
                            csems[b]).wait()

                for t in range(nrows):
                    iv = idx_v[j, pl.ds(t * 16, 16)]
                    xb.at[b][t, :] = plsc.load_gather(cxv, [iv])
                    yb.at[b][t, :] = plsc.load_gather(cyv, [iv])
                    zb.at[b][t, :] = plsc.load_gather(czv, [iv])
                for cb0, oh in ((xb, xx_hbm), (yb, xy_hbm), (zb, xz_hbm)):
                    pltpu.async_copy(
                        cb0.at[b], oh.at[pl.ds(nrow, nrows)], csems[b])
            return carry

        lax.fori_loop(0, nchunk // 2, cgather, 0)
        for b in range(2):
            for cb0, oh in ((xb, xx_hbm), (yb, xy_hbm), (zb, xz_hbm)):
                pltpu.make_async_copy(
                    cb0.at[b], oh.at[pl.ds(base * nrows, nrows)],
                    csems[b]).wait()

    return coord_kernel(cx, cy, cz, src_pad)


def _sc_gather(feat, src_pad):
    nw, nchunk, ch = src_pad.shape
    n, d = feat.shape
    epad = nw * nchunk * ch
    mesh = plsc.VectorSubcoreMesh(core_axis_name="c", subcore_axis_name="s")

    nb = 4

    @functools.partial(
        pl.kernel,
        out_type=jax.ShapeDtypeStruct((epad, d), jnp.float32),
        mesh=mesh,
        scratch_types=[
            pltpu.VMEM((nchunk, ch), jnp.int32),
            pltpu.VMEM((nb, ch, d), jnp.float32),
            [pltpu.SemaphoreType.DMA] * nb,
            [pltpu.SemaphoreType.DMA] * nb,
        ],
        compiler_params=pltpu.CompilerParams(needs_layout_passes=False),
    )
    def gather_kernel(feat_hbm, src_hbm, gf_hbm, idx_v, fbuf, gsems, ssems):
        wid = lax.axis_index("s") * 2 + lax.axis_index("c")
        pltpu.sync_copy(src_hbm.at[wid], idx_v)
        base = wid * nchunk
        for b in range(nb):
            pltpu.async_copy(feat_hbm.at[idx_v.at[b]], fbuf.at[b], gsems[b])

        def ring(jj, carry):
            j0 = jj * nb
            for b in range(nb):
                j = j0 + b
                pltpu.make_async_copy(
                    feat_hbm.at[idx_v.at[j]], fbuf.at[b], gsems[b]).wait()
                row = (base + j) * ch
                pltpu.async_copy(fbuf.at[b], gf_hbm.at[pl.ds(row, ch)],
                                 ssems[b])
                nxt = j + nb

                @pl.when(nxt < nchunk)
                def _():
                    pltpu.make_async_copy(
                        fbuf.at[b], gf_hbm.at[pl.ds(row, ch)], ssems[b]).wait()
                    pltpu.async_copy(
                        feat_hbm.at[idx_v.at[nxt]], fbuf.at[b], gsems[b])
            return carry

        lax.fori_loop(0, nchunk // nb, ring, 0)
        for b in range(nb):
            pltpu.make_async_copy(
                fbuf.at[b], gf_hbm.at[pl.ds(base * ch, ch)], ssems[b]).wait()

    return gather_kernel(feat, src_pad)


def _tc_project(feat, ew1b, ew1c):
    n, d = feat.shape
    h = ew1b.shape[1]
    bp = 2000
    grid = n // bp

    def kern(feat_ref, wb_ref, wc_ref, zs_ref, zd_ref):
        f = feat_ref[...]
        zs_ref[...] = jnp.dot(f, wb_ref[...], preferred_element_type=jnp.float32)
        zd_ref[...] = jnp.dot(f, wc_ref[...], preferred_element_type=jnp.float32)

    return pl.pallas_call(
        kern,
        grid=(grid,),
        in_specs=[
            pl.BlockSpec((bp, d), lambda i: (i, 0)),
            pl.BlockSpec((d, h), lambda i: (0, 0)),
            pl.BlockSpec((d, h), lambda i: (0, 0)),
        ],
        out_specs=[
            pl.BlockSpec((bp, h), lambda i: (i, 0)),
            pl.BlockSpec((bp, h), lambda i: (i, 0)),
        ],
        out_shape=[
            jax.ShapeDtypeStruct((n, h), jnp.float32),
            jax.ShapeDtypeStruct((n, h), jnp.float32),
        ],
        compiler_params=pltpu.CompilerParams(
            dimension_semantics=("parallel",)),
    )(feat, ew1b, ew1c)


def _tc_total(xx, xy, xz, deg, n):
    bp = 2000
    grid = n // bp

    def kern(xx_ref, xy_ref, xz_ref, out_ref):
        @pl.when(pl.program_id(0) == 0)
        def _():
            out_ref[...] = jnp.zeros((1, 1), jnp.float32)

        acc = jnp.float32(0.0)
        for r in (xx_ref, xy_ref, xz_ref):
            x = r[...]
            rs = jnp.sum(x, axis=1)
            acc += 2.0 * deg * jnp.sum(x * x) - 2.0 * jnp.sum(rs * rs)
        out_ref[...] += jnp.reshape(acc, (1, 1))

    return pl.pallas_call(
        kern,
        grid=(grid,),
        in_specs=[pl.BlockSpec((bp, deg), lambda i: (i, 0))] * 3,
        out_specs=pl.BlockSpec((1, 1), lambda i: (0, 0)),
        out_shape=jax.ShapeDtypeStruct((1, 1), jnp.float32),
        compiler_params=pltpu.CompilerParams(
            dimension_semantics=("arbitrary",)),
    )(xx, xy, xz)


def _tc_stage_a(xx, xy, xz, ownm, total, w, bn, deg, n):
    hs = 8
    be = bn * deg
    grid = n // bn

    def kern(xx_ref, xy_ref, xz_ref, ownm_ref, tot_ref,
             r_expand, w1t, b1t, bd2, b2t, ssel,
             bde_sm, bde_mx, bde_mn, bde_sd, esb128,
             nsw, nsb,
             hedp_ref, hv_ref):
        inv_total = 1.0 / (tot_ref[0, 0] + 1.0)
        ownm = ownm_ref[...]
        delta = jnp.zeros((be, deg), jnp.float32)
        for xref in (xx_ref, xy_ref, xz_ref):
            xc = xref[...]
            xc_rep = jnp.broadcast_to(
                xc[:, None, :], (bn, deg, deg)).reshape(be, deg)
            xi = jnp.sum(xc_rep * ownm, axis=1, keepdims=True)
            dcomp = xi - xc_rep
            delta = delta + dcomp * dcomp
        delta = delta * inv_total

        delta_rep = jnp.dot(delta, r_expand[...],
                            preferred_element_type=jnp.float32)
        h1 = _silu(delta_rep * w1t[...] + b1t[...])
        h2 = _silu(jnp.dot(h1, bd2[...],
                           preferred_element_type=jnp.float32) + b2t[...])

        h3 = h2.reshape(bn, deg, deg * hs)
        s1p = jnp.sum(h3, axis=1)
        sq1p = jnp.sum(h3 * h3, axis=1)
        mx1p = jnp.max(h3, axis=1)
        mn1p = jnp.min(h3, axis=1)
        mean1p = s1p * (1.0 / deg)
        std1p = jnp.sqrt(jnp.maximum(
            sq1p * (1.0 / deg) - mean1p * mean1p, 0.0))
        hedp = _silu(
            jnp.dot(s1p, bde_sm[...], preferred_element_type=jnp.float32)
            + jnp.dot(mx1p, bde_mx[...], preferred_element_type=jnp.float32)
            + jnp.dot(mn1p, bde_mn[...], preferred_element_type=jnp.float32)
            + jnp.dot(std1p, bde_sd[...], preferred_element_type=jnp.float32)
            + esb128[...])

        s2 = jnp.dot(hedp, ssel[...], preferred_element_type=jnp.float32)
        sq2 = jnp.dot(hedp * hedp, ssel[...], preferred_element_type=jnp.float32)
        mx2 = hedp
        mn2 = hedp
        width = deg * hs
        while width > hs:
            half = width // 2
            mx2 = jnp.maximum(mx2[:, :half], mx2[:, half:width])
            mn2 = jnp.minimum(mn2[:, :half], mn2[:, half:width])
            width = half
        mean2 = s2 * (1.0 / deg)
        std2 = jnp.sqrt(jnp.maximum(sq2 * (1.0 / deg) - mean2 * mean2, 0.0))
        pna2 = jnp.concatenate([s2, mean2, mx2, mn2, std2], axis=1)
        hv_ref[...] = _silu(jnp.dot(pna2, nsw[...],
                                    preferred_element_type=jnp.float32)
                            + nsb[...])
        hedp_ref[...] = hedp

    const = lambda a: pl.BlockSpec(a.shape, lambda i: (0,) * a.ndim)
    weights = [w[k] for k in (
        "r_expand", "w1t", "b1t", "bd2", "b2t", "ssel",
        "bde_sm", "bde_mx", "bde_mn", "bde_sd", "esb128",
        "nsw", "nsb")]
    in_specs = [
        pl.BlockSpec((bn, deg), lambda i: (i, 0)),
        pl.BlockSpec((bn, deg), lambda i: (i, 0)),
        pl.BlockSpec((bn, deg), lambda i: (i, 0)),
        pl.BlockSpec((be, deg), lambda i: (0, 0)),
        pl.BlockSpec((1, 1), lambda i: (0, 0)),
    ] + [const(a) for a in weights]
    return pl.pallas_call(
        kern,
        grid=(grid,),
        in_specs=in_specs,
        out_specs=[
            pl.BlockSpec((bn, deg * hs), lambda i: (i, 0)),
            pl.BlockSpec((bn, hs), lambda i: (i, 0)),
        ],
        out_shape=[
            jax.ShapeDtypeStruct((n, deg * hs), jnp.float32),
            jax.ShapeDtypeStruct((n, hs), jnp.float32),
        ],
        compiler_params=pltpu.CompilerParams(
            dimension_semantics=("parallel",)),
    )(xx, xy, xz, ownm, total, *weights)


def _tc_stage_b(g, feat, coordinate, zdst, xx, xy, xz, ownm, hedp_a, hv_a,
                w, bn, deg):
    n, d = feat.shape
    hs = 8
    be = bn * deg
    grid = n // bn

    def kern(g_ref, feat_ref, coord_ref, zdst_ref, xx_ref, xy_ref, xz_ref,
             ownm_ref, hedp_ref, hv_ref,
             mask8, ew1at, ew1d, eb1, ew2, eb2,
             cw1, cb1, cw2, cb2,
             nw1a, nw1b, nw1c, nb1, nw2, nb2,
             hout_ref, xout_ref):
        ownm = ownm_ref[...]
        xis = []
        for xref in (xx_ref, xy_ref, xz_ref):
            xc = xref[...]
            xc_rep = jnp.broadcast_to(
                xc[:, None, :], (bn, deg, deg)).reshape(be, deg)
            xis.append(jnp.sum(xc_rep * ownm, axis=1, keepdims=True))
        hedp = hedp_ref[...]
        h_v_dx = hv_ref[...]

        cdst = coord_ref[...]
        xi3 = jnp.concatenate(xis, axis=1)
        cdst_rep = jnp.broadcast_to(
            cdst[:, None, :], (bn, deg, 3)).reshape(be, 3)
        dv3 = xi3 - cdst_rep
        sqd = jnp.sum(dv3 * dv3, axis=1, keepdims=True)
        fblk = feat_ref[...]
        zdst = zdst_ref[...]
        zdst_rep = jnp.broadcast_to(
            zdst[:, None, :], (bn, deg, zdst.shape[1])).reshape(be, -1)
        hedp_rep = jnp.broadcast_to(
            hedp[:, None, :], (bn, deg, deg * hs)).reshape(be, deg * hs)
        z1 = (jnp.dot(hedp_rep * mask8[...], ew1at[...],
                      preferred_element_type=jnp.float32)
              + g_ref[...] + zdst_rep + sqd * ew1d[...] + eb1[...])
        h_e = _silu(jnp.dot(_silu(z1), ew2[...],
                            preferred_element_type=jnp.float32) + eb2[...])

        t = _silu(jnp.dot(h_e, cw1[...],
                          preferred_element_type=jnp.float32) + cb1[...])
        coef = jnp.dot(t, cw2[...],
                       preferred_element_type=jnp.float32) + cb2[...]
        x_e = dv3 * coef
        x_agg = jnp.sum(x_e.reshape(bn, deg, 3), axis=1)
        xout_ref[...] = cdst + x_agg

        h_agg = jnp.sum(h_e.reshape(bn, deg, d), axis=1)
        z = (jnp.dot(fblk, nw1a[...], preferred_element_type=jnp.float32)
             + jnp.dot(h_agg, nw1b[...], preferred_element_type=jnp.float32)
             + jnp.dot(h_v_dx, nw1c[...], preferred_element_type=jnp.float32)
             + nb1[...])
        hout_ref[...] = jnp.dot(_silu(z), nw2[...],
                                preferred_element_type=jnp.float32) + nb2[...]

    const = lambda a: pl.BlockSpec(a.shape, lambda i: (0,) * a.ndim)
    weights = [w[k] for k in (
        "mask8",
        "ew1at", "ew1d", "eb1", "ew2", "eb2",
        "cw1", "cb1", "cw2", "cb2",
        "nw1a", "nw1b", "nw1c", "nb1", "nw2", "nb2")]
    in_specs = [
        pl.BlockSpec((be, d), lambda i: (i, 0)),
        pl.BlockSpec((bn, d), lambda i: (i, 0)),
        pl.BlockSpec((bn, 3), lambda i: (i, 0)),
        pl.BlockSpec((bn, d), lambda i: (i, 0)),
        pl.BlockSpec((bn, deg), lambda i: (i, 0)),
        pl.BlockSpec((bn, deg), lambda i: (i, 0)),
        pl.BlockSpec((bn, deg), lambda i: (i, 0)),
        pl.BlockSpec((be, deg), lambda i: (0, 0)),
        pl.BlockSpec((bn, deg * hs), lambda i: (i, 0)),
        pl.BlockSpec((bn, hs), lambda i: (i, 0)),
    ] + [const(a) for a in weights]
    return pl.pallas_call(
        kern,
        grid=(grid,),
        in_specs=in_specs,
        out_specs=[
            pl.BlockSpec((bn, d), lambda i: (i, 0)),
            pl.BlockSpec((bn, 3), lambda i: (i, 0)),
        ],
        out_shape=[
            jax.ShapeDtypeStruct((n, d), jnp.float32),
            jax.ShapeDtypeStruct((n, 3), jnp.float32),
        ],
        compiler_params=pltpu.CompilerParams(
            dimension_semantics=("parallel",)),
    )(g, feat, coordinate, zdst, xx, xy, xz, ownm, hedp_a, hv_a, *weights)


def _prep_weights(p, d, deg, hs, be):
    h = p["eW2"].shape[0]
    jidx = jnp.arange(deg * hs) // hs
    r_expand = (jnp.arange(deg)[:, None] == jidx[None, :]).astype(jnp.float32)
    ssel = (jnp.arange(deg * hs)[:, None] % hs
            == jnp.arange(hs)[None, :]).astype(jnp.float32)
    bd2 = jnp.kron(jnp.eye(deg, dtype=jnp.float32), p["dW2"])
    eye16 = jnp.eye(deg, dtype=jnp.float32)
    esw = p["esW"]
    mask8 = ((jnp.arange(deg * hs)[None, :] // hs)
             == (jnp.arange(be)[:, None] % deg)).astype(jnp.float32)
    w = {
        "r_expand": r_expand,
        "w1t": jnp.tile(p["dW1"][0], deg)[None, :],
        "b1t": jnp.tile(p["db1"], deg)[None, :],
        "bd2": bd2,
        "b2t": jnp.tile(p["db2"], deg)[None, :],
        "ssel": ssel,
        "bde_sm": jnp.kron(eye16, esw[:hs] + esw[hs:2 * hs] / deg),
        "bde_mx": jnp.kron(eye16, esw[2 * hs:3 * hs]),
        "bde_mn": jnp.kron(eye16, esw[3 * hs:4 * hs]),
        "bde_sd": jnp.kron(eye16, esw[4 * hs:5 * hs]),
        "esb128": jnp.tile(p["esb"], deg)[None, :],
        "mask8": mask8,
        "nsw": p["nsW"],
        "nsb": p["nsb"][None, :],
        "ew1at": jnp.tile(p["eW1"][:hs], (deg, 1)),
        "ew1d": p["eW1"][hs + 2 * d:hs + 2 * d + 1],
        "eb1": p["eb1"][None, :],
        "ew2": p["eW2"],
        "eb2": p["eb2"][None, :],
        "cw1": p["cW1"],
        "cb1": p["cb1"][None, :],
        "cw2": p["cW2"],
        "cb2": p["cb2"][None, :],
        "nw1a": p["nW1"][:d],
        "nw1b": p["nW1"][d:2 * d],
        "nw1c": p["nW1"][2 * d:2 * d + hs],
        "nb1": p["nb1"][None, :],
        "nw2": p["nW2"],
        "nb2": p["nb2"][None, :],
    }
    return w


def kernel(feat, coordinate, edge_index, params):
    n, d = feat.shape
    e = edge_index.shape[1]
    deg = e // n
    hs = params["dW2"].shape[0]
    src = edge_index[0].astype(jnp.int32)

    nchunk = -(-e // (_NW * _CH))
    epad = _NW * _CH * nchunk
    src_pad = jnp.pad(src, (0, epad - e)).reshape(_NW, nchunk, _CH)

    zsrc, zdst = _tc_project(
        feat, params["eW1"][hs:hs + d], params["eW1"][hs + d:hs + 2 * d])
    xx, xy, xz = _sc_gather_coords(
        coordinate[:, 0], coordinate[:, 1], coordinate[:, 2], src_pad)
    g = _sc_gather(zsrc, src_pad)

    total = _tc_total(xx, xy, xz, deg, n)
    bn = 200
    w = _prep_weights(params, d, deg, hs, bn * deg)
    ownm = (jnp.arange(bn * deg)[:, None] % deg
            == jnp.arange(deg)[None, :]).astype(jnp.float32)
    hedp_a, hv_a = _tc_stage_a(xx, xy, xz, ownm, total, w, bn, deg, n)
    h_new, x_new = _tc_stage_b(
        g, feat, coordinate, zdst, xx, xy, xz, ownm, hedp_a, hv_a, w, bn, deg)
    return h_new, x_new

# --- scband reference (transcript-rebuilt; emitter-appended) ---
"""Pipeline reference for scband-sakelayer-13108240187517 (READ-ONLY COPY).

The authoritative reference and input builder live on the scoring server;
editing this copy changes nothing except your own understanding.
"""

import jax, jax.numpy as jnp
import numpy as np

N = 10000
DEG = 16
E = N * DEG
D = 128
H = 128
HS = 8


def _silu(x):
    return x * jax.nn.sigmoid(x)


def _pna(h, axis):
    # Principal Neighborhood Aggregation: 5 reductions concatenated -> 5*HS features
    return jnp.concatenate([
        jnp.sum(h, axis=axis),
        jnp.mean(h, axis=axis),
        jnp.max(h, axis=axis),
        jnp.min(h, axis=axis),
        jnp.std(h, axis=axis),
    ], axis=-1)


def setup_inputs(seed: int = 0) -> dict:
    key = jax.random.key(seed)
    ks = jax.random.split(key, 16)
    feat = jax.random.normal(ks[0], (N, D), jnp.float32)
    coordinate = jax.random.normal(ks[1], (N, 3), jnp.float32)
    # fixed in-degree graph: each dst node receives exactly DEG edges (DGL mailbox -> reshape)
    src = jax.random.randint(ks[2], (E,), 0, N)
    dst = jnp.repeat(jnp.arange(N), DEG)
    edge_index = jnp.stack([src, dst]).astype(jnp.int32)

    def lin(k, fi, fo):
        return (jax.random.normal(k, (fi, fo), jnp.float32) / np.sqrt(fi),
                jnp.zeros((fo,), jnp.float32))

    p = {}
    p['eW1'], p['eb1'] = lin(ks[3], HS + 2 * D + 1, H)   # edge_mlp layer 1
    p['eW2'], p['eb2'] = lin(ks[4], H, H)                # edge_mlp layer 2
    p['nW1'], p['nb1'] = lin(ks[5], HS + H + D, H)       # node_mlp layer 1
    p['nW2'], p['nb2'] = lin(ks[6], H, D)                # node_mlp layer 2
    p['cW1'], p['cb1'] = lin(ks[7], H, H)                # coordinate_mlp layer 1
    p['cW2'], p['cb2'] = lin(ks[8], H, 1)                # coordinate_mlp layer 2
    p['dW1'], p['db1'] = lin(ks[9], 1, HS)               # delta_coordinate_model l1
    p['dW2'], p['db2'] = lin(ks[10], HS, HS)             # delta_coordinate_model l2
    p['esW'], p['esb'] = lin(ks[11], 5 * HS, HS)         # edge_summary_model
    p['nsW'], p['nsb'] = lin(ks[12], 5 * HS, HS)         # node_summary_model
    return {"feat": feat, "coordinate": coordinate, "edge_index": edge_index, "params": p}


def _forward(feat, coordinate, edge_index, p):
    src, dst = edge_index[0], edge_index[1]
    n = feat.shape[0]
    e = src.shape[0]
    deg = e // n
    # coordinate attention over each node's mailbox (fixed in-degree -> reshape)
    x_msg = coordinate[src].reshape(n, deg, 3)
    diff = x_msg[:, None, :, :] - x_msg[:, :, None, :]
    delta = jnp.sum(diff * diff, axis=-1)                 # [n, deg, deg]
    delta = delta / (jnp.sum(delta) + 1.0)
    h = _silu(delta[..., None] @ p['dW1'] + p['db1'])
    h = _silu(h @ p['dW2'] + p['db2'])                    # [n, deg, deg, HS]
    h_e_dx = _silu(_pna(h, 2) @ p['esW'] + p['esb'])      # [n, deg, HS]
    h_v_dx = _silu(_pna(h_e_dx, 1) @ p['nsW'] + p['nsb']) # [n, HS]
    # rearrange per-mailbox edge features back to edge ordering (edge id == position)
    h_e_dx_e = h_e_dx.reshape(e, HS)
    # edge model
    dvec = coordinate[src] - coordinate[dst]
    sqd = jnp.sum(dvec * dvec, axis=-1, keepdims=True)
    ein = jnp.concatenate([h_e_dx_e, feat[src], feat[dst], sqd], axis=-1)
    h_e = _silu(_silu(ein @ p['eW1'] + p['eb1']) @ p['eW2'] + p['eb2'])
    # coordinate edge model + scatter-add aggregation
    coef = _silu(h_e @ p['cW1'] + p['cb1']) @ p['cW2'] + p['cb2']
    x_e = dvec * coef
    x_agg = jax.ops.segment_sum(x_e, dst, num_segments=n)
    x_new = coordinate + x_agg
    # feature aggregation + node model
    h_agg = jax.ops.segment_sum(h_e, dst, num_segments=n)
    nin = jnp.concatenate([feat, h_agg, h_v_dx], axis=-1)
    h_new = _silu(nin @ p['nW1'] + p['nb1']) @ p['nW2'] + p['nb2']
    return h_new, x_new


def reference(feat, coordinate, edge_index, params):
    return _forward(feat, coordinate, edge_index, params)

if __name__ == "__main__":
    import jax
    _d = setup_inputs()
    print(jax.jit(kernel)(*tuple(_d.values())))

</pallas_src>

<mosaic_0001>
#map = affine_map<(d0, d1) -> (0, 0)>
#map1 = affine_map<(d0, d1) -> (0, 0, 0)>
module attributes {stable_mosaic.version = 14 : i64} {
  func.func @gather_kernel(%arg0: i32, %arg1: i32, %arg2: memref<10000x128xf32, #tpu.memory_space<hbm>>, %arg3: memref<32x40x128xi32, #tpu.memory_space<hbm>>, %arg4: memref<163840x128xf32, #tpu.memory_space<hbm>>, %arg5: memref<40x128xi32, #tpu.memory_space<vmem>>, %arg6: memref<4x128x128xf32, #tpu.memory_space<vmem>>, %arg7: memref<!tpu.dma_semaphore, #tpu.memory_space<semaphore_mem>>, %arg8: memref<!tpu.dma_semaphore, #tpu.memory_space<semaphore_mem>>, %arg9: memref<!tpu.dma_semaphore, #tpu.memory_space<semaphore_mem>>, %arg10: memref<!tpu.dma_semaphore, #tpu.memory_space<semaphore_mem>>, %arg11: memref<!tpu.dma_semaphore, #tpu.memory_space<semaphore_mem>>, %arg12: memref<!tpu.dma_semaphore, #tpu.memory_space<semaphore_mem>>, %arg13: memref<!tpu.dma_semaphore, #tpu.memory_space<semaphore_mem>>, %arg14: memref<!tpu.dma_semaphore, #tpu.memory_space<semaphore_mem>>) attributes {dimension_semantics = [#tpu.dimension_semantics<core_parallel>, #tpu.dimension_semantics<subcore_parallel>], iteration_bounds = array<i64: 2, 16>, scalar_prefetch = 0 : i64, scratch_operands = 10 : i64, tpu.core_type = #tpu.core_type<sc_vector_subcore>, window_params = [{transform_indices = #map}, {transform_indices = #map1}, {transform_indices = #map}]} {
    %mul3A = arith.constant 2 : i32
    %mul3A_0 = arith.muli %arg1, %mul3A : i32
    %add3A = arith.addi %mul3A_0, %arg0 : i32
    "tpu.region"() ({
      %run_scoped3A = tpu.sem_alloc : memref<!tpu.dma_semaphore, #tpu.memory_space<semaphore_mem>>
      %dma_start3A_114 = arith.constant 0 : i32
      %dma_start3A_115 = arith.constant 0 : i32
      %dma_start3A_116 = tpu.memref_slice %arg3[%add3A, %dma_start3A_114, %dma_start3A_115] : memref<32x40x128xi32, #tpu.memory_space<hbm>> -> memref<1x40x128xi32, #tpu.memory_space<hbm>>
      %dma_start3A_117 = tpu.memref_squeeze %dma_start3A_116 : memref<1x40x128xi32, #tpu.memory_space<hbm>> -> memref<40x128xi32, #tpu.memory_space<hbm>>
      %dma_start3A_118 = arith.constant 0 : i32
      %dma_start3A_119 = arith.constant 0 : i32
      %dma_start3A_120 = tpu.memref_slice %arg3[%add3A, %dma_start3A_118, %dma_start3A_119] : memref<32x40x128xi32, #tpu.memory_space<hbm>> -> memref<1x40x128xi32, #tpu.memory_space<hbm>>
      %dma_start3A_121 = tpu.memref_squeeze %dma_start3A_120 : memref<1x40x128xi32, #tpu.memory_space<hbm>> -> memref<40x128xi32, #tpu.memory_space<hbm>>
      tpu.enqueue_dma source(%dma_start3A_121 : memref<40x128xi32, #tpu.memory_space<hbm>>) target(%arg5 : memref<40x128xi32, #tpu.memory_space<vmem>>) target_semaphore(%run_scoped3A : memref<!tpu.dma_semaphore, #tpu.memory_space<semaphore_mem>>)
      %dma_wait3A_122 = arith.constant 0 : i32
      %dma_wait3A_123 = arith.constant 0 : i32
      %dma_wait3A_124 = tpu.memref_slice %arg3[%add3A, %dma_wait3A_122, %dma_wait3A_123] : memref<32x40x128xi32, #tpu.memory_space<hbm>> -> memref<1x40x128xi32, #tpu.memory_space<hbm>>
      %dma_wait3A_125 = tpu.memref_squeeze %dma_wait3A_124 : memref<1x40x128xi32, #tpu.memory_space<hbm>> -> memref<40x128xi32, #tpu.memory_space<hbm>>
      %dma_wait3A_126 = arith.constant 0 : i32
      %dma_wait3A_127 = arith.constant 0 : i32
      %dma_wait3A_128 = tpu.memref_slice %arg3[%add3A, %dma_wait3A_126, %dma_wait3A_127] : memref<32x40x128xi32, #tpu.memory_space<hbm>> -> memref<1x40x128xi32, #tpu.memory_space<hbm>>
      %dma_wait3A_129 = tpu.memref_squeeze %dma_wait3A_128 : memref<1x40x128xi32, #tpu.memory_space<hbm>> -> memref<40x128xi32, #tpu.memory_space<hbm>>
      tpu.wait_dma2 semaphore(%run_scoped3A : memref<!tpu.dma_semaphore, #tpu.memory_space<semaphore_mem>>) src(%dma_wait3A_129 : memref<40x128xi32, #tpu.memory_space<hbm>>) dst(%arg5 : memref<40x128xi32, #tpu.memory_space<vmem>>)
      tpu.yield
    }) : () -> ()
    %mul3A_1 = arith.constant 40 : i32
    %mul3A_2 = arith.muli %add3A, %mul3A_1 : i32
    %dma_start3A = arith.constant 0 : i32
    %dma_start3A_3 = arith.constant 0 : i32
    %dma_start3A_4 = arith.constant 0 : i32
    %dma_start3A_5 = arith.constant 0 : i32
    %dma_start3A_6 = tpu.memref_slice %arg6[%dma_start3A_3, %dma_start3A_4, %dma_start3A_5] : memref<4x128x128xf32, #tpu.memory_space<vmem>> -> memref<1x128x128xf32, #tpu.memory_space<vmem>>
    %dma_start3A_7 = tpu.memref_squeeze %dma_start3A_6 : memref<1x128x128xf32, #tpu.memory_space<vmem>> -> memref<128x128xf32, #tpu.memory_space<vmem>>
    %dma_start3A_8 = arith.constant 0 : i32
    %dma_start3A_9 = tpu.memref_slice %arg5[%dma_start3A, %dma_start3A_8] : memref<40x128xi32, #tpu.memory_space<vmem>> -> memref<1x128xi32, #tpu.memory_space<vmem>>
    %dma_start3A_10 = tpu.memref_squeeze %dma_start3A_9 : memref<1x128xi32, #tpu.memory_space<vmem>> -> memref<128xi32, #tpu.memory_space<vmem>>
    %dma_start3A_11 = arith.constant 0 : i32
    %dma_start3A_12 = arith.constant 0 : i32
    %dma_start3A_13 = tpu.memref_slice %arg2[%dma_start3A_11, %dma_start3A_12] : memref<10000x128xf32, #tpu.memory_space<hbm>> -> memref<10000x128xf32, #tpu.memory_space<hbm>>
    tpu.enqueue_indirect_dma source(%dma_start3A_13 : memref<10000x128xf32, #tpu.memory_space<hbm>>) target(%dma_start3A_7 : memref<128x128xf32, #tpu.memory_space<vmem>>) offsets(%dma_start3A_10 : memref<128xi32, #tpu.memory_space<vmem>>) semaphore(%arg7 : memref<!tpu.dma_semaphore, #tpu.memory_space<semaphore_mem>>)
    %dma_start3A_14 = arith.constant 1 : i32
    %dma_start3A_15 = arith.constant 1 : i32
    %dma_start3A_16 = arith.constant 0 : i32
    %dma_start3A_17 = arith.constant 0 : i32
    %dma_start3A_18 = tpu.memref_slice %arg6[%dma_start3A_15, %dma_start3A_16, %dma_start3A_17] : memref<4x128x128xf32, #tpu.memory_space<vmem>> -> memref<1x128x128xf32, #tpu.memory_space<vmem>>
    %dma_start3A_19 = tpu.memref_squeeze %dma_start3A_18 : memref<1x128x128xf32, #tpu.memory_space<vmem>> -> memref<128x128xf32, #tpu.memory_space<vmem>>
    %dma_start3A_20 = arith.constant 0 : i32
    %dma_start3A_21 = tpu.memref_slice %arg5[%dma_start3A_14, %dma_start3A_20] : memref<40x128xi32, #tpu.memory_space<vmem>> -> memref<1x128xi32, #tpu.memory_space<vmem>>
    %dma_start3A_22 = tpu.memref_squeeze %dma_start3A_21 : memref<1x128xi32, #tpu.memory_space<vmem>> -> memref<128xi32, #tpu.memory_space<vmem>>
    %dma_start3A_23 = arith.constant 0 : i32
    %dma_start3A_24 = arith.constant 0 : i32
    %dma_start3A_25 = tpu.memref_slice %arg2[%dma_start3A_23, %dma_start3A_24] : memref<10000x128xf32, #tpu.memory_space<hbm>> -> memref<10000x128xf32, #tpu.memory_space<hbm>>
    tpu.enqueue_indirect_dma source(%dma_start3A_25 : memref<10000x128xf32, #tpu.memory_space<hbm>>) target(%dma_start3A_19 : memref<128x128xf32, #tpu.memory_space<vmem>>) offsets(%dma_start3A_22 : memref<128xi32, #tpu.memory_space<vmem>>) semaphore(%arg8 : memref<!tpu.dma_semaphore, #tpu.memory_space<semaphore_mem>>)
    %dma_start3A_26 = arith.constant 2 : i32
    %dma_start3A_27 = arith.constant 2 : i32
    %dma_start3A_28 = arith.constant 0 : i32
    %dma_start3A_29 = arith.constant 0 : i32
    %dma_start3A_30 = tpu.memref_slice %arg6[%dma_start3A_27, %dma_start3A_28, %dma_start3A_29] : memref<4x128x128xf32, #tpu.memory_space<vmem>> -> memref<1x128x128xf32, #tpu.memory_space<vmem>>
    %dma_start3A_31 = tpu.memref_squeeze %dma_start3A_30 : memref<1x128x128xf32, #tpu.memory_space<vmem>> -> memref<128x128xf32, #tpu.memory_space<vmem>>
    %dma_start3A_32 = arith.constant 0 : i32
    %dma_start3A_33 = tpu.memref_slice %arg5[%dma_start3A_26, %dma_start3A_32] : memref<40x128xi32, #tpu.memory_space<vmem>> -> memref<1x128xi32, #tpu.memory_space<vmem>>
    %dma_start3A_34 = tpu.memref_squeeze %dma_start3A_33 : memref<1x128xi32, #tpu.memory_space<vmem>> -> memref<128xi32, #tpu.memory_space<vmem>>
    %dma_start3A_35 = arith.constant 0 : i32
    %dma_start3A_36 = arith.constant 0 : i32
    %dma_start3A_37 = tpu.memref_slice %arg2[%dma_start3A_35, %dma_start3A_36] : memref<10000x128xf32, #tpu.memory_space<hbm>> -> memref<10000x128xf32, #tpu.memory_space<hbm>>
    tpu.enqueue_indirect_dma source(%dma_start3A_37 : memref<10000x128xf32, #tpu.memory_space<hbm>>) target(%dma_start3A_31 : memref<128x128xf32, #tpu.memory_space<vmem>>) offsets(%dma_start3A_34 : memref<128xi32, #tpu.memory_space<vmem>>) semaphore(%arg9 : memref<!tpu.dma_semaphore, #tpu.memory_space<semaphore_mem>>)
    %dma_start3A_38 = arith.constant 3 : i32
    %dma_start3A_39 = arith.constant 3 : i32
    %dma_start3A_40 = arith.constant 0 : i32
    %dma_start3A_41 = arith.constant 0 : i32
    %dma_start3A_42 = tpu.memref_slice %arg6[%dma_start3A_39, %dma_start3A_40, %dma_start3A_41] : memref<4x128x128xf32, #tpu.memory_space<vmem>> -> memref<1x128x128xf32, #tpu.memory_space<vmem>>
    %dma_start3A_43 = tpu.memref_squeeze %dma_start3A_42 : memref<1x128x128xf32, #tpu.memory_space<vmem>> -> memref<128x128xf32, #tpu.memory_space<vmem>>
    %dma_start3A_44 = arith.constant 0 : i32
    %dma_start3A_45 = tpu.memref_slice %arg5[%dma_start3A_38, %dma_start3A_44] : memref<40x128xi32, #tpu.memory_space<vmem>> -> memref<1x128xi32, #tpu.memory_space<vmem>>
    %dma_start3A_46 = tpu.memref_squeeze %dma_start3A_45 : memref<1x128xi32, #tpu.memory_space<vmem>> -> memref<128xi32, #tpu.memory_space<vmem>>
    %dma_start3A_47 = arith.constant 0 : i32
    %dma_start3A_48 = arith.constant 0 : i32
    %dma_start3A_49 = tpu.memref_slice %arg2[%dma_start3A_47, %dma_start3A_48] : memref<10000x128xf32, #tpu.memory_space<hbm>> -> memref<10000x128xf32, #tpu.memory_space<hbm>>
    tpu.enqueue_indirect_dma source(%dma_start3A_49 : memref<10000x128xf32, #tpu.memory_space<hbm>>) target(%dma_start3A_43 : memref<128x128xf32, #tpu.memory_space<vmem>>) offsets(%dma_start3A_46 : memref<128xi32, #tpu.memory_space<vmem>>) semaphore(%arg10 : memref<!tpu.dma_semaphore, #tpu.memory_space<semaphore_mem>>)
    %scan3A = arith.constant 0 : i32
    %scan3A_50 = arith.constant 0 : i32
    %scan3A_51 = arith.constant 10 : i32
    %scan3A_52 = arith.addi %scan3A_50, %scan3A_51 : i32
    %scan3A_53 = arith.constant 1 : i32
    scf.for %scan3A_114 = %scan3A_50 to %scan3A_52 step %scan3A_53  : i32 {
      %mul3A_115 = arith.constant 4 : i32
      %mul3A_116 = arith.muli %scan3A_114, %mul3A_115 : i32
      %add3A_117 = arith.constant 0 : i32
      %add3A_118 = arith.addi %mul3A_116, %add3A_117 : i32
      %dma_wait3A_119 = arith.constant 0 : i32
      %dma_wait3A_120 = arith.constant 0 : i32
      %dma_wait3A_121 = arith.constant 0 : i32
      %dma_wait3A_122 = tpu.memref_slice %arg6[%dma_wait3A_119, %dma_wait3A_120, %dma_wait3A_121] : memref<4x128x128xf32, #tpu.memory_space<vmem>> -> memref<1x128x128xf32, #tpu.memory_space<vmem>>
      %dma_wait3A_123 = tpu.memref_squeeze %dma_wait3A_122 : memref<1x128x128xf32, #tpu.memory_space<vmem>> -> memref<128x128xf32, #tpu.memory_space<vmem>>
      %dma_wait3A_124 = arith.constant 0 : i32
      %dma_wait3A_125 = tpu.memref_slice %arg5[%add3A_118, %dma_wait3A_124] : memref<40x128xi32, #tpu.memory_space<vmem>> -> memref<1x128xi32, #tpu.memory_space<vmem>>
      %dma_wait3A_126 = tpu.memref_squeeze %dma_wait3A_125 : memref<1x128xi32, #tpu.memory_space<vmem>> -> memref<128xi32, #tpu.memory_space<vmem>>
      %dma_wait3A_127 = arith.constant 0 : i32
      %dma_wait3A_128 = arith.constant 0 : i32
      %dma_wait3A_129 = tpu.memref_slice %arg2[%dma_wait3A_127, %dma_wait3A_128] : memref<10000x128xf32, #tpu.memory_space<hbm>> -> memref<10000x128xf32, #tpu.memory_space<hbm>>
      tpu.wait_indirect_dma semaphore(%arg7 : memref<!tpu.dma_semaphore, #tpu.memory_space<semaphore_mem>>) src(%dma_wait3A_129 : memref<10000x128xf32, #tpu.memory_space<hbm>>) dst(%dma_wait3A_123 : memref<128x128xf32, #tpu.memory_space<vmem>>)
      %add3A_130 = arith.addi %mul3A_2, %add3A_118 : i32
      %mul3A_131 = arith.constant 128 : i32
      %mul3A_132 = arith.muli %add3A_130, %mul3A_131 : i32
      %dma_start3A_133 = arith.constant 0 : i32
      %dma_start3A_134 = arith.constant 0 : i32
      %dma_start3A_135 = arith.constant 0 : i32
      %dma_start3A_136 = tpu.memref_slice %arg6[%dma_start3A_133, %dma_start3A_134, %dma_start3A_135] : memref<4x128x128xf32, #tpu.memory_space<vmem>> -> memref<1x128x128xf32, #tpu.memory_space<vmem>>
      %dma_start3A_137 = tpu.memref_squeeze %dma_start3A_136 : memref<1x128x128xf32, #tpu.memory_space<vmem>> -> memref<128x128xf32, #tpu.memory_space<vmem>>
      %dma_start3A_138 = arith.constant 0 : i32
      %dma_start3A_139 = tpu.memref_slice %arg4[%mul3A_132, %dma_start3A_138] : memref<163840x128xf32, #tpu.memory_space<hbm>> -> memref<128x128xf32, #tpu.memory_space<hbm>>
      %dma_start3A_140 = arith.constant 0 : i32
      %dma_start3A_141 = tpu.memref_slice %arg4[%mul3A_132, %dma_start3A_140] : memref<163840x128xf32, #tpu.memory_space<hbm>> -> memref<128x128xf32, #tpu.memory_space<hbm>>
      %dma_start3A_142 = arith.constant 0 : i32
      %dma_start3A_143 = arith.constant 0 : i32
      %dma_start3A_144 = tpu.memref_slice %arg6[%dma_start3A_133, %dma_start3A_142, %dma_start3A_143] : memref<4x128x128xf32, #tpu.memory_space<vmem>> -> memref<1x128x128xf32, #tpu.memory_space<vmem>>
      %dma_start3A_145 = tpu.memref_squeeze %dma_start3A_144 : memref<1x128x128xf32, #tpu.memory_space<vmem>> -> memref<128x128xf32, #tpu.memory_space<vmem>>
      tpu.enqueue_dma source(%dma_start3A_145 : memref<128x128xf32, #tpu.memory_space<vmem>>) target(%dma_start3A_141 : memref<128x128xf32, #tpu.memory_space<hbm>>) target_semaphore(%arg11 : memref<!tpu.dma_semaphore, #tpu.memory_space<semaphore_mem>>)
      %add3A_146 = arith.constant 4 : i32
      %add3A_147 = arith.addi %add3A_118, %add3A_146 : i32
      %lt3A = arith.constant 40 : i32
      %lt3A_148 = arith.cmpi slt, %add3A_147, %lt3A : i32
      %convert_element_type3A = arith.extui %lt3A_148 : i1 to i32
      %cond3A = arith.constant 0 : i32
      %cond3A_149 = arith.cmpi ne, %convert_element_type3A, %cond3A : i32
      scf.if %cond3A_149 {
        %dma_wait3A_258 = arith.constant 0 : i32
        %dma_wait3A_259 = arith.constant 0 : i32
        %dma_wait3A_260 = arith.constant 0 : i32
        %dma_wait3A_261 = tpu.memref_slice %arg6[%dma_wait3A_258, %dma_wait3A_259, %dma_wait3A_260] : memref<4x128x128xf32, #tpu.memory_space<vmem>> -> memref<1x128x128xf32, #tpu.memory_space<vmem>>
        %dma_wait3A_262 = tpu.memref_squeeze %dma_wait3A_261 : memref<1x128x128xf32, #tpu.memory_space<vmem>> -> memref<128x128xf32, #tpu.memory_space<vmem>>
        %dma_wait3A_263 = arith.constant 0 : i32
        %dma_wait3A_264 = tpu.memref_slice %arg4[%mul3A_132, %dma_wait3A_263] : memref<163840x128xf32, #tpu.memory_space<hbm>> -> memref<128x128xf32, #tpu.memory_space<hbm>>
        %dma_wait3A_265 = arith.constant 0 : i32
        %dma_wait3A_266 = tpu.memref_slice %arg4[%mul3A_132, %dma_wait3A_265] : memref<163840x128xf32, #tpu.memory_space<hbm>> -> memref<128x128xf32, #tpu.memory_space<hbm>>
        %dma_wait3A_267 = arith.constant 0 : i32
        %dma_wait3A_268 = arith.constant 0 : i32
        %dma_wait3A_269 = tpu.memref_slice %arg6[%dma_wait3A_258, %dma_wait3A_267, %dma_wait3A_268] : memref<4x128x128xf32, #tpu.memory_space<vmem>> -> memref<1x128x128xf32, #tpu.memory_space<vmem>>
        %dma_wait3A_270 = tpu.memref_squeeze %dma_wait3A_269 : memref<1x128x128xf32, #tpu.memory_space<vmem>> -> memref<128x128xf32, #tpu.memory_space<vmem>>
        tpu.wait_dma2 semaphore(%arg11 : memref<!tpu.dma_semaphore, #tpu.memory_space<semaphore_mem>>) src(%dma_wait3A_270 : memref<128x128xf32, #tpu.memory_space<vmem>>) dst(%dma_wait3A_266 : memref<128x128xf32, #tpu.memory_space<hbm>>)
        %dma_start3A_271 = arith.constant 0 : i32
        %dma_start3A_272 = arith.constant 0 : i32
        %dma_start3A_273 = arith.constant 0 : i32
        %dma_start3A_274 = tpu.memref_slice %arg6[%dma_start3A_271, %dma_start3A_272, %dma_start3A_273] : memref<4x128x128xf32, #tpu.memory_space<vmem>> -> memref<1x128x128xf32, #tpu.memory_space<vmem>>
        %dma_start3A_275 = tpu.memref_squeeze %dma_start3A_274 : memref<1x128x128xf32, #tpu.memory_space<vmem>> -> memref<128x128xf32, #tpu.memory_space<vmem>>
        %dma_start3A_276 = arith.constant 0 : i32
        %dma_start3A_277 = tpu.memref_slice %arg5[%add3A_147, %dma_start3A_276] : memref<40x128xi32, #tpu.memory_space<vmem>> -> memref<1x128xi32, #tpu.memory_space<vmem>>
        %dma_start3A_278 = tpu.memref_squeeze %dma_start3A_277 : memref<1x128xi32, #tpu.memory_space<vmem>> -> memref<128xi32, #tpu.memory_space<vmem>>
        %dma_start3A_279 = arith.constant 0 : i32
        %dma_start3A_280 = arith.constant 0 : i32
        %dma_start3A_281 = tpu.memref_slice %arg2[%dma_start3A_279, %dma_start3A_280] : memref<10000x128xf32, #tpu.memory_space<hbm>> -> memref<10000x128xf32, #tpu.memory_space<hbm>>
        tpu.enqueue_indirect_dma source(%dma_start3A_281 : memref<10000x128xf32, #tpu.memory_space<hbm>>) target(%dma_start3A_275 : memref<128x128xf32, #tpu.memory_space<vmem>>) offsets(%dma_start3A_278 : memref<128xi32, #tpu.memory_space<vmem>>) semaphore(%arg7 : memref<!tpu.dma_semaphore, #tpu.memory_space<semaphore_mem>>)
      } else {
      }
      %add3A_150 = arith.constant 1 : i32
      %add3A_151 = arith.addi %mul3A_116, %add3A_150 : i32
      %dma_wait3A_152 = arith.constant 1 : i32
      %dma_wait3A_153 = arith.constant 0 : i32
      %dma_wait3A_154 = arith.constant 0 : i32
      %dma_wait3A_155 = tpu.memref_slice %arg6[%dma_wait3A_152, %dma_wait3A_153, %dma_wait3A_154] : memref<4x128x128xf32, #tpu.memory_space<vmem>> -> memref<1x128x128xf32, #tpu.memory_space<vmem>>
      %dma_wait3A_156 = tpu.memref_squeeze %dma_wait3A_155 : memref<1x128x128xf32, #tpu.memory_space<vmem>> -> memref<128x128xf32, #tpu.memory_space<vmem>>
      %dma_wait3A_157 = arith.constant 0 : i32
      %dma_wait3A_158 = tpu.memref_slice %arg5[%add3A_151, %dma_wait3A_157] : memref<40x128xi32, #tpu.memory_space<vmem>> -> memref<1x128xi32, #tpu.memory_space<vmem>>
      %dma_wait3A_159 = tpu.memref_squeeze %dma_wait3A_158 : memref<1x128xi32, #tpu.memory_space<vmem>> -> memref<128xi32, #tpu.memory_space<vmem>>
      %dma_wait3A_160 = arith.constant 0 : i32
      %dma_wait3A_161 = arith.constant 0 : i32
      %dma_wait3A_162 = tpu.memref_slice %arg2[%dma_wait3A_160, %dma_wait3A_161] : memref<10000x128xf32, #tpu.memory_space<hbm>> -> memref<10000x128xf32, #tpu.memory_space<hbm>>
      tpu.wait_indirect_dma semaphore(%arg8 : memref<!tpu.dma_semaphore, #tpu.memory_space<semaphore_mem>>) src(%dma_wait3A_162 : memref<10000x128xf32, #tpu.memory_space<hbm>>) dst(%dma_wait3A_156 : memref<128x128xf32, #tpu.memory_space<vmem>>)
      %add3A_163 = arith.addi %mul3A_2, %add3A_151 : i32
      %mul3A_164 = arith.constant 128 : i32
      %mul3A_165 = arith.muli %add3A_163, %mul3A_164 : i32
      %dma_start3A_166 = arith.constant 1 : i32
      %dma_start3A_167 = arith.constant 0 : i32
      %dma_start3A_168 = arith.constant 0 : i32
      %dma_start3A_169 = tpu.memref_slice %arg6[%dma_start3A_166, %dma_start3A_167, %dma_start3A_168] : memref<4x128x128xf32, #tpu.memory_space<vmem>> -> memref<1x128x128xf32, #tpu.memory_space<vmem>>
      %dma_start3A_170 = tpu.memref_squeeze %dma_start3A_169 : memref<1x128x128xf32, #tpu.memory_space<vmem>> -> memref<128x128xf32, #tpu.memory_space<vmem>>
      %dma_start3A_171 = arith.constant 0 : i32
      %dma_start3A_172 = tpu.memref_slice %arg4[%mul3A_165, %dma_start3A_171] : memref<163840x128xf32, #tpu.memory_space<hbm>> -> memref<128x128xf32, #tpu.memory_space<hbm>>
      %dma_start3A_173 = arith.constant 0 : i32
      %dma_start3A_174 = tpu.memref_slice %arg4[%mul3A_165, %dma_start3A_173] : memref<163840x128xf32, #tpu.memory_space<hbm>> -> memref<128x128xf32, #tpu.memory_space<hbm>>
      %dma_start3A_175 = arith.constant 0 : i32
      %dma_start3A_176 = arith.constant 0 : i32
      %dma_start3A_177 = tpu.memref_slice %arg6[%dma_start3A_166, %dma_start3A_175, %dma_start3A_176] : memref<4x128x128xf32, #tpu.memory_space<vmem>> -> memref<1x128x128xf32, #tpu.memory_space<vmem>>
      %dma_start3A_178 = tpu.memref_squeeze %dma_start3A_177 : memref<1x128x128xf32, #tpu.memory_space<vmem>> -> memref<128x128xf32, #tpu.memory_space<vmem>>
      tpu.enqueue_dma source(%dma_start3A_178 : memref<128x128xf32, #tpu.memory_space<vmem>>) target(%dma_start3A_174 : memref<128x128xf32, #tpu.memory_space<hbm>>) target_semaphore(%arg12 : memref<!tpu.dma_semaphore, #tpu.memory_space<semaphore_mem>>)
      %add3A_179 = arith.constant 4 : i32
      %add3A_180 = arith.addi %add3A_151, %add3A_179 : i32
      %lt3A_181 = arith.constant 40 : i32
      %lt3A_182 = arith.cmpi slt, %add3A_180, %lt3A_181 : i32
      %convert_element_type3A_183 = arith.extui %lt3A_182 : i1 to i32
      %cond3A_184 = arith.constant 0 : i32
      %cond3A_185 = arith.cmpi ne, %convert_element_type3A_183, %cond3A_184 : i32
      scf.if %cond3A_185 {
        %dma_wait3A_258 = arith.constant 1 : i32
        %dma_wait3A_259 = arith.constant 0 : i32
        %dma_wait3A_260 = arith.constant 0 : i32
        %dma_wait3A_261 = tpu.memref_slice %arg6[%dma_wait3A_258, %dma_wait3A_259, %dma_wait3A_260] : memref<4x128x128xf32, #tpu.memory_space<vmem>> -> memref<1x128x128xf32, #tpu.memory_space<vmem>>
        %dma_wait3A_262 = tpu.memref_squeeze %dma_wait3A_261 : memref<1x128x128xf32, #tpu.memory_space<vmem>> -> memref<128x128xf32, #tpu.memory_space<vmem>>
        %dma_wait3A_263 = arith.constant 0 : i32
        %dma_wait3A_264 = tpu.memref_slice %arg4[%mul3A_165, %dma_wait3A_263] : memref<163840x128xf32, #tpu.memory_space<hbm>> -> memref<128x128xf32, #tpu.memory_space<hbm>>
        %dma_wait3A_265 = arith.constant 0 : i32
        %dma_wait3A_266 = tpu.memref_slice %arg4[%mul3A_165, %dma_wait3A_265] : memref<163840x128xf32, #tpu.memory_space<hbm>> -> memref<128x128xf32, #tpu.memory_space<hbm>>
        %dma_wait3A_267 = arith.constant 0 : i32
        %dma_wait3A_268 = arith.constant 0 : i32
        %dma_wait3A_269 = tpu.memref_slice %arg6[%dma_wait3A_258, %dma_wait3A_267, %dma_wait3A_268] : memref<4x128x128xf32, #tpu.memory_space<vmem>> -> memref<1x128x128xf32, #tpu.memory_space<vmem>>
        %dma_wait3A_270 = tpu.memref_squeeze %dma_wait3A_269 : memref<1x128x128xf32, #tpu.memory_space<vmem>> -> memref<128x128xf32, #tpu.memory_space<vmem>>
        tpu.wait_dma2 semaphore(%arg12 : memref<!tpu.dma_semaphore, #tpu.memory_space<semaphore_mem>>) src(%dma_wait3A_270 : memref<128x128xf32, #tpu.memory_space<vmem>>) dst(%dma_wait3A_266 : memref<128x128xf32, #tpu.memory_space<hbm>>)
        %dma_start3A_271 = arith.constant 1 : i32
        %dma_start3A_272 = arith.constant 0 : i32
        %dma_start3A_273 = arith.constant 0 : i32
        %dma_start3A_274 = tpu.memref_slice %arg6[%dma_start3A_271, %dma_start3A_272, %dma_start3A_273] : memref<4x128x128xf32, #tpu.memory_space<vmem>> -> memref<1x128x128xf32, #tpu.memory_space<vmem>>
        %dma_start3A_275 = tpu.memref_squeeze %dma_start3A_274 : memref<1x128x128xf32, #tpu.memory_space<vmem>> -> memref<128x128xf32, #tpu.memory_space<vmem>>
        %dma_start3A_276 = arith.constant 0 : i32
        %dma_start3A_277 = tpu.memref_slice %arg5[%add3A_180, %dma_start3A_276] : memref<40x128xi32, #tpu.memory_space<vmem>> -> memref<1x128xi32, #tpu.memory_space<vmem>>
        %dma_start3A_278 = tpu.memref_squeeze %dma_start3A_277 : memref<1x128xi32, #tpu.memory_space<vmem>> -> memref<128xi32, #tpu.memory_space<vmem>>
        %dma_start3A_279 = arith.constant 0 : i32
        %dma_start3A_280 = arith.constant 0 : i32
        %dma_start3A_281 = tpu.memref_slice %arg2[%dma_start3A_279, %dma_start3A_280] : memref<10000x128xf32, #tpu.memory_space<hbm>> -> memref<10000x128xf32, #tpu.memory_space<hbm>>
        tpu.enqueue_indirect_dma source(%dma_start3A_281 : memref<10000x128xf32, #tpu.memory_space<hbm>>) target(%dma_start3A_275 : memref<128x128xf32, #tpu.memory_space<vmem>>) offsets(%dma_start3A_278 : memref<128xi32, #tpu.memory_space<vmem>>) semaphore(%arg8 : memref<!tpu.dma_semaphore, #tpu.memory_space<semaphore_mem>>)
      } else {
      }
      %add3A_186 = arith.constant 2 : i32
      %add3A_187 = arith.addi %mul3A_116, %add3A_186 : i32
      %dma_wait3A_188 = arith.constant 2 : i32
      %dma_wait3A_189 = arith.constant 0 : i32
      %dma_wait3A_190 = arith.constant 0 : i32
      %dma_wait3A_191 = tpu.memref_slice %arg6[%dma_wait3A_188, %dma_wait3A_189, %dma_wait3A_190] : memref<4x128x128xf32, #tpu.memory_space<vmem>> -> memref<1x128x128xf32, #tpu.memory_space<vmem>>
      %dma_wait3A_192 = tpu.memref_squeeze %dma_wait3A_191 : memref<1x128x128xf32, #tpu.memory_space<vmem>> -> memref<128x128xf32, #tpu.memory_space<vmem>>
      %dma_wait3A_193 = arith.constant 0 : i32
      %dma_wait3A_194 = tpu.memref_slice %arg5[%add3A_187, %dma_wait3A_193] : memref<40x128xi32, #tpu.memory_space<vmem>> -> memref<1x128xi32, #tpu.memory_space<vmem>>
      %dma_wait3A_195 = tpu.memref_squeeze %dma_wait3A_194 : memref<1x128xi32, #tpu.memory_space<vmem>> -> memref<128xi32, #tpu.memory_space<vmem>>
      %dma_wait3A_196 = arith.constant 0 : i32
      %dma_wait3A_197 = arith.constant 0 : i32
      %dma_wait3A_198 = tpu.memref_slice %arg2[%dma_wait3A_196, %dma_wait3A_197] : memref<10000x128xf32, #tpu.memory_space<hbm>> -> memref<10000x128xf32, #tpu.memory_space<hbm>>
      tpu.wait_indirect_dma semaphore(%arg9 : memref<!tpu.dma_semaphore, #tpu.memory_space<semaphore_mem>>) src(%dma_wait3A_198 : memref<10000x128xf32, #tpu.memory_space<hbm>>) dst(%dma_wait3A_192 : memref<128x128xf32, #tpu.memory_space<vmem>>)
      %add3A_199 = arith.addi %mul3A_2, %add3A_187 : i32
      %mul3A_200 = arith.constant 128 : i32
      %mul3A_201 = arith.muli %add3A_199, %mul3A_200 : i32
      %dma_start3A_202 = arith.constant 2 : i32
      %dma_start3A_203 = arith.constant 0 : i32
      %dma_start3A_204 = arith.constant 0 : i32
      %dma_start3A_205 = tpu.memref_slice %arg6[%dma_start3A_202, %dma_start3A_203, %dma_start3A_204] : memref<4x128x128xf32, #tpu.memory_space<vmem>> -> memref<1x128x128xf32, #tpu.memory_space<vmem>>
      %dma_start3A_206 = tpu.memref_squeeze %dma_start3A_205 : memref<1x128x128xf32, #tpu.memory_space<vmem>> -> memref<128x128xf32, #tpu.memory_space<vmem>>
      %dma_start3A_207 = arith.constant 0 : i32
      %dma_start3A_208 = tpu.memref_slice %arg4[%mul3A_201, %dma_start3A_207] : memref<163840x128xf32, #tpu.memory_space<hbm>> -> memref<128x128xf32, #tpu.memory_space<hbm>>
      %dma_start3A_209 = arith.constant 0 : i32
      %dma_start3A_210 = tpu.memref_slice %arg4[%mul3A_201, %dma_start3A_209] : memref<163840x128xf32, #tpu.memory_space<hbm>> -> memref<128x128xf32, #tpu.memory_space<hbm>>
      %dma_start3A_211 = arith.constant 0 : i32
      %dma_start3A_212 = arith.constant 0 : i32
      %dma_start3A_213 = tpu.memref_slice %arg6[%dma_start3A_202, %dma_start3A_211, %dma_start3A_212] : memref<4x128x128xf32, #tpu.memory_space<vmem>> -> memref<1x128x128xf32, #tpu.memory_space<vmem>>
      %dma_start3A_214 = tpu.memref_squeeze %dma_start3A_213 : memref<1x128x128xf32, #tpu.memory_space<vmem>> -> memref<128x128xf32, #tpu.memory_space<vmem>>
      tpu.enqueue_dma source(%dma_start3A_214 : memref<128x128xf32, #tpu.memory_space<vmem>>) target(%dma_start3A_210 : memref<128x128xf32, #tpu.memory_space<hbm>>) target_semaphore(%arg13 : memref<!tpu.dma_semaphore, #tpu.memory_space<semaphore_mem>>)
      %add3A_215 = arith.constant 4 : i32
      %add3A_216 = arith.addi %add3A_187, %add3A_215 : i32
      %lt3A_217 = arith.constant 40 : i32
      %lt3A_218 = arith.cmpi slt, %add3A_216, %lt3A_217 : i32
      %convert_element_type3A_219 = arith.extui %lt3A_218 : i1 to i32
      %cond3A_220 = arith.constant 0 : i32
      %cond3A_221 = arith.cmpi ne, %convert_element_type3A_219, %cond3A_220 : i32
      scf.if %cond3A_221 {
        %dma_wait3A_258 = arith.constant 2 : i32
        %dma_wait3A_259 = arith.constant 0 : i32
        %dma_wait3A_260 = arith.constant 0 : i32
        %dma_wait3A_261 = tpu.memref_slice %arg6[%dma_wait3A_258, %dma_wait3A_259, %dma_wait3A_260] : memref<4x128x128xf32, #tpu.memory_space<vmem>> -> memref<1x128x128xf32, #tpu.memory_space<vmem>>
        %dma_wait3A_262 = tpu.memref_squeeze %dma_wait3A_261 : memref<1x128x128xf32, #tpu.memory_space<vmem>> -> memref<128x128xf32, #tpu.memory_space<vmem>>
        %dma_wait3A_263 = arith.constant 0 : i32
        %dma_wait3A_264 = tpu.memref_slice %arg4[%mul3A_201, %dma_wait3A_263] : memref<163840x128xf32, #tpu.memory_space<hbm>> -> memref<128x128xf32, #tpu.memory_space<hbm>>
        %dma_wait3A_265 = arith.constant 0 : i32
        %dma_wait3A_266 = tpu.memref_slice %arg4[%mul3A_201, %dma_wait3A_265] : memref<163840x128xf32, #tpu.memory_space<hbm>> -> memref<128x128xf32, #tpu.memory_space<hbm>>
        %dma_wait3A_267 = arith.constant 0 : i32
        %dma_wait3A_268 = arith.constant 0 : i32
        %dma_wait3A_269 = tpu.memref_slice %arg6[%dma_wait3A_258, %dma_wait3A_267, %dma_wait3A_268] : memref<4x128x128xf32, #tpu.memory_space<vmem>> -> memref<1x128x128xf32, #tpu.memory_space<vmem>>
        %dma_wait3A_270 = tpu.memref_squeeze %dma_wait3A_269 : memref<1x128x128xf32, #tpu.memory_space<vmem>> -> memref<128x128xf32, #tpu.memory_space<vmem>>
        tpu.wait_dma2 semaphore(%arg13 : memref<!tpu.dma_semaphore, #tpu.memory_space<semaphore_mem>>) src(%dma_wait3A_270 : memref<128x128xf32, #tpu.memory_space<vmem>>) dst(%dma_wait3A_266 : memref<128x128xf32, #tpu.memory_space<hbm>>)
        %dma_start3A_271 = arith.constant 2 : i32
        %dma_start3A_272 = arith.constant 0 : i32
        %dma_start3A_273 = arith.constant 0 : i32
        %dma_start3A_274 = tpu.memref_slice %arg6[%dma_start3A_271, %dma_start3A_272, %dma_start3A_273] : memref<4x128x128xf32, #tpu.memory_space<vmem>> -> memref<1x128x128xf32, #tpu.memory_space<vmem>>
        %dma_start3A_275 = tpu.memref_squeeze %dma_start3A_274 : memref<1x128x128xf32, #tpu.memory_space<vmem>> -> memref<128x128xf32, #tpu.memory_space<vmem>>
        %dma_start3A_276 = arith.constant 0 : i32
        %dma_start3A_277 = tpu.memref_slice %arg5[%add3A_216, %dma_start3A_276] : memref<40x128xi32, #tpu.memory_space<vmem>> -> memref<1x128xi32, #tpu.memory_space<vmem>>
        %dma_start3A_278 = tpu.memref_squeeze %dma_start3A_277 : memref<1x128xi32, #tpu.memory_space<vmem>> -> memref<128xi32, #tpu.memory_space<vmem>>
        %dma_start3A_279 = arith.constant 0 : i32
        %dma_start3A_280 = arith.constant 0 : i32
        %dma_start3A_281 = tpu.memref_slice %arg2[%dma_start3A_279, %dma_start3A_280] : memref<10000x128xf32, #tpu.memory_space<hbm>> -> memref<10000x128xf32, #tpu.memory_space<hbm>>
        tpu.enqueue_indirect_dma source(%dma_start3A_281 : memref<10000x128xf32, #tpu.memory_space<hbm>>) target(%dma_start3A_275 : memref<128x128xf32, #tpu.memory_space<vmem>>) offsets(%dma_start3A_278 : memref<128xi32, #tpu.memory_space<vmem>>) semaphore(%arg9 : memref<!tpu.dma_semaphore, #tpu.memory_space<semaphore_mem>>)
      } else {
      }
      %add3A_222 = arith.constant 3 : i32
      %add3A_223 = arith.addi %mul3A_116, %add3A_222 : i32
      %dma_wait3A_224 = arith.constant 3 : i32
      %dma_wait3A_225 = arith.constant 0 : i32
      %dma_wait3A_226 = arith.constant 0 : i32
      %dma_wait3A_227 = tpu.memref_slice %arg6[%dma_wait3A_224, %dma_wait3A_225, %dma_wait3A_226] : memref<4x128x128xf32, #tpu.memory_space<vmem>> -> memref<1x128x128xf32, #tpu.memory_space<vmem>>
      %dma_wait3A_228 = tpu.memref_squeeze %dma_wait3A_227 : memref<1x128x128xf32, #tpu.memory_space<vmem>> -> memref<128x128xf32, #tpu.memory_space<vmem>>
      %dma_wait3A_229 = arith.constant 0 : i32
      %dma_wait3A_230 = tpu.memref_slice %arg5[%add3A_223, %dma_wait3A_229] : memref<40x128xi32, #tpu.memory_space<vmem>> -> memref<1x128xi32, #tpu.memory_space<vmem>>
      %dma_wait3A_231 = tpu.memref_squeeze %dma_wait3A_230 : memref<1x128xi32, #tpu.memory_space<vmem>> -> memref<128xi32, #tpu.memory_space<vmem>>
      %dma_wait3A_232 = arith.constant 0 : i32
      %dma_wait3A_233 = arith.constant 0 : i32
      %dma_wait3A_234 = tpu.memref_slice %arg2[%dma_wait3A_232, %dma_wait3A_233] : memref<10000x128xf32, #tpu.memory_space<hbm>> -> memref<10000x128xf32, #tpu.memory_space<hbm>>
      tpu.wait_indirect_dma semaphore(%arg10 : memref<!tpu.dma_semaphore, #tpu.memory_space<semaphore_mem>>) src(%dma_wait3A_234 : memref<10000x128xf32, #tpu.memory_space<hbm>>) dst(%dma_wait3A_228 : memref<128x128xf32, #tpu.memory_space<vmem>>)
      %add3A_235 = arith.addi %mul3A_2, %add3A_223 : i32
      %mul3A_236 = arith.constant 128 : i32
      %mul3A_237 = arith.muli %add3A_235, %mul3A_236 : i32
      %dma_start3A_238 = arith.constant 3 : i32
      %dma_start3A_239 = arith.constant 0 : i32
      %dma_start3A_240 = arith.constant 0 : i32
      %dma_start3A_241 = tpu.memref_slice %arg6[%dma_start3A_238, %dma_start3A_239, %dma_start3A_240] : memref<4x128x128xf32, #tpu.memory_space<vmem>> -> memref<1x128x128xf32, #tpu.memory_space<vmem>>
      %dma_start3A_242 = tpu.memref_squeeze %dma_start3A_241 : memref<1x128x128xf32, #tpu.memory_space<vmem>> -> memref<128x128xf32, #tpu.memory_space<vmem>>
      %dma_start3A_243 = arith.constant 0 : i32
      %dma_start3A_244 = tpu.memref_slice %arg4[%mul3A_237, %dma_start3A_243] : memref<163840x128xf32, #tpu.memory_space<hbm>> -> memref<128x128xf32, #tpu.memory_space<hbm>>
      %dma_start3A_245 = arith.constant 0 : i32
      %dma_start3A_246 = tpu.memref_slice %arg4[%mul3A_237, %dma_start3A_245] : memref<163840x128xf32, #tpu.memory_space<hbm>> -> memref<128x128xf32, #tpu.memory_space<hbm>>
      %dma_start3A_247 = arith.constant 0 : i32
      %dma_start3A_248 = arith.constant 0 : i32
      %dma_start3A_249 = tpu.memref_slice %arg6[%dma_start3A_238, %dma_start3A_247, %dma_start3A_248] : memref<4x128x128xf32, #tpu.memory_space<vmem>> -> memref<1x128x128xf32, #tpu.memory_space<vmem>>
      %dma_start3A_250 = tpu.memref_squeeze %dma_start3A_249 : memref<1x128x128xf32, #tpu.memory_space<vmem>> -> memref<128x128xf32, #tpu.memory_space<vmem>>
      tpu.enqueue_dma source(%dma_start3A_250 : memref<128x128xf32, #tpu.memory_space<vmem>>) target(%dma_start3A_246 : memref<128x128xf32, #tpu.memory_space<hbm>>) target_semaphore(%arg14 : memref<!tpu.dma_semaphore, #tpu.memory_space<semaphore_mem>>)
      %add3A_251 = arith.constant 4 : i32
      %add3A_252 = arith.addi %add3A_223, %add3A_251 : i32
      %lt3A_253 = arith.constant 40 : i32
      %lt3A_254 = arith.cmpi slt, %add3A_252, %lt3A_253 : i32
      %convert_element_type3A_255 = arith.extui %lt3A_254 : i1 to i32
      %cond3A_256 = arith.constant 0 : i32
      %cond3A_257 = arith.cmpi ne, %convert_element_type3A_255, %cond3A_256 : i32
      scf.if %cond3A_257 {
        %dma_wait3A_258 = arith.constant 3 : i32
        %dma_wait3A_259 = arith.constant 0 : i32
        %dma_wait3A_260 = arith.constant 0 : i32
        %dma_wait3A_261 = tpu.memref_slice %arg6[%dma_wait3A_258, %dma_wait3A_259, %dma_wait3A_260] : memref<4x128x128xf32, #tpu.memory_space<vmem>> -> memref<1x128x128xf32, #tpu.memory_space<vmem>>
        %dma_wait3A_262 = tpu.memref_squeeze %dma_wait3A_261 : memref<1x128x128xf32, #tpu.memory_space<vmem>> -> memref<128x128xf32, #tpu.memory_space<vmem>>
        %dma_wait3A_263 = arith.constant 0 : i32
        %dma_wait3A_264 = tpu.memref_slice %arg4[%mul3A_237, %dma_wait3A_263] : memref<163840x128xf32, #tpu.memory_space<hbm>> -> memref<128x128xf32, #tpu.memory_space<hbm>>
        %dma_wait3A_265 = arith.constant 0 : i32
        %dma_wait3A_266 = tpu.memref_slice %arg4[%mul3A_237, %dma_wait3A_265] : memref<163840x128xf32, #tpu.memory_space<hbm>> -> memref<128x128xf32, #tpu.memory_space<hbm>>
        %dma_wait3A_267 = arith.constant 0 : i32
        %dma_wait3A_268 = arith.constant 0 : i32
        %dma_wait3A_269 = tpu.memref_slice %arg6[%dma_wait3A_258, %dma_wait3A_267, %dma_wait3A_268] : memref<4x128x128xf32, #tpu.memory_space<vmem>> -> memref<1x128x128xf32, #tpu.memory_space<vmem>>
        %dma_wait3A_270 = tpu.memref_squeeze %dma_wait3A_269 : memref<1x128x128xf32, #tpu.memory_space<vmem>> -> memref<128x128xf32, #tpu.memory_space<vmem>>
        tpu.wait_dma2 semaphore(%arg14 : memref<!tpu.dma_semaphore, #tpu.memory_space<semaphore_mem>>) src(%dma_wait3A_270 : memref<128x128xf32, #tpu.memory_space<vmem>>) dst(%dma_wait3A_266 : memref<128x128xf32, #tpu.memory_space<hbm>>)
        %dma_start3A_271 = arith.constant 3 : i32
        %dma_start3A_272 = arith.constant 0 : i32
        %dma_start3A_273 = arith.constant 0 : i32
        %dma_start3A_274 = tpu.memref_slice %arg6[%dma_start3A_271, %dma_start3A_272, %dma_start3A_273] : memref<4x128x128xf32, #tpu.memory_space<vmem>> -> memref<1x128x128xf32, #tpu.memory_space<vmem>>
        %dma_start3A_275 = tpu.memref_squeeze %dma_start3A_274 : memref<1x128x128xf32, #tpu.memory_space<vmem>> -> memref<128x128xf32, #tpu.memory_space<vmem>>
        %dma_start3A_276 = arith.constant 0 : i32
        %dma_start3A_277 = tpu.memref_slice %arg5[%add3A_252, %dma_start3A_276] : memref<40x128xi32, #tpu.memory_space<vmem>> -> memref<1x128xi32, #tpu.memory_space<vmem>>
        %dma_start3A_278 = tpu.memref_squeeze %dma_start3A_277 : memref<1x128xi32, #tpu.memory_space<vmem>> -> memref<128xi32, #tpu.memory_space<vmem>>
        %dma_start3A_279 = arith.constant 0 : i32
        %dma_start3A_280 = arith.constant 0 : i32
        %dma_start3A_281 = tpu.memref_slice %arg2[%dma_start3A_279, %dma_start3A_280] : memref<10000x128xf32, #tpu.memory_space<hbm>> -> memref<10000x128xf32, #tpu.memory_space<hbm>>
        tpu.enqueue_indirect_dma source(%dma_start3A_281 : memref<10000x128xf32, #tpu.memory_space<hbm>>) target(%dma_start3A_275 : memref<128x128xf32, #tpu.memory_space<vmem>>) offsets(%dma_start3A_278 : memref<128xi32, #tpu.memory_space<vmem>>) semaphore(%arg10 : memref<!tpu.dma_semaphore, #tpu.memory_space<semaphore_mem>>)
      } else {
      }
    }
    %scan3A_54 = arith.constant 10 : i32
    %mul3A_55 = arith.constant 128 : i32
    %mul3A_56 = arith.muli %mul3A_2, %mul3A_55 : i32
    %dma_wait3A = arith.constant 0 : i32
    %dma_wait3A_57 = arith.constant 0 : i32
    %dma_wait3A_58 = arith.constant 0 : i32
    %dma_wait3A_59 = tpu.memref_slice %arg6[%dma_wait3A, %dma_wait3A_57, %dma_wait3A_58] : memref<4x128x128xf32, #tpu.memory_space<vmem>> -> memref<1x128x128xf32, #tpu.memory_space<vmem>>
    %dma_wait3A_60 = tpu.memref_squeeze %dma_wait3A_59 : memref<1x128x128xf32, #tpu.memory_space<vmem>> -> memref<128x128xf32, #tpu.memory_space<vmem>>
    %dma_wait3A_61 = arith.constant 0 : i32
    %dma_wait3A_62 = tpu.memref_slice %arg4[%mul3A_56, %dma_wait3A_61] : memref<163840x128xf32, #tpu.memory_space<hbm>> -> memref<128x128xf32, #tpu.memory_space<hbm>>
    %dma_wait3A_63 = arith.constant 0 : i32
    %dma_wait3A_64 = tpu.memref_slice %arg4[%mul3A_56, %dma_wait3A_63] : memref<163840x128xf32, #tpu.memory_space<hbm>> -> memref<128x128xf32, #tpu.memory_space<hbm>>
    %dma_wait3A_65 = arith.constant 0 : i32
    %dma_wait3A_66 = arith.constant 0 : i32
    %dma_wait3A_67 = tpu.memref_slice %arg6[%dma_wait3A, %dma_wait3A_65, %dma_wait3A_66] : memref<4x128x128xf32, #tpu.memory_space<vmem>> -> memref<1x128x128xf32, #tpu.memory_space<vmem>>
    %dma_wait3A_68 = tpu.memref_squeeze %dma_wait3A_67 : memref<1x128x128xf32, #tpu.memory_space<vmem>> -> memref<128x128xf32, #tpu.memory_space<vmem>>
    tpu.wait_dma2 semaphore(%arg11 : memref<!tpu.dma_semaphore, #tpu.memory_space<semaphore_mem>>) src(%dma_wait3A_68 : memref<128x128xf32, #tpu.memory_space<vmem>>) dst(%dma_wait3A_64 : memref<128x128xf32, #tpu.memory_space<hbm>>)
    %mul3A_69 = arith.constant 128 : i32
    %mul3A_70 = arith.muli %mul3A_2, %mul3A_69 : i32
    %dma_wait3A_71 = arith.constant 1 : i32
    %dma_wait3A_72 = arith.constant 0 : i32
    %dma_wait3A_73 = arith.constant 0 : i32
    %dma_wait3A_74 = tpu.memref_slice %arg6[%dma_wait3A_71, %dma_wait3A_72, %dma_wait3A_73] : memref<4x128x128xf32, #tpu.memory_space<vmem>> -> memref<1x128x128xf32, #tpu.memory_space<vmem>>
    %dma_wait3A_75 = tpu.memref_squeeze %dma_wait3A_74 : memref<1x128x128xf32, #tpu.memory_space<vmem>> -> memref<128x128xf32, #tpu.memory_space<vmem>>
    %dma_wait3A_76 = arith.constant 0 : i32
    %dma_wait3A_77 = tpu.memref_slice %arg4[%mul3A_70, %dma_wait3A_76] : memref<163840x128xf32, #tpu.memory_space<hbm>> -> memref<128x128xf32, #tpu.memory_space<hbm>>
    %dma_wait3A_78 = arith.constant 0 : i32
    %dma_wait3A_79 = tpu.memref_slice %arg4[%mul3A_70, %dma_wait3A_78] : memref<163840x128xf32, #tpu.memory_space<hbm>> -> memref<128x128xf32, #tpu.memory_space<hbm>>
    %dma_wait3A_80 = arith.constant 0 : i32
    %dma_wait3A_81 = arith.constant 0 : i32
    %dma_wait3A_82 = tpu.memref_slice %arg6[%dma_wait3A_71, %dma_wait3A_80, %dma_wait3A_81] : memref<4x128x128xf32, #tpu.memory_space<vmem>> -> memref<1x128x128xf32, #tpu.memory_space<vmem>>
    %dma_wait3A_83 = tpu.memref_squeeze %dma_wait3A_82 : memref<1x128x128xf32, #tpu.memory_space<vmem>> -> memref<128x128xf32, #tpu.memory_space<vmem>>
    tpu.wait_dma2 semaphore(%arg12 : memref<!tpu.dma_semaphore, #tpu.memory_space<semaphore_mem>>) src(%dma_wait3A_83 : memref<128x128xf32, #tpu.memory_space<vmem>>) dst(%dma_wait3A_79 : memref<128x128xf32, #tpu.memory_space<hbm>>)
    %mul3A_84 = arith.constant 128 : i32
    %mul3A_85 = arith.muli %mul3A_2, %mul3A_84 : i32
    %dma_wait3A_86 = arith.constant 2 : i32
    %dma_wait3A_87 = arith.constant 0 : i32
    %dma_wait3A_88 = arith.constant 0 : i32
    %dma_wait3A_89 = tpu.memref_slice %arg6[%dma_wait3A_86, %dma_wait3A_87, %dma_wait3A_88] : memref<4x128x128xf32, #tpu.memory_space<vmem>> -> memref<1x128x128xf32, #tpu.memory_space<vmem>>
    %dma_wait3A_90 = tpu.memref_squeeze %dma_wait3A_89 : memref<1x128x128xf32, #tpu.memory_space<vmem>> -> memref<128x128xf32, #tpu.memory_space<vmem>>
    %dma_wait3A_91 = arith.constant 0 : i32
    %dma_wait3A_92 = tpu.memref_slice %arg4[%mul3A_85, %dma_wait3A_91] : memref<163840x128xf32, #tpu.memory_space<hbm>> -> memref<128x128xf32, #tpu.memory_space<hbm>>
    %dma_wait3A_93 = arith.constant 0 : i32
    %dma_wait3A_94 = tpu.memref_slice %arg4[%mul3A_85, %dma_wait3A_93] : memref<163840x128xf32, #tpu.memory_space<hbm>> -> memref<128x128xf32, #tpu.memory_space<hbm>>
    %dma_wait3A_95 = arith.constant 0 : i32
    %dma_wait3A_96 = arith.constant 0 : i32
    %dma_wait3A_97 = tpu.memref_slice %arg6[%dma_wait3A_86, %dma_wait3A_95, %dma_wait3A_96] : memref<4x128x128xf32, #tpu.memory_space<vmem>> -> memref<1x128x128xf32, #tpu.memory_space<vmem>>
    %dma_wait3A_98 = tpu.memref_squeeze %dma_wait3A_97 : memref<1x128x128xf32, #tpu.memory_space<vmem>> -> memref<128x128xf32, #tpu.memory_space<vmem>>
    tpu.wait_dma2 semaphore(%arg13 : memref<!tpu.dma_semaphore, #tpu.memory_space<semaphore_mem>>) src(%dma_wait3A_98 : memref<128x128xf32, #tpu.memory_space<vmem>>) dst(%dma_wait3A_94 : memref<128x128xf32, #tpu.memory_space<hbm>>)
    %mul3A_99 = arith.constant 128 : i32
    %mul3A_100 = arith.muli %mul3A_2, %mul3A_99 : i32
    %dma_wait3A_101 = arith.constant 3 : i32
    %dma_wait3A_102 = arith.constant 0 : i32
    %dma_wait3A_103 = arith.constant 0 : i32
    %dma_wait3A_104 = tpu.memref_slice %arg6[%dma_wait3A_101, %dma_wait3A_102, %dma_wait3A_103] : memref<4x128x128xf32, #tpu.memory_space<vmem>> -> memref<1x128x128xf32, #tpu.memory_space<vmem>>
    %dma_wait3A_105 = tpu.memref_squeeze %dma_wait3A_104 : memref<1x128x128xf32, #tpu.memory_space<vmem>> -> memref<128x128xf32, #tpu.memory_space<vmem>>
    %dma_wait3A_106 = arith.constant 0 : i32
    %dma_wait3A_107 = tpu.memref_slice %arg4[%mul3A_100, %dma_wait3A_106] : memref<163840x128xf32, #tpu.memory_space<hbm>> -> memref<128x128xf32, #tpu.memory_space<hbm>>
    %dma_wait3A_108 = arith.constant 0 : i32
    %dma_wait3A_109 = tpu.memref_slice %arg4[%mul3A_100, %dma_wait3A_108] : memref<163840x128xf32, #tpu.memory_space<hbm>> -> memref<128x128xf32, #tpu.memory_space<hbm>>
    %dma_wait3A_110 = arith.constant 0 : i32
    %dma_wait3A_111 = arith.constant 0 : i32
    %dma_wait3A_112 = tpu.memref_slice %arg6[%dma_wait3A_101, %dma_wait3A_110, %dma_wait3A_111] : memref<4x128x128xf32, #tpu.memory_space<vmem>> -> memref<1x128x128xf32, #tpu.memory_space<vmem>>
    %dma_wait3A_113 = tpu.memref_squeeze %dma_wait3A_112 : memref<1x128x128xf32, #tpu.memory_space<vmem>> -> memref<128x128xf32, #tpu.memory_space<vmem>>
    tpu.wait_dma2 semaphore(%arg14 : memref<!tpu.dma_semaphore, #tpu.memory_space<semaphore_mem>>) src(%dma_wait3A_113 : memref<128x128xf32, #tpu.memory_space<vmem>>) dst(%dma_wait3A_109 : memref<128x128xf32, #tpu.memory_space<hbm>>)
    return
  }
}

#map = affine_map<(d0, d1) -> (0)>
#map1 = affine_map<(d0, d1) -> (0, 0, 0)>
#map2 = affine_map<(d0, d1) -> (0, 0)>
module attributes {stable_mosaic.version = 14 : i64} {
  func.func @coord_kernel(%arg0: i32, %arg1: i32, %arg2: memref<10000xf32, #tpu.memory_space<hbm>>, %arg3: memref<10000xf32, #tpu.memory_space<hbm>>, %arg4: memref<10000xf32, #tpu.memory_space<hbm>>, %arg5: memref<32x40x128xi32, #tpu.memory_space<hbm>>, %arg6: memref<10240x16xf32, #tpu.memory_space<hbm>>, %arg7: memref<10240x16xf32, #tpu.memory_space<hbm>>, %arg8: memref<10240x16xf32, #tpu.memory_space<hbm>>, %arg9: memref<40x128xi32, #tpu.memory_space<vmem>>, %arg10: memref<10000xf32, #tpu.memory_space<vmem>>, %arg11: memref<10000xf32, #tpu.memory_space<vmem>>, %arg12: memref<10000xf32, #tpu.memory_space<vmem>>, %arg13: memref<2x8x16xf32, #tpu.memory_space<vmem>>, %arg14: memref<2x8x16xf32, #tpu.memory_space<vmem>>, %arg15: memref<2x8x16xf32, #tpu.memory_space<vmem>>, %arg16: memref<!tpu.dma_semaphore, #tpu.memory_space<semaphore_mem>>, %arg17: memref<!tpu.dma_semaphore, #tpu.memory_space<semaphore_mem>>) attributes {dimension_semantics = [#tpu.dimension_semantics<core_parallel>, #tpu.dimension_semantics<subcore_parallel>], iteration_bounds = array<i64: 2, 16>, scalar_prefetch = 0 : i64, scratch_operands = 9 : i64, tpu.core_type = #tpu.core_type<sc_vector_subcore>, window_params = [{transform_indices = #map}, {transform_indices = #map}, {transform_indices = #map}, {transform_indices = #map1}, {transform_indices = #map2}, {transform_indices = #map2}, {transform_indices = #map2}]} {
    %mul3A = arith.constant 2 : i32
    %mul3A_0 = arith.muli %arg1, %mul3A : i32
    %add3A = arith.addi %mul3A_0, %arg0 : i32
    "tpu.region"() ({
      %run_scoped3A = tpu.sem_alloc : memref<!tpu.dma_semaphore, #tpu.memory_space<semaphore_mem>>
      %dma_start3A = arith.constant 0 : i32
      %dma_start3A_97 = arith.constant 0 : i32
      %dma_start3A_98 = tpu.memref_slice %arg5[%add3A, %dma_start3A, %dma_start3A_97] : memref<32x40x128xi32, #tpu.memory_space<hbm>> -> memref<1x40x128xi32, #tpu.memory_space<hbm>>
      %dma_start3A_99 = tpu.memref_squeeze %dma_start3A_98 : memref<1x40x128xi32, #tpu.memory_space<hbm>> -> memref<40x128xi32, #tpu.memory_space<hbm>>
      %dma_start3A_100 = arith.constant 0 : i32
      %dma_start3A_101 = arith.constant 0 : i32
      %dma_start3A_102 = tpu.memref_slice %arg5[%add3A, %dma_start3A_100, %dma_start3A_101] : memref<32x40x128xi32, #tpu.memory_space<hbm>> -> memref<1x40x128xi32, #tpu.memory_space<hbm>>
      %dma_start3A_103 = tpu.memref_squeeze %dma_start3A_102 : memref<1x40x128xi32, #tpu.memory_space<hbm>> -> memref<40x128xi32, #tpu.memory_space<hbm>>
      tpu.enqueue_dma source(%dma_start3A_103 : memref<40x128xi32, #tpu.memory_space<hbm>>) target(%arg9 : memref<40x128xi32, #tpu.memory_space<vmem>>) target_semaphore(%run_scoped3A : memref<!tpu.dma_semaphore, #tpu.memory_space<semaphore_mem>>)
      %dma_wait3A_104 = arith.constant 0 : i32
      %dma_wait3A_105 = arith.constant 0 : i32
      %dma_wait3A_106 = tpu.memref_slice %arg5[%add3A, %dma_wait3A_104, %dma_wait3A_105] : memref<32x40x128xi32, #tpu.memory_space<hbm>> -> memref<1x40x128xi32, #tpu.memory_space<hbm>>
      %dma_wait3A_107 = tpu.memref_squeeze %dma_wait3A_106 : memref<1x40x128xi32, #tpu.memory_space<hbm>> -> memref<40x128xi32, #tpu.memory_space<hbm>>
      %dma_wait3A_108 = arith.constant 0 : i32
      %dma_wait3A_109 = arith.constant 0 : i32
      %dma_wait3A_110 = tpu.memref_slice %arg5[%add3A, %dma_wait3A_108, %dma_wait3A_109] : memref<32x40x128xi32, #tpu.memory_space<hbm>> -> memref<1x40x128xi32, #tpu.memory_space<hbm>>
      %dma_wait3A_111 = tpu.memref_squeeze %dma_wait3A_110 : memref<1x40x128xi32, #tpu.memory_space<hbm>> -> memref<40x128xi32, #tpu.memory_space<hbm>>
      tpu.wait_dma2 semaphore(%run_scoped3A : memref<!tpu.dma_semaphore, #tpu.memory_space<semaphore_mem>>) src(%dma_wait3A_111 : memref<40x128xi32, #tpu.memory_space<hbm>>) dst(%arg9 : memref<40x128xi32, #tpu.memory_space<vmem>>)
      tpu.yield
    }) : () -> ()
    "tpu.region"() ({
      %run_scoped3A = tpu.sem_alloc : memref<!tpu.dma_semaphore, #tpu.memory_space<semaphore_mem>>
      tpu.enqueue_dma source(%arg2 : memref<10000xf32, #tpu.memory_space<hbm>>) target(%arg10 : memref<10000xf32, #tpu.memory_space<vmem>>) target_semaphore(%run_scoped3A : memref<!tpu.dma_semaphore, #tpu.memory_space<semaphore_mem>>)
      tpu.wait_dma2 semaphore(%run_scoped3A : memref<!tpu.dma_semaphore, #tpu.memory_space<semaphore_mem>>) src(%arg2 : memref<10000xf32, #tpu.memory_space<hbm>>) dst(%arg10 : memref<10000xf32, #tpu.memory_space<vmem>>)
      tpu.yield
    }) : () -> ()
    "tpu.region"() ({
      %run_scoped3A = tpu.sem_alloc : memref<!tpu.dma_semaphore, #tpu.memory_space<semaphore_mem>>
      tpu.enqueue_dma source(%arg3 : memref<10000xf32, #tpu.memory_space<hbm>>) target(%arg11 : memref<10000xf32, #tpu.memory_space<vmem>>) target_semaphore(%run_scoped3A : memref<!tpu.dma_semaphore, #tpu.memory_space<semaphore_mem>>)
      tpu.wait_dma2 semaphore(%run_scoped3A : memref<!tpu.dma_semaphore, #tpu.memory_space<semaphore_mem>>) src(%arg3 : memref<10000xf32, #tpu.memory_space<hbm>>) dst(%arg11 : memref<10000xf32, #tpu.memory_space<vmem>>)
      tpu.yield
    }) : () -> ()
    "tpu.region"() ({
      %run_scoped3A = tpu.sem_alloc : memref<!tpu.dma_semaphore, #tpu.memory_space<semaphore_mem>>
      tpu.enqueue_dma source(%arg4 : memref<10000xf32, #tpu.memory_space<hbm>>) target(%arg12 : memref<10000xf32, #tpu.memory_space<vmem>>) target_semaphore(%run_scoped3A : memref<!tpu.dma_semaphore, #tpu.memory_space<semaphore_mem>>)
      tpu.wait_dma2 semaphore(%run_scoped3A : memref<!tpu.dma_semaphore, #tpu.memory_space<semaphore_mem>>) src(%arg4 : memref<10000xf32, #tpu.memory_space<hbm>>) dst(%arg12 : memref<10000xf32, #tpu.memory_space<vmem>>)
      tpu.yield
    }) : () -> ()
    %mul3A_1 = arith.constant 40 : i32
    %mul3A_2 = arith.muli %add3A, %mul3A_1 : i32
    %scan3A = arith.constant 0 : i32
    %scan3A_3 = arith.constant 0 : i32
    %scan3A_4 = arith.constant 20 : i32
    %scan3A_5 = arith.addi %scan3A_3, %scan3A_4 : i32
    %scan3A_6 = arith.constant 1 : i32
    scf.for %scan3A_97 = %scan3A_3 to %scan3A_5 step %scan3A_6  : i32 {
      %mul3A_98 = arith.constant 2 : i32
      %mul3A_99 = arith.muli %scan3A_97, %mul3A_98 : i32
      %add3A_100 = arith.constant 0 : i32
      %add3A_101 = arith.addi %mul3A_99, %add3A_100 : i32
      %add3A_102 = arith.addi %mul3A_2, %add3A_101 : i32
      %mul3A_103 = arith.constant 8 : i32
      %mul3A_104 = arith.muli %add3A_102, %mul3A_103 : i32
      %ge3A = arith.constant 2 : i32
      %ge3A_105 = arith.cmpi sge, %add3A_101, %ge3A : i32
      %convert_element_type3A = arith.extui %ge3A_105 : i1 to i32
      %cond3A = arith.constant 0 : i32
      %cond3A_106 = arith.cmpi ne, %convert_element_type3A, %cond3A : i32
      scf.if %cond3A_106 {
        %dma_wait3A_721 = arith.constant 0 : i32
        %dma_wait3A_722 = arith.constant 0 : i32
        %dma_wait3A_723 = arith.constant 0 : i32
        %dma_wait3A_724 = tpu.memref_slice %arg13[%dma_wait3A_721, %dma_wait3A_722, %dma_wait3A_723] : memref<2x8x16xf32, #tpu.memory_space<vmem>> -> memref<1x8x16xf32, #tpu.memory_space<vmem>>
        %dma_wait3A_725 = tpu.memref_squeeze %dma_wait3A_724 : memref<1x8x16xf32, #tpu.memory_space<vmem>> -> memref<8x16xf32, #tpu.memory_space<vmem>>
        %dma_wait3A_726 = arith.constant 0 : i32
        %dma_wait3A_727 = tpu.memref_slice %arg6[%mul3A_104, %dma_wait3A_726] : memref<10240x16xf32, #tpu.memory_space<hbm>> -> memref<8x16xf32, #tpu.memory_space<hbm>>
        %dma_wait3A_728 = arith.constant 0 : i32
        %dma_wait3A_729 = tpu.memref_slice %arg6[%mul3A_104, %dma_wait3A_728] : memref<10240x16xf32, #tpu.memory_space<hbm>> -> memref<8x16xf32, #tpu.memory_space<hbm>>
        %dma_wait3A_730 = arith.constant 0 : i32
        %dma_wait3A_731 = arith.constant 0 : i32
        %dma_wait3A_732 = tpu.memref_slice %arg13[%dma_wait3A_721, %dma_wait3A_730, %dma_wait3A_731] : memref<2x8x16xf32, #tpu.memory_space<vmem>> -> memref<1x8x16xf32, #tpu.memory_space<vmem>>
        %dma_wait3A_733 = tpu.memref_squeeze %dma_wait3A_732 : memref<1x8x16xf32, #tpu.memory_space<vmem>> -> memref<8x16xf32, #tpu.memory_space<vmem>>
        tpu.wait_dma2 semaphore(%arg16 : memref<!tpu.dma_semaphore, #tpu.memory_space<semaphore_mem>>) src(%dma_wait3A_733 : memref<8x16xf32, #tpu.memory_space<vmem>>) dst(%dma_wait3A_729 : memref<8x16xf32, #tpu.memory_space<hbm>>)
        %dma_wait3A_734 = arith.constant 0 : i32
        %dma_wait3A_735 = arith.constant 0 : i32
        %dma_wait3A_736 = arith.constant 0 : i32
        %dma_wait3A_737 = tpu.memref_slice %arg14[%dma_wait3A_734, %dma_wait3A_735, %dma_wait3A_736] : memref<2x8x16xf32, #tpu.memory_space<vmem>> -> memref<1x8x16xf32, #tpu.memory_space<vmem>>
        %dma_wait3A_738 = tpu.memref_squeeze %dma_wait3A_737 : memref<1x8x16xf32, #tpu.memory_space<vmem>> -> memref<8x16xf32, #tpu.memory_space<vmem>>
        %dma_wait3A_739 = arith.constant 0 : i32
        %dma_wait3A_740 = tpu.memref_slice %arg7[%mul3A_104, %dma_wait3A_739] : memref<10240x16xf32, #tpu.memory_space<hbm>> -> memref<8x16xf32, #tpu.memory_space<hbm>>
        %dma_wait3A_741 = arith.constant 0 : i32
        %dma_wait3A_742 = tpu.memref_slice %arg7[%mul3A_104, %dma_wait3A_741] : memref<10240x16xf32, #tpu.memory_space<hbm>> -> memref<8x16xf32, #tpu.memory_space<hbm>>
        %dma_wait3A_743 = arith.constant 0 : i32
        %dma_wait3A_744 = arith.constant 0 : i32
        %dma_wait3A_745 = tpu.memref_slice %arg14[%dma_wait3A_734, %dma_wait3A_743, %dma_wait3A_744] : memref<2x8x16xf32, #tpu.memory_space<vmem>> -> memref<1x8x16xf32, #tpu.memory_space<vmem>>
        %dma_wait3A_746 = tpu.memref_squeeze %dma_wait3A_745 : memref<1x8x16xf32, #tpu.memory_space<vmem>> -> memref<8x16xf32, #tpu.memory_space<vmem>>
        tpu.wait_dma2 semaphore(%arg16 : memref<!tpu.dma_semaphore, #tpu.memory_space<semaphore_mem>>) src(%dma_wait3A_746 : memref<8x16xf32, #tpu.memory_space<vmem>>) dst(%dma_wait3A_742 : memref<8x16xf32, #tpu.memory_space<hbm>>)
        %dma_wait3A_747 = arith.constant 0 : i32
        %dma_wait3A_748 = arith.constant 0 : i32
        %dma_wait3A_749 = arith.constant 0 : i32
        %dma_wait3A_750 = tpu.memref_slice %arg15[%dma_wait3A_747, %dma_wait3A_748, %dma_wait3A_749] : memref<2x8x16xf32, #tpu.memory_space<vmem>> -> memref<1x8x16xf32, #tpu.memory_space<vmem>>
        %dma_wait3A_751 = tpu.memref_squeeze %dma_wait3A_750 : memref<1x8x16xf32, #tpu.memory_space<vmem>> -> memref<8x16xf32, #tpu.memory_space<vmem>>
        %dma_wait3A_752 = arith.constant 0 : i32
        %dma_wait3A_753 = tpu.memref_slice %arg8[%mul3A_104, %dma_wait3A_752] : memref<10240x16xf32, #tpu.memory_space<hbm>> -> memref<8x16xf32, #tpu.memory_space<hbm>>
        %dma_wait3A_754 = arith.constant 0 : i32
        %dma_wait3A_755 = tpu.memref_slice %arg8[%mul3A_104, %dma_wait3A_754] : memref<10240x16xf32, #tpu.memory_space<hbm>> -> memref<8x16xf32, #tpu.memory_space<hbm>>
        %dma_wait3A_756 = arith.constant 0 : i32
        %dma_wait3A_757 = arith.constant 0 : i32
        %dma_wait3A_758 = tpu.memref_slice %arg15[%dma_wait3A_747, %dma_wait3A_756, %dma_wait3A_757] : memref<2x8x16xf32, #tpu.memory_space<vmem>> -> memref<1x8x16xf32, #tpu.memory_space<vmem>>
        %dma_wait3A_759 = tpu.memref_squeeze %dma_wait3A_758 : memref<1x8x16xf32, #tpu.memory_space<vmem>> -> memref<8x16xf32, #tpu.memory_space<vmem>>
        tpu.wait_dma2 semaphore(%arg16 : memref<!tpu.dma_semaphore, #tpu.memory_space<semaphore_mem>>) src(%dma_wait3A_759 : memref<8x16xf32, #tpu.memory_space<vmem>>) dst(%dma_wait3A_755 : memref<8x16xf32, #tpu.memory_space<hbm>>)
      } else {
      }
      %get3A = arith.index_cast %add3A_101 : i32 to index
      %get3A_107 = arith.constant 0 : index
      %get3A_108 = tpu.vector_load %arg9[%get3A, %get3A_107] {strides = array<i32>} : memref<40x128xi32, #tpu.memory_space<vmem>>, vector<16xi32>,
      %gather3A = tpu.vector_load_idx %arg10[%get3A_108] : memref<10000xf32, #tpu.memory_space<vmem>>[vector<16xi32>], vector<16xf32>,
      %swap3A = arith.constant 0 : i32
      %swap3A_109 = arith.constant 0 : i32
      %swap3A_110 = arith.constant 0 : i32
      %swap3A_111 = arith.constant 0 : i32
      %swap3A_112 = tpu.memref_slice %arg13[%swap3A, %swap3A_110, %swap3A_111] : memref<2x8x16xf32, #tpu.memory_space<vmem>> -> memref<1x8x16xf32, #tpu.memory_space<vmem>>
      %swap3A_113 = tpu.memref_squeeze %swap3A_112 : memref<1x8x16xf32, #tpu.memory_space<vmem>> -> memref<8x16xf32, #tpu.memory_space<vmem>>
      %swap3A_114 = arith.index_cast %swap3A_109 : i32 to index
      %swap3A_115 = arith.constant 0 : index
      %swap3A_116 = tpu.vector_load %swap3A_113[%swap3A_114, %swap3A_115] {strides = array<i32>} : memref<8x16xf32, #tpu.memory_space<vmem>>, vector<16xf32>,
      tpu.vector_store %swap3A_113[%swap3A_114, %swap3A_115], %gather3A {strides = array<i32>} : memref<8x16xf32, #tpu.memory_space<vmem>>, vector<16xf32>,
      %gather3A_117 = tpu.vector_load_idx %arg11[%get3A_108] : memref<10000xf32, #tpu.memory_space<vmem>>[vector<16xi32>], vector<16xf32>,
      %swap3A_118 = arith.constant 0 : i32
      %swap3A_119 = arith.constant 0 : i32
      %swap3A_120 = arith.constant 0 : i32
      %swap3A_121 = arith.constant 0 : i32
      %swap3A_122 = tpu.memref_slice %arg14[%swap3A_118, %swap3A_120, %swap3A_121] : memref<2x8x16xf32, #tpu.memory_space<vmem>> -> memref<1x8x16xf32, #tpu.memory_space<vmem>>
      %swap3A_123 = tpu.memref_squeeze %swap3A_122 : memref<1x8x16xf32, #tpu.memory_space<vmem>> -> memref<8x16xf32, #tpu.memory_space<vmem>>
      %swap3A_124 = arith.index_cast %swap3A_119 : i32 to index
      %swap3A_125 = arith.constant 0 : index
      %swap3A_126 = tpu.vector_load %swap3A_123[%swap3A_124, %swap3A_125] {strides = array<i32>} : memref<8x16xf32, #tpu.memory_space<vmem>>, vector<16xf32>,
      tpu.vector_store %swap3A_123[%swap3A_124, %swap3A_125], %gather3A_117 {strides = array<i32>} : memref<8x16xf32, #tpu.memory_space<vmem>>, vector<16xf32>,
      %gather3A_127 = tpu.vector_load_idx %arg12[%get3A_108] : memref<10000xf32, #tpu.memory_space<vmem>>[vector<16xi32>], vector<16xf32>,
      %swap3A_128 = arith.constant 0 : i32
      %swap3A_129 = arith.constant 0 : i32
      %swap3A_130 = arith.constant 0 : i32
      %swap3A_131 = arith.constant 0 : i32
      %swap3A_132 = tpu.memref_slice %arg15[%swap3A_128, %swap3A_130, %swap3A_131] : memref<2x8x16xf32, #tpu.memory_space<vmem>> -> memref<1x8x16xf32, #tpu.memory_space<vmem>>
      %swap3A_133 = tpu.memref_squeeze %swap3A_132 : memref<1x8x16xf32, #tpu.memory_space<vmem>> -> memref<8x16xf32, #tpu.memory_space<vmem>>
      %swap3A_134 = arith.index_cast %swap3A_129 : i32 to index
      %swap3A_135 = arith.constant 0 : index
      %swap3A_136 = tpu.vector_load %swap3A_133[%swap3A_134, %swap3A_135] {strides = array<i32>} : memref<8x16xf32, #tpu.memory_space<vmem>>, vector<16xf32>,
      tpu.vector_store %swap3A_133[%swap3A_134, %swap3A_135], %gather3A_127 {strides = array<i32>} : memref<8x16xf32, #tpu.memory_space<vmem>>, vector<16xf32>,
      %get3A_137 = arith.index_cast %add3A_101 : i32 to index
      %get3A_138 = arith.constant 16 : index
      %get3A_139 = tpu.vector_load %arg9[%get3A_137, %get3A_138] {strides = array<i32>} : memref<40x128xi32, #tpu.memory_space<vmem>>, vector<16xi32>,
      %gather3A_140 = tpu.vector_load_idx %arg10[%get3A_139] : memref<10000xf32, #tpu.memory_space<vmem>>[vector<16xi32>], vector<16xf32>,
      %swap3A_141 = arith.constant 0 : i32
      %swap3A_142 = arith.constant 1 : i32
      %swap3A_143 = arith.constant 0 : i32
      %swap3A_144 = arith.constant 0 : i32
      %swap3A_145 = tpu.memref_slice %arg13[%swap3A_141, %swap3A_143, %swap3A_144] : memref<2x8x16xf32, #tpu.memory_space<vmem>> -> memref<1x8x16xf32, #tpu.memory_space<vmem>>
      %swap3A_146 = tpu.memref_squeeze %swap3A_145 : memref<1x8x16xf32, #tpu.memory_space<vmem>> -> memref<8x16xf32, #tpu.memory_space<vmem>>
      %swap3A_147 = arith.index_cast %swap3A_142 : i32 to index
      %swap3A_148 = arith.constant 0 : index
      %swap3A_149 = tpu.vector_load %swap3A_146[%swap3A_147, %swap3A_148] {strides = array<i32>} : memref<8x16xf32, #tpu.memory_space<vmem>>, vector<16xf32>,
      tpu.vector_store %swap3A_146[%swap3A_147, %swap3A_148], %gather3A_140 {strides = array<i32>} : memref<8x16xf32, #tpu.memory_space<vmem>>, vector<16xf32>,
      %gather3A_150 = tpu.vector_load_idx %arg11[%get3A_139] : memref<10000xf32, #tpu.memory_space<vmem>>[vector<16xi32>], vector<16xf32>,
      %swap3A_151 = arith.constant 0 : i32
      %swap3A_152 = arith.constant 1 : i32
      %swap3A_153 = arith.constant 0 : i32
      %swap3A_154 = arith.constant 0 : i32
      %swap3A_155 = tpu.memref_slice %arg14[%swap3A_151, %swap3A_153, %swap3A_154] : memref<2x8x16xf32, #tpu.memory_space<vmem>> -> memref<1x8x16xf32, #tpu.memory_space<vmem>>
      %swap3A_156 = tpu.memref_squeeze %swap3A_155 : memref<1x8x16xf32, #tpu.memory_space<vmem>> -> memref<8x16xf32, #tpu.memory_space<vmem>>
      %swap3A_157 = arith.index_cast %swap3A_152 : i32 to index
      %swap3A_158 = arith.constant 0 : index
      %swap3A_159 = tpu.vector_load %swap3A_156[%swap3A_157, %swap3A_158] {strides = array<i32>} : memref<8x16xf32, #tpu.memory_space<vmem>>, vector<16xf32>,
      tpu.vector_store %swap3A_156[%swap3A_157, %swap3A_158], %gather3A_150 {strides = array<i32>} : memref<8x16xf32, #tpu.memory_space<vmem>>, vector<16xf32>,
      %gather3A_160 = tpu.vector_load_idx %arg12[%get3A_139] : memref<10000xf32, #tpu.memory_space<vmem>>[vector<16xi32>], vector<16xf32>,
      %swap3A_161 = arith.constant 0 : i32
      %swap3A_162 = arith.constant 1 : i32
      %swap3A_163 = arith.constant 0 : i32
      %swap3A_164 = arith.constant 0 : i32
      %swap3A_165 = tpu.memref_slice %arg15[%swap3A_161, %swap3A_163, %swap3A_164] : memref<2x8x16xf32, #tpu.memory_space<vmem>> -> memref<1x8x16xf32, #tpu.memory_space<vmem>>
      %swap3A_166 = tpu.memref_squeeze %swap3A_165 : memref<1x8x16xf32, #tpu.memory_space<vmem>> -> memref<8x16xf32, #tpu.memory_space<vmem>>
      %swap3A_167 = arith.index_cast %swap3A_162 : i32 to index
      %swap3A_168 = arith.constant 0 : index
      %swap3A_169 = tpu.vector_load %swap3A_166[%swap3A_167, %swap3A_168] {strides = array<i32>} : memref<8x16xf32, #tpu.memory_space<vmem>>, vector<16xf32>,
      tpu.vector_store %swap3A_166[%swap3A_167, %swap3A_168], %gather3A_160 {strides = array<i32>} : memref<8x16xf32, #tpu.memory_space<vmem>>, vector<16xf32>,
      %get3A_170 = arith.index_cast %add3A_101 : i32 to index
      %get3A_171 = arith.constant 32 : index
      %get3A_172 = tpu.vector_load %arg9[%get3A_170, %get3A_171] {strides = array<i32>} : memref<40x128xi32, #tpu.memory_space<vmem>>, vector<16xi32>,
      %gather3A_173 = tpu.vector_load_idx %arg10[%get3A_172] : memref<10000xf32, #tpu.memory_space<vmem>>[vector<16xi32>], vector<16xf32>,
      %swap3A_174 = arith.constant 0 : i32
      %swap3A_175 = arith.constant 2 : i32
      %swap3A_176 = arith.constant 0 : i32
      %swap3A_177 = arith.constant 0 : i32
      %swap3A_178 = tpu.memref_slice %arg13[%swap3A_174, %swap3A_176, %swap3A_177] : memref<2x8x16xf32, #tpu.memory_space<vmem>> -> memref<1x8x16xf32, #tpu.memory_space<vmem>>
      %swap3A_179 = tpu.memref_squeeze %swap3A_178 : memref<1x8x16xf32, #tpu.memory_space<vmem>> -> memref<8x16xf32, #tpu.memory_space<vmem>>
      %swap3A_180 = arith.index_cast %swap3A_175 : i32 to index
      %swap3A_181 = arith.constant 0 : index
      %swap3A_182 = tpu.vector_load %swap3A_179[%swap3A_180, %swap3A_181] {strides = array<i32>} : memref<8x16xf32, #tpu.memory_space<vmem>>, vector<16xf32>,
      tpu.vector_store %swap3A_179[%swap3A_180, %swap3A_181], %gather3A_173 {strides = array<i32>} : memref<8x16xf32, #tpu.memory_space<vmem>>, vector<16xf32>,
      %gather3A_183 = tpu.vector_load_idx %arg11[%get3A_172] : memref<10000xf32, #tpu.memory_space<vmem>>[vector<16xi32>], vector<16xf32>,
      %swap3A_184 = arith.constant 0 : i32
      %swap3A_185 = arith.constant 2 : i32
      %swap3A_186 = arith.constant 0 : i32
      %swap3A_187 = arith.constant 0 : i32
      %swap3A_188 = tpu.memref_slice %arg14[%swap3A_184, %swap3A_186, %swap3A_187] : memref<2x8x16xf32, #tpu.memory_space<vmem>> -> memref<1x8x16xf32, #tpu.memory_space<vmem>>
      %swap3A_189 = tpu.memref_squeeze %swap3A_188 : memref<1x8x16xf32, #tpu.memory_space<vmem>> -> memref<8x16xf32, #tpu.memory_space<vmem>>
      %swap3A_190 = arith.index_cast %swap3A_185 : i32 to index
      %swap3A_191 = arith.constant 0 : index
      %swap3A_192 = tpu.vector_load %swap3A_189[%swap3A_190, %swap3A_191] {strides = array<i32>} : memref<8x16xf32, #tpu.memory_space<vmem>>, vector<16xf32>,
      tpu.vector_store %swap3A_189[%swap3A_190, %swap3A_191], %gather3A_183 {strides = array<i32>} : memref<8x16xf32, #tpu.memory_space<vmem>>, vector<16xf32>,
      %gather3A_193 = tpu.vector_load_idx %arg12[%get3A_172] : memref<10000xf32, #tpu.memory_space<vmem>>[vector<16xi32>], vector<16xf32>,
      %swap3A_194 = arith.constant 0 : i32
      %swap3A_195 = arith.constant 2 : i32
      %swap3A_196 = arith.constant 0 : i32
      %swap3A_197 = arith.constant 0 : i32
      %swap3A_198 = tpu.memref_slice %arg15[%swap3A_194, %swap3A_196, %swap3A_197] : memref<2x8x16xf32, #tpu.memory_space<vmem>> -> memref<1x8x16xf32, #tpu.memory_space<vmem>>
      %swap3A_199 = tpu.memref_squeeze %swap3A_198 : memref<1x8x16xf32, #tpu.memory_space<vmem>> -> memref<8x16xf32, #tpu.memory_space<vmem>>
      %swap3A_200 = arith.index_cast %swap3A_195 : i32 to index
      %swap3A_201 = arith.constant 0 : index
      %swap3A_202 = tpu.vector_load %swap3A_199[%swap3A_200, %swap3A_201] {strides = array<i32>} : memref<8x16xf32, #tpu.memory_space<vmem>>, vector<16xf32>,
      tpu.vector_store %swap3A_199[%swap3A_200, %swap3A_201], %gather3A_193 {strides = array<i32>} : memref<8x16xf32, #tpu.memory_space<vmem>>, vector<16xf32>,
      %get3A_203 = arith.index_cast %add3A_101 : i32 to index
      %get3A_204 = arith.constant 48 : index
      %get3A_205 = tpu.vector_load %arg9[%get3A_203, %get3A_204] {strides = array<i32>} : memref<40x128xi32, #tpu.memory_space<vmem>>, vector<16xi32>,
      %gather3A_206 = tpu.vector_load_idx %arg10[%get3A_205] : memref<10000xf32, #tpu.memory_space<vmem>>[vector<16xi32>], vector<16xf32>,
      %swap3A_207 = arith.constant 0 : i32
      %swap3A_208 = arith.constant 3 : i32
      %swap3A_209 = arith.constant 0 : i32
      %swap3A_210 = arith.constant 0 : i32
      %swap3A_211 = tpu.memref_slice %arg13[%swap3A_207, %swap3A_209, %swap3A_210] : memref<2x8x16xf32, #tpu.memory_space<vmem>> -> memref<1x8x16xf32, #tpu.memory_space<vmem>>
      %swap3A_212 = tpu.memref_squeeze %swap3A_211 : memref<1x8x16xf32, #tpu.memory_space<vmem>> -> memref<8x16xf32, #tpu.memory_space<vmem>>
      %swap3A_213 = arith.index_cast %swap3A_208 : i32 to index
      %swap3A_214 = arith.constant 0 : index
      %swap3A_215 = tpu.vector_load %swap3A_212[%swap3A_213, %swap3A_214] {strides = array<i32>} : memref<8x16xf32, #tpu.memory_space<vmem>>, vector<16xf32>,
      tpu.vector_store %swap3A_212[%swap3A_213, %swap3A_214], %gather3A_206 {strides = array<i32>} : memref<8x16xf32, #tpu.memory_space<vmem>>, vector<16xf32>,
      %gather3A_216 = tpu.vector_load_idx %arg11[%get3A_205] : memref<10000xf32, #tpu.memory_space<vmem>>[vector<16xi32>], vector<16xf32>,
      %swap3A_217 = arith.constant 0 : i32
      %swap3A_218 = arith.constant 3 : i32
      %swap3A_219 = arith.constant 0 : i32
      %swap3A_220 = arith.constant 0 : i32
      %swap3A_221 = tpu.memref_slice %arg14[%swap3A_217, %swap3A_219, %swap3A_220] : memref<2x8x16xf32, #tpu.memory_space<vmem>> -> memref<1x8x16xf32, #tpu.memory_space<vmem>>
      %swap3A_222 = tpu.memref_squeeze %swap3A_221 : memref<1x8x16xf32, #tpu.memory_space<vmem>> -> memref<8x16xf32, #tpu.memory_space<vmem>>
      %swap3A_223 = arith.index_cast %swap3A_218 : i32 to index
      %swap3A_224 = arith.constant 0 : index
      %swap3A_225 = tpu.vector_load %swap3A_222[%swap3A_223, %swap3A_224] {strides = array<i32>} : memref<8x16xf32, #tpu.memory_space<vmem>>, vector<16xf32>,
      tpu.vector_store %swap3A_222[%swap3A_223, %swap3A_224], %gather3A_216 {strides = array<i32>} : memref<8x16xf32, #tpu.memory_space<vmem>>, vector<16xf32>,
      %gather3A_226 = tpu.vector_load_idx %arg12[%get3A_205] : memref<10000xf32, #tpu.memory_space<vmem>>[vector<16xi32>], vector<16xf32>,
      %swap3A_227 = arith.constant 0 : i32
      %swap3A_228 = arith.constant 3 : i32
      %swap3A_229 = arith.constant 0 : i32
      %swap3A_230 = arith.constant 0 : i32
      %swap3A_231 = tpu.memref_slice %arg15[%swap3A_227, %swap3A_229, %swap3A_230] : memref<2x8x16xf32, #tpu.memory_space<vmem>> -> memref<1x8x16xf32, #tpu.memory_space<vmem>>
      %swap3A_232 = tpu.memref_squeeze %swap3A_231 : memref<1x8x16xf32, #tpu.memory_space<vmem>> -> memref<8x16xf32, #tpu.memory_space<vmem>>
      %swap3A_233 = arith.index_cast %swap3A_228 : i32 to index
      %swap3A_234 = arith.constant 0 : index
      %swap3A_235 = tpu.vector_load %swap3A_232[%swap3A_233, %swap3A_234] {strides = array<i32>} : memref<8x16xf32, #tpu.memory_space<vmem>>, vector<16xf32>,
      tpu.vector_store %swap3A_232[%swap3A_233, %swap3A_234], %gather3A_226 {strides = array<i32>} : memref<8x16xf32, #tpu.memory_space<vmem>>, vector<16xf32>,
      %get3A_236 = arith.index_cast %add3A_101 : i32 to index
      %get3A_237 = arith.constant 64 : index
      %get3A_238 = tpu.vector_load %arg9[%get3A_236, %get3A_237] {strides = array<i32>} : memref<40x128xi32, #tpu.memory_space<vmem>>, vector<16xi32>,
      %gather3A_239 = tpu.vector_load_idx %arg10[%get3A_238] : memref<10000xf32, #tpu.memory_space<vmem>>[vector<16xi32>], vector<16xf32>,
      %swap3A_240 = arith.constant 0 : i32
      %swap3A_241 = arith.constant 4 : i32
      %swap3A_242 = arith.constant 0 : i32
      %swap3A_243 = arith.constant 0 : i32
      %swap3A_244 = tpu.memref_slice %arg13[%swap3A_240, %swap3A_242, %swap3A_243] : memref<2x8x16xf32, #tpu.memory_space<vmem>> -> memref<1x8x16xf32, #tpu.memory_space<vmem>>
      %swap3A_245 = tpu.memref_squeeze %swap3A_244 : memref<1x8x16xf32, #tpu.memory_space<vmem>> -> memref<8x16xf32, #tpu.memory_space<vmem>>
      %swap3A_246 = arith.index_cast %swap3A_241 : i32 to index
      %swap3A_247 = arith.constant 0 : index
      %swap3A_248 = tpu.vector_load %swap3A_245[%swap3A_246, %swap3A_247] {strides = array<i32>} : memref<8x16xf32, #tpu.memory_space<vmem>>, vector<16xf32>,
      tpu.vector_store %swap3A_245[%swap3A_246, %swap3A_247], %gather3A_239 {strides = array<i32>} : memref<8x16xf32, #tpu.memory_space<vmem>>, vector<16xf32>,
      %gather3A_249 = tpu.vector_load_idx %arg11[%get3A_238] : memref<10000xf32, #tpu.memory_space<vmem>>[vector<16xi32>], vector<16xf32>,
      %swap3A_250 = arith.constant 0 : i32
      %swap3A_251 = arith.constant 4 : i32
      %swap3A_252 = arith.constant 0 : i32
      %swap3A_253 = arith.constant 0 : i32
      %swap3A_254 = tpu.memref_slice %arg14[%swap3A_250, %swap3A_252, %swap3A_253] : memref<2x8x16xf32, #tpu.memory_space<vmem>> -> memref<1x8x16xf32, #tpu.memory_space<vmem>>
      %swap3A_255 = tpu.memref_squeeze %swap3A_254 : memref<1x8x16xf32, #tpu.memory_space<vmem>> -> memref<8x16xf32, #tpu.memory_space<vmem>>
      %swap3A_256 = arith.index_cast %swap3A_251 : i32 to index
      %swap3A_257 = arith.constant 0 : index
      %swap3A_258 = tpu.vector_load %swap3A_255[%swap3A_256, %swap3A_257] {strides = array<i32>} : memref<8x16xf32, #tpu.memory_space<vmem>>, vector<16xf32>,
      tpu.vector_store %swap3A_255[%swap3A_256, %swap3A_257], %gather3A_249 {strides = array<i32>} : memref<8x16xf32, #tpu.memory_space<vmem>>, vector<16xf32>,
      %gather3A_259 = tpu.vector_load_idx %arg12[%get3A_238] : memref<10000xf32, #tpu.memory_space<vmem>>[vector<16xi32>], vector<16xf32>,
      %swap3A_260 = arith.constant 0 : i32
      %swap3A_261 = arith.constant 4 : i32
      %swap3A_262 = arith.constant 0 : i32
      %swap3A_263 = arith.constant 0 : i32
      %swap3A_264 = tpu.memref_slice %arg15[%swap3A_260, %swap3A_262, %swap3A_263] : memref<2x8x16xf32, #tpu.memory_space<vmem>> -> memref<1x8x16xf32, #tpu.memory_space<vmem>>
      %swap3A_265 = tpu.memref_squeeze %swap3A_264 : memref<1x8x16xf32, #tpu.memory_space<vmem>> -> memref<8x16xf32, #tpu.memory_space<vmem>>
      %swap3A_266 = arith.index_cast %swap3A_261 : i32 to index
      %swap3A_267 = arith.constant 0 : index
      %swap3A_268 = tpu.vector_load %swap3A_265[%swap3A_266, %swap3A_267] {strides = array<i32>} : memref<8x16xf32, #tpu.memory_space<vmem>>, vector<16xf32>,
      tpu.vector_store %swap3A_265[%swap3A_266, %swap3A_267], %gather3A_259 {strides = array<i32>} : memref<8x16xf32, #tpu.memory_space<vmem>>, vector<16xf32>,
      %get3A_269 = arith.index_cast %add3A_101 : i32 to index
      %get3A_270 = arith.constant 80 : index
      %get3A_271 = tpu.vector_load %arg9[%get3A_269, %get3A_270] {strides = array<i32>} : memref<40x128xi32, #tpu.memory_space<vmem>>, vector<16xi32>,
      %gather3A_272 = tpu.vector_load_idx %arg10[%get3A_271] : memref<10000xf32, #tpu.memory_space<vmem>>[vector<16xi32>], vector<16xf32>,
      %swap3A_273 = arith.constant 0 : i32
      %swap3A_274 = arith.constant 5 : i32
      %swap3A_275 = arith.constant 0 : i32
      %swap3A_276 = arith.constant 0 : i32
      %swap3A_277 = tpu.memref_slice %arg13[%swap3A_273, %swap3A_275, %swap3A_276] : memref<2x8x16xf32, #tpu.memory_space<vmem>> -> memref<1x8x16xf32, #tpu.memory_space<vmem>>
      %swap3A_278 = tpu.memref_squeeze %swap3A_277 : memref<1x8x16xf32, #tpu.memory_space<vmem>> -> memref<8x16xf32, #tpu.memory_space<vmem>>
      %swap3A_279 = arith.index_cast %swap3A_274 : i32 to index
      %swap3A_280 = arith.constant 0 : index
      %swap3A_281 = tpu.vector_load %swap3A_278[%swap3A_279, %swap3A_280] {strides = array<i32>} : memref<8x16xf32, #tpu.memory_space<vmem>>, vector<16xf32>,
      tpu.vector_store %swap3A_278[%swap3A_279, %swap3A_280], %gather3A_272 {strides = array<i32>} : memref<8x16xf32, #tpu.memory_space<vmem>>, vector<16xf32>,
      %gather3A_282 = tpu.vector_load_idx %arg11[%get3A_271] : memref<10000xf32, #tpu.memory_space<vmem>>[vector<16xi32>], vector<16xf32>,
      %swap3A_283 = arith.constant 0 : i32
      %swap3A_284 = arith.constant 5 : i32
      %swap3A_285 = arith.constant 0 : i32
      %swap3A_286 = arith.constant 0 : i32
      %swap3A_287 = tpu.memref_slice %arg14[%swap3A_283, %swap3A_285, %swap3A_286] : memref<2x8x16xf32, #tpu.memory_space<vmem>> -> memref<1x8x16xf32, #tpu.memory_space<vmem>>
      %swap3A_288 = tpu.memref_squeeze %swap3A_287 : memref<1x8x16xf32, #tpu.memory_space<vmem>> -> memref<8x16xf32, #tpu.memory_space<vmem>>
      %swap3A_289 = arith.index_cast %swap3A_284 : i32 to index
      %swap3A_290 = arith.constant 0 : index
      %swap3A_291 = tpu.vector_load %swap3A_288[%swap3A_289, %swap3A_290] {strides = array<i32>} : memref<8x16xf32, #tpu.memory_space<vmem>>, vector<16xf32>,
      tpu.vector_store %swap3A_288[%swap3A_289, %swap3A_290], %gather3A_282 {strides = array<i32>} : memref<8x16xf32, #tpu.memory_space<vmem>>, vector<16xf32>,
      %gather3A_292 = tpu.vector_load_idx %arg12[%get3A_271] : memref<10000xf32, #tpu.memory_space<vmem>>[vector<16xi32>], vector<16xf32>,
      %swap3A_293 = arith.constant 0 : i32
      %swap3A_294 = arith.constant 5 : i32
      %swap3A_295 = arith.constant 0 : i32
      %swap3A_296 = arith.constant 0 : i32
      %swap3A_297 = tpu.memref_slice %arg15[%swap3A_293, %swap3A_295, %swap3A_296] : memref<2x8x16xf32, #tpu.memory_space<vmem>> -> memref<1x8x16xf32, #tpu.memory_space<vmem>>
      %swap3A_298 = tpu.memref_squeeze %swap3A_297 : memref<1x8x16xf32, #tpu.memory_space<vmem>> -> memref<8x16xf32, #tpu.memory_space<vmem>>
      %swap3A_299 = arith.index_cast %swap3A_294 : i32 to index
      %swap3A_300 = arith.constant 0 : index
      %swap3A_301 = tpu.vector_load %swap3A_298[%swap3A_299, %swap3A_300] {strides = array<i32>} : memref<8x16xf32, #tpu.memory_space<vmem>>, vector<16xf32>,
      tpu.vector_store %swap3A_298[%swap3A_299, %swap3A_300], %gather3A_292 {strides = array<i32>} : memref<8x16xf32, #tpu.memory_space<vmem>>, vector<16xf32>,
      %get3A_302 = arith.index_cast %add3A_101 : i32 to index
      %get3A_303 = arith.constant 96 : index
      %get3A_304 = tpu.vector_load %arg9[%get3A_302, %get3A_303] {strides = array<i32>} : memref<40x128xi32, #tpu.memory_space<vmem>>, vector<16xi32>,
      %gather3A_305 = tpu.vector_load_idx %arg10[%get3A_304] : memref<10000xf32, #tpu.memory_space<vmem>>[vector<16xi32>], vector<16xf32>,
      %swap3A_306 = arith.constant 0 : i32
      %swap3A_307 = arith.constant 6 : i32
      %swap3A_308 = arith.constant 0 : i32
      %swap3A_309 = arith.constant 0 : i32
      %swap3A_310 = tpu.memref_slice %arg13[%swap3A_306, %swap3A_308, %swap3A_309] : memref<2x8x16xf32, #tpu.memory_space<vmem>> -> memref<1x8x16xf32, #tpu.memory_space<vmem>>
      %swap3A_311 = tpu.memref_squeeze %swap3A_310 : memref<1x8x16xf32, #tpu.memory_space<vmem>> -> memref<8x16xf32, #tpu.memory_space<vmem>>
      %swap3A_312 = arith.index_cast %swap3A_307 : i32 to index
      %swap3A_313 = arith.constant 0 : index
      %swap3A_314 = tpu.vector_load %swap3A_311[%swap3A_312, %swap3A_313] {strides = array<i32>} : memref<8x16xf32, #tpu.memory_space<vmem>>, vector<16xf32>,
      tpu.vector_store %swap3A_311[%swap3A_312, %swap3A_313], %gather3A_305 {strides = array<i32>} : memref<8x16xf32, #tpu.memory_space<vmem>>, vector<16xf32>,
      %gather3A_315 = tpu.vector_load_idx %arg11[%get3A_304] : memref<10000xf32, #tpu.memory_space<vmem>>[vector<16xi32>], vector<16xf32>,
      %swap3A_316 = arith.constant 0 : i32
      %swap3A_317 = arith.constant 6 : i32
      %swap3A_318 = arith.constant 0 : i32
      %swap3A_319 = arith.constant 0 : i32
      %swap3A_320 = tpu.memref_slice %arg14[%swap3A_316, %swap3A_318, %swap3A_319] : memref<2x8x16xf32, #tpu.memory_space<vmem>> -> memref<1x8x16xf32, #tpu.memory_space<vmem>>
      %swap3A_321 = tpu.memref_squeeze %swap3A_320 : memref<1x8x16xf32, #tpu.memory_space<vmem>> -> memref<8x16xf32, #tpu.memory_space<vmem>>
      %swap3A_322 = arith.index_cast %swap3A_317 : i32 to index
      %swap3A_323 = arith.constant 0 : index
      %swap3A_324 = tpu.vector_load %swap3A_321[%swap3A_322, %swap3A_323] {strides = array<i32>} : memref<8x16xf32, #tpu.memory_space<vmem>>, vector<16xf32>,
      tpu.vector_store %swap3A_321[%swap3A_322, %swap3A_323], %gather3A_315 {strides = array<i32>} : memref<8x16xf32, #tpu.memory_space<vmem>>, vector<16xf32>,
      %gather3A_325 = tpu.vector_load_idx %arg12[%get3A_304] : memref<10000xf32, #tpu.memory_space<vmem>>[vector<16xi32>], vector<16xf32>,
      %swap3A_326 = arith.constant 0 : i32
      %swap3A_327 = arith.constant 6 : i32
      %swap3A_328 = arith.constant 0 : i32
      %swap3A_329 = arith.constant 0 : i32
      %swap3A_330 = tpu.memref_slice %arg15[%swap3A_326, %swap3A_328, %swap3A_329] : memref<2x8x16xf32, #tpu.memory_space<vmem>> -> memref<1x8x16xf32, #tpu.memory_space<vmem>>
      %swap3A_331 = tpu.memref_squeeze %swap3A_330 : memref<1x8x16xf32, #tpu.memory_space<vmem>> -> memref<8x16xf32, #tpu.memory_space<vmem>>
      %swap3A_332 = arith.index_cast %swap3A_327 : i32 to index
      %swap3A_333 = arith.constant 0 : index
      %swap3A_334 = tpu.vector_load %swap3A_331[%swap3A_332, %swap3A_333] {strides = array<i32>} : memref<8x16xf32, #tpu.memory_space<vmem>>, vector<16xf32>,
      tpu.vector_store %swap3A_331[%swap3A_332, %swap3A_333], %gather3A_325 {strides = array<i32>} : memref<8x16xf32, #tpu.memory_space<vmem>>, vector<16xf32>,
      %get3A_335 = arith.index_cast %add3A_101 : i32 to index
      %get3A_336 = arith.constant 112 : index
      %get3A_337 = tpu.vector_load %arg9[%get3A_335, %get3A_336] {strides = array<i32>} : memref<40x128xi32, #tpu.memory_space<vmem>>, vector<16xi32>,
      %gather3A_338 = tpu.vector_load_idx %arg10[%get3A_337] : memref<10000xf32, #tpu.memory_space<vmem>>[vector<16xi32>], vector<16xf32>,
      %swap3A_339 = arith.constant 0 : i32
      %swap3A_340 = arith.constant 7 : i32
      %swap3A_341 = arith.constant 0 : i32
      %swap3A_342 = arith.constant 0 : i32
      %swap3A_343 = tpu.memref_slice %arg13[%swap3A_339, %swap3A_341, %swap3A_342] : memref<2x8x16xf32, #tpu.memory_space<vmem>> -> memref<1x8x16xf32, #tpu.memory_space<vmem>>
      %swap3A_344 = tpu.memref_squeeze %swap3A_343 : memref<1x8x16xf32, #tpu.memory_space<vmem>> -> memref<8x16xf32, #tpu.memory_space<vmem>>
      %swap3A_345 = arith.index_cast %swap3A_340 : i32 to index
      %swap3A_346 = arith.constant 0 : index
      %swap3A_347 = tpu.vector_load %swap3A_344[%swap3A_345, %swap3A_346] {strides = array<i32>} : memref<8x16xf32, #tpu.memory_space<vmem>>, vector<16xf32>,
      tpu.vector_store %swap3A_344[%swap3A_345, %swap3A_346], %gather3A_338 {strides = array<i32>} : memref<8x16xf32, #tpu.memory_space<vmem>>, vector<16xf32>,
      %gather3A_348 = tpu.vector_load_idx %arg11[%get3A_337] : memref<10000xf32, #tpu.memory_space<vmem>>[vector<16xi32>], vector<16xf32>,
      %swap3A_349 = arith.constant 0 : i32
      %swap3A_350 = arith.constant 7 : i32
      %swap3A_351 = arith.constant 0 : i32
      %swap3A_352 = arith.constant 0 : i32
      %swap3A_353 = tpu.memref_slice %arg14[%swap3A_349, %swap3A_351, %swap3A_352] : memref<2x8x16xf32, #tpu.memory_space<vmem>> -> memref<1x8x16xf32, #tpu.memory_space<vmem>>
      %swap3A_354 = tpu.memref_squeeze %swap3A_353 : memref<1x8x16xf32, #tpu.memory_space<vmem>> -> memref<8x16xf32, #tpu.memory_space<vmem>>
      %swap3A_355 = arith.index_cast %swap3A_350 : i32 to index
      %swap3A_356 = arith.constant 0 : index
      %swap3A_357 = tpu.vector_load %swap3A_354[%swap3A_355, %swap3A_356] {strides = array<i32>} : memref<8x16xf32, #tpu.memory_space<vmem>>, vector<16xf32>,
      tpu.vector_store %swap3A_354[%swap3A_355, %swap3A_356], %gather3A_348 {strides = array<i32>} : memref<8x16xf32, #tpu.memory_space<vmem>>, vector<16xf32>,
      %gather3A_358 = tpu.vector_load_idx %arg12[%get3A_337] : memref<10000xf32, #tpu.memory_space<vmem>>[vector<16xi32>], vector<16xf32>,
      %swap3A_359 = arith.constant 0 : i32
      %swap3A_360 = arith.constant 7 : i32
      %swap3A_361 = arith.constant 0 : i32
      %swap3A_362 = arith.constant 0 : i32
      %swap3A_363 = tpu.memref_slice %arg15[%swap3A_359, %swap3A_361, %swap3A_362] : memref<2x8x16xf32, #tpu.memory_space<vmem>> -> memref<1x8x16xf32, #tpu.memory_space<vmem>>
      %swap3A_364 = tpu.memref_squeeze %swap3A_363 : memref<1x8x16xf32, #tpu.memory_space<vmem>> -> memref<8x16xf32, #tpu.memory_space<vmem>>
      %swap3A_365 = arith.index_cast %swap3A_360 : i32 to index
      %swap3A_366 = arith.constant 0 : index
      %swap3A_367 = tpu.vector_load %swap3A_364[%swap3A_365, %swap3A_366] {strides = array<i32>} : memref<8x16xf32, #tpu.memory_space<vmem>>, vector<16xf32>,
      tpu.vector_store %swap3A_364[%swap3A_365, %swap3A_366], %gather3A_358 {strides = array<i32>} : memref<8x16xf32, #tpu.memory_space<vmem>>, vector<16xf32>,
      %dma_start3A = arith.constant 0 : i32
      %dma_start3A_368 = arith.constant 0 : i32
      %dma_start3A_369 = arith.constant 0 : i32
      %dma_start3A_370 = tpu.memref_slice %arg13[%dma_start3A, %dma_start3A_368, %dma_start3A_369] : memref<2x8x16xf32, #tpu.memory_space<vmem>> -> memref<1x8x16xf32, #tpu.memory_space<vmem>>
      %dma_start3A_371 = tpu.memref_squeeze %dma_start3A_370 : memref<1x8x16xf32, #tpu.memory_space<vmem>> -> memref<8x16xf32, #tpu.memory_space<vmem>>
      %dma_start3A_372 = arith.constant 0 : i32
      %dma_start3A_373 = tpu.memref_slice %arg6[%mul3A_104, %dma_start3A_372] : memref<10240x16xf32, #tpu.memory_space<hbm>> -> memref<8x16xf32, #tpu.memory_space<hbm>>
      %dma_start3A_374 = arith.constant 0 : i32
      %dma_start3A_375 = tpu.memref_slice %arg6[%mul3A_104, %dma_start3A_374] : memref<10240x16xf32, #tpu.memory_space<hbm>> -> memref<8x16xf32, #tpu.memory_space<hbm>>
      %dma_start3A_376 = arith.constant 0 : i32
      %dma_start3A_377 = arith.constant 0 : i32
      %dma_start3A_378 = tpu.memref_slice %arg13[%dma_start3A, %dma_start3A_376, %dma_start3A_377] : memref<2x8x16xf32, #tpu.memory_space<vmem>> -> memref<1x8x16xf32, #tpu.memory_space<vmem>>
      %dma_start3A_379 = tpu.memref_squeeze %dma_start3A_378 : memref<1x8x16xf32, #tpu.memory_space<vmem>> -> memref<8x16xf32, #tpu.memory_space<vmem>>
      tpu.enqueue_dma source(%dma_start3A_379 : memref<8x16xf32, #tpu.memory_space<vmem>>) target(%dma_start3A_375 : memref<8x16xf32, #tpu.memory_space<hbm>>) target_semaphore(%arg16 : memref<!tpu.dma_semaphore, #tpu.memory_space<semaphore_mem>>)
      %dma_start3A_380 = arith.constant 0 : i32
      %dma_start3A_381 = arith.constant 0 : i32
      %dma_start3A_382 = arith.constant 0 : i32
      %dma_start3A_383 = tpu.memref_slice %arg14[%dma_start3A_380, %dma_start3A_381, %dma_start3A_382] : memref<2x8x16xf32, #tpu.memory_space<vmem>> -> memref<1x8x16xf32, #tpu.memory_space<vmem>>
      %dma_start3A_384 = tpu.memref_squeeze %dma_start3A_383 : memref<1x8x16xf32, #tpu.memory_space<vmem>> -> memref<8x16xf32, #tpu.memory_space<vmem>>
      %dma_start3A_385 = arith.constant 0 : i32
      %dma_start3A_386 = tpu.memref_slice %arg7[%mul3A_104, %dma_start3A_385] : memref<10240x16xf32, #tpu.memory_space<hbm>> -> memref<8x16xf32, #tpu.memory_space<hbm>>
      %dma_start3A_387 = arith.constant 0 : i32
      %dma_start3A_388 = tpu.memref_slice %arg7[%mul3A_104, %dma_start3A_387] : memref<10240x16xf32, #tpu.memory_space<hbm>> -> memref<8x16xf32, #tpu.memory_space<hbm>>
      %dma_start3A_389 = arith.constant 0 : i32
      %dma_start3A_390 = arith.constant 0 : i32
      %dma_start3A_391 = tpu.memref_slice %arg14[%dma_start3A_380, %dma_start3A_389, %dma_start3A_390] : memref<2x8x16xf32, #tpu.memory_space<vmem>> -> memref<1x8x16xf32, #tpu.memory_space<vmem>>
      %dma_start3A_392 = tpu.memref_squeeze %dma_start3A_391 : memref<1x8x16xf32, #tpu.memory_space<vmem>> -> memref<8x16xf32, #tpu.memory_space<vmem>>
      tpu.enqueue_dma source(%dma_start3A_392 : memref<8x16xf32, #tpu.memory_space<vmem>>) target(%dma_start3A_388 : memref<8x16xf32, #tpu.memory_space<hbm>>) target_semaphore(%arg16 : memref<!tpu.dma_semaphore, #tpu.memory_space<semaphore_mem>>)
      %dma_start3A_393 = arith.constant 0 : i32
      %dma_start3A_394 = arith.constant 0 : i32
      %dma_start3A_395 = arith.constant 0 : i32
      %dma_start3A_396 = tpu.memref_slice %arg15[%dma_start3A_393, %dma_start3A_394, %dma_start3A_395] : memref<2x8x16xf32, #tpu.memory_space<vmem>> -> memref<1x8x16xf32, #tpu.memory_space<vmem>>
      %dma_start3A_397 = tpu.memref_squeeze %dma_start3A_396 : memref<1x8x16xf32, #tpu.memory_space<vmem>> -> memref<8x16xf32, #tpu.memory_space<vmem>>
      %dma_start3A_398 = arith.constant 0 : i32
      %dma_start3A_399 = tpu.memref_slice %arg8[%mul3A_104, %dma_start3A_398] : memref<10240x16xf32, #tpu.memory_space<hbm>> -> memref<8x16xf32, #tpu.memory_space<hbm>>
      %dma_start3A_400 = arith.constant 0 : i32
      %dma_start3A_401 = tpu.memref_slice %arg8[%mul3A_104, %dma_start3A_400] : memref<10240x16xf32, #tpu.memory_space<hbm>> -> memref<8x16xf32, #tpu.memory_space<hbm>>
      %dma_start3A_402 = arith.constant 0 : i32
      %dma_start3A_403 = arith.constant 0 : i32
      %dma_start3A_404 = tpu.memref_slice %arg15[%dma_start3A_393, %dma_start3A_402, %dma_start3A_403] : memref<2x8x16xf32, #tpu.memory_space<vmem>> -> memref<1x8x16xf32, #tpu.memory_space<vmem>>
      %dma_start3A_405 = tpu.memref_squeeze %dma_start3A_404 : memref<1x8x16xf32, #tpu.memory_space<vmem>> -> memref<8x16xf32, #tpu.memory_space<vmem>>
      tpu.enqueue_dma source(%dma_start3A_405 : memref<8x16xf32, #tpu.memory_space<vmem>>) target(%dma_start3A_401 : memref<8x16xf32, #tpu.memory_space<hbm>>) target_semaphore(%arg16 : memref<!tpu.dma_semaphore, #tpu.memory_space<semaphore_mem>>)
      %mul3A_406 = arith.constant 2 : i32
      %mul3A_407 = arith.muli %scan3A_97, %mul3A_406 : i32
      %add3A_408 = arith.constant 1 : i32
      %add3A_409 = arith.addi %mul3A_407, %add3A_408 : i32
      %add3A_410 = arith.addi %mul3A_2, %add3A_409 : i32
      %mul3A_411 = arith.constant 8 : i32
      %mul3A_412 = arith.muli %add3A_410, %mul3A_411 : i32
      %ge3A_413 = arith.constant 2 : i32
      %ge3A_414 = arith.cmpi sge, %add3A_409, %ge3A_413 : i32
      %convert_element_type3A_415 = arith.extui %ge3A_414 : i1 to i32
      %cond3A_416 = arith.constant 0 : i32
      %cond3A_417 = arith.cmpi ne, %convert_element_type3A_415, %cond3A_416 : i32
      scf.if %cond3A_417 {
        %dma_wait3A_721 = arith.constant 1 : i32
        %dma_wait3A_722 = arith.constant 0 : i32
        %dma_wait3A_723 = arith.constant 0 : i32
        %dma_wait3A_724 = tpu.memref_slice %arg13[%dma_wait3A_721, %dma_wait3A_722, %dma_wait3A_723] : memref<2x8x16xf32, #tpu.memory_space<vmem>> -> memref<1x8x16xf32, #tpu.memory_space<vmem>>
        %dma_wait3A_725 = tpu.memref_squeeze %dma_wait3A_724 : memref<1x8x16xf32, #tpu.memory_space<vmem>> -> memref<8x16xf32, #tpu.memory_space<vmem>>
        %dma_wait3A_726 = arith.constant 0 : i32
        %dma_wait3A_727 = tpu.memref_slice %arg6[%mul3A_412, %dma_wait3A_726] : memref<10240x16xf32, #tpu.memory_space<hbm>> -> memref<8x16xf32, #tpu.memory_space<hbm>>
        %dma_wait3A_728 = arith.constant 0 : i32
        %dma_wait3A_729 = tpu.memref_slice %arg6[%mul3A_412, %dma_wait3A_728] : memref<10240x16xf32, #tpu.memory_space<hbm>> -> memref<8x16xf32, #tpu.memory_space<hbm>>
        %dma_wait3A_730 = arith.constant 0 : i32
        %dma_wait3A_731 = arith.constant 0 : i32
        %dma_wait3A_732 = tpu.memref_slice %arg13[%dma_wait3A_721, %dma_wait3A_730, %dma_wait3A_731] : memref<2x8x16xf32, #tpu.memory_space<vmem>> -> memref<1x8x16xf32, #tpu.memory_space<vmem>>
        %dma_wait3A_733 = tpu.memref_squeeze %dma_wait3A_732 : memref<1x8x16xf32, #tpu.memory_space<vmem>> -> memref<8x16xf32, #tpu.memory_space<vmem>>
        tpu.wait_dma2 semaphore(%arg17 : memref<!tpu.dma_semaphore, #tpu.memory_space<semaphore_mem>>) src(%dma_wait3A_733 : memref<8x16xf32, #tpu.memory_space<vmem>>) dst(%dma_wait3A_729 : memref<8x16xf32, #tpu.memory_space<hbm>>)
        %dma_wait3A_734 = arith.constant 1 : i32
        %dma_wait3A_735 = arith.constant 0 : i32
        %dma_wait3A_736 = arith.constant 0 : i32
        %dma_wait3A_737 = tpu.memref_slice %arg14[%dma_wait3A_734, %dma_wait3A_735, %dma_wait3A_736] : memref<2x8x16xf32, #tpu.memory_space<vmem>> -> memref<1x8x16xf32, #tpu.memory_space<vmem>>
        %dma_wait3A_738 = tpu.memref_squeeze %dma_wait3A_737 : memref<1x8x16xf32, #tpu.memory_space<vmem>> -> memref<8x16xf32, #tpu.memory_space<vmem>>
        %dma_wait3A_739 = arith.constant 0 : i32
        %dma_wait3A_740 = tpu.memref_slice %arg7[%mul3A_412, %dma_wait3A_739] : memref<10240x16xf32, #tpu.memory_space<hbm>> -> memref<8x16xf32, #tpu.memory_space<hbm>>
        %dma_wait3A_741 = arith.constant 0 : i32
        %dma_wait3A_742 = tpu.memref_slice %arg7[%mul3A_412, %dma_wait3A_741] : memref<10240x16xf32, #tpu.memory_space<hbm>> -> memref<8x16xf32, #tpu.memory_space<hbm>>
        %dma_wait3A_743 = arith.constant 0 : i32
        %dma_wait3A_744 = arith.constant 0 : i32
        %dma_wait3A_745 = tpu.memref_slice %arg14[%dma_wait3A_734, %dma_wait3A_743, %dma_wait3A_744] : memref<2x8x16xf32, #tpu.memory_space<vmem>> -> memref<1x8x16xf32, #tpu.memory_space<vmem>>
        %dma_wait3A_746 = tpu.memref_squeeze %dma_wait3A_745 : memref<1x8x16xf32, #tpu.memory_space<vmem>> -> memref<8x16xf32, #tpu.memory_space<vmem>>
        tpu.wait_dma2 semaphore(%arg17 : memref<!tpu.dma_semaphore, #tpu.memory_space<semaphore_mem>>) src(%dma_wait3A_746 : memref<8x16xf32, #tpu.memory_space<vmem>>) dst(%dma_wait3A_742 : memref<8x16xf32, #tpu.memory_space<hbm>>)
        %dma_wait3A_747 = arith.constant 1 : i32
        %dma_wait3A_748 = arith.constant 0 : i32
        %dma_wait3A_749 = arith.constant 0 : i32
        %dma_wait3A_750 = tpu.memref_slice %arg15[%dma_wait3A_747, %dma_wait3A_748, %dma_wait3A_749] : memref<2x8x16xf32, #tpu.memory_space<vmem>> -> memref<1x8x16xf32, #tpu.memory_space<vmem>>
        %dma_wait3A_751 = tpu.memref_squeeze %dma_wait3A_750 : memref<1x8x16xf32, #tpu.memory_space<vmem>> -> memref<8x16xf32, #tpu.memory_space<vmem>>
        %dma_wait3A_752 = arith.constant 0 : i32
        %dma_wait3A_753 = tpu.memref_slice %arg8[%mul3A_412, %dma_wait3A_752] : memref<10240x16xf32, #tpu.memory_space<hbm>> -> memref<8x16xf32, #tpu.memory_space<hbm>>
        %dma_wait3A_754 = arith.constant 0 : i32
        %dma_wait3A_755 = tpu.memref_slice %arg8[%mul3A_412, %dma_wait3A_754] : memref<10240x16xf32, #tpu.memory_space<hbm>> -> memref<8x16xf32, #tpu.memory_space<hbm>>
        %dma_wait3A_756 = arith.constant 0 : i32
        %dma_wait3A_757 = arith.constant 0 : i32
        %dma_wait3A_758 = tpu.memref_slice %arg15[%dma_wait3A_747, %dma_wait3A_756, %dma_wait3A_757] : memref<2x8x16xf32, #tpu.memory_space<vmem>> -> memref<1x8x16xf32, #tpu.memory_space<vmem>>
        %dma_wait3A_759 = tpu.memref_squeeze %dma_wait3A_758 : memref<1x8x16xf32, #tpu.memory_space<vmem>> -> memref<8x16xf32, #tpu.memory_space<vmem>>
        tpu.wait_dma2 semaphore(%arg17 : memref<!tpu.dma_semaphore, #tpu.memory_space<semaphore_mem>>) src(%dma_wait3A_759 : memref<8x16xf32, #tpu.memory_space<vmem>>) dst(%dma_wait3A_755 : memref<8x16xf32, #tpu.memory_space<hbm>>)
      } else {
      }
      %get3A_418 = arith.index_cast %add3A_409 : i32 to index
      %get3A_419 = arith.constant 0 : index
      %get3A_420 = tpu.vector_load %arg9[%get3A_418, %get3A_419] {strides = array<i32>} : memref<40x128xi32, #tpu.memory_space<vmem>>, vector<16xi32>,
      %gather3A_421 = tpu.vector_load_idx %arg10[%get3A_420] : memref<10000xf32, #tpu.memory_space<vmem>>[vector<16xi32>], vector<16xf32>,
      %swap3A_422 = arith.constant 1 : i32
      %swap3A_423 = arith.constant 0 : i32
      %swap3A_424 = arith.constant 0 : i32
      %swap3A_425 = arith.constant 0 : i32
      %swap3A_426 = tpu.memref_slice %arg13[%swap3A_422, %swap3A_424, %swap3A_425] : memref<2x8x16xf32, #tpu.memory_space<vmem>> -> memref<1x8x16xf32, #tpu.memory_space<vmem>>
      %swap3A_427 = tpu.memref_squeeze %swap3A_426 : memref<1x8x16xf32, #tpu.memory_space<vmem>> -> memref<8x16xf32, #tpu.memory_space<vmem>>
      %swap3A_428 = arith.index_cast %swap3A_423 : i32 to index
      %swap3A_429 = arith.constant 0 : index
      %swap3A_430 = tpu.vector_load %swap3A_427[%swap3A_428, %swap3A_429] {strides = array<i32>} : memref<8x16xf32, #tpu.memory_space<vmem>>, vector<16xf32>,
      tpu.vector_store %swap3A_427[%swap3A_428, %swap3A_429], %gather3A_421 {strides = array<i32>} : memref<8x16xf32, #tpu.memory_space<vmem>>, vector<16xf32>,
      %gather3A_431 = tpu.vector_load_idx %arg11[%get3A_420] : memref<10000xf32, #tpu.memory_space<vmem>>[vector<16xi32>], vector<16xf32>,
      %swap3A_432 = arith.constant 1 : i32
      %swap3A_433 = arith.constant 0 : i32
      %swap3A_434 = arith.constant 0 : i32
      %swap3A_435 = arith.constant 0 : i32
      %swap3A_436 = tpu.memref_slice %arg14[%swap3A_432, %swap3A_434, %swap3A_435] : memref<2x8x16xf32, #tpu.memory_space<vmem>> -> memref<1x8x16xf32, #tpu.memory_space<vmem>>
      %swap3A_437 = tpu.memref_squeeze %swap3A_436 : memref<1x8x16xf32, #tpu.memory_space<vmem>> -> memref<8x16xf32, #tpu.memory_space<vmem>>
      %swap3A_438 = arith.index_cast %swap3A_433 : i32 to index
      %swap3A_439 = arith.constant 0 : index
      %swap3A_440 = tpu.vector_load %swap3A_437[%swap3A_438, %swap3A_439] {strides = array<i32>} : memref<8x16xf32, #tpu.memory_space<vmem>>, vector<16xf32>,
      tpu.vector_store %swap3A_437[%swap3A_438, %swap3A_439], %gather3A_431 {strides = array<i32>} : memref<8x16xf32, #tpu.memory_space<vmem>>, vector<16xf32>,
      %gather3A_441 = tpu.vector_load_idx %arg12[%get3A_420] : memref<10000xf32, #tpu.memory_space<vmem>>[vector<16xi32>], vector<16xf32>,
      %swap3A_442 = arith.constant 1 : i32
      %swap3A_443 = arith.constant 0 : i32
      %swap3A_444 = arith.constant 0 : i32
      %swap3A_445 = arith.constant 0 : i32
      %swap3A_446 = tpu.memref_slice %arg15[%swap3A_442, %swap3A_444, %swap3A_445] : memref<2x8x16xf32, #tpu.memory_space<vmem>> -> memref<1x8x16xf32, #tpu.memory_space<vmem>>
      %swap3A_447 = tpu.memref_squeeze %swap3A_446 : memref<1x8x16xf32, #tpu.memory_space<vmem>> -> memref<8x16xf32, #tpu.memory_space<vmem>>
      %swap3A_448 = arith.index_cast %swap3A_443 : i32 to index
      %swap3A_449 = arith.constant 0 : index
      %swap3A_450 = tpu.vector_load %swap3A_447[%swap3A_448, %swap3A_449] {strides = array<i32>} : memref<8x16xf32, #tpu.memory_space<vmem>>, vector<16xf32>,
      tpu.vector_store %swap3A_447[%swap3A_448, %swap3A_449], %gather3A_441 {strides = array<i32>} : memref<8x16xf32, #tpu.memory_space<vmem>>, vector<16xf32>,
      %get3A_451 = arith.index_cast %add3A_409 : i32 to index
      %get3A_452 = arith.constant 16 : index
      %get3A_453 = tpu.vector_load %arg9[%get3A_451, %get3A_452] {strides = array<i32>} : memref<40x128xi32, #tpu.memory_space<vmem>>, vector<16xi32>,
      %gather3A_454 = tpu.vector_load_idx %arg10[%get3A_453] : memref<10000xf32, #tpu.memory_space<vmem>>[vector<16xi32>], vector<16xf32>,
      %swap3A_455 = arith.constant 1 : i32
      %swap3A_456 = arith.constant 1 : i32
      %swap3A_457 = arith.constant 0 : i32
      %swap3A_458 = arith.constant 0 : i32
      %swap3A_459 = tpu.memref_slice %arg13[%swap3A_455, %swap3A_457, %swap3A_458] : memref<2x8x16xf32, #tpu.memory_space<vmem>> -> memref<1x8x16xf32, #tpu.memory_space<vmem>>
      %swap3A_460 = tpu.memref_squeeze %swap3A_459 : memref<1x8x16xf32, #tpu.memory_space<vmem>> -> memref<8x16xf32, #tpu.memory_space<vmem>>
      %swap3A_461 = arith.index_cast %swap3A_456 : i32 to index
      %swap3A_462 = arith.constant 0 : index
      %swap3A_463 = tpu.vector_load %swap3A_460[%swap3A_461, %swap3A_462] {strides = array<i32>} : memref<8x16xf32, #tpu.memory_space<vmem>>, vector<16xf32>,
      tpu.vector_store %swap3A_460[%swap3A_461, %swap3A_462], %gather3A_454 {strides = array<i32>} : memref<8x16xf32, #tpu.memory_space<vmem>>, vector<16xf32>,
      %gather3A_464 = tpu.vector_load_idx %arg11[%get3A_453] : memref<10000xf32, #tpu.memory_space<vmem>>[vector<16xi32>], vector<16xf32>,
      %swap3A_465 = arith.constant 1 : i32
      %swap3A_466 = arith.constant 1 : i32
      %swap3A_467 = arith.constant 0 : i32
      %swap3A_468 = arith.constant 0 : i32
      %swap3A_469 = tpu.memref_slice %arg14[%swap3A_465, %swap3A_467, %swap3A_468] : memref<2x8x16xf32, #tpu.memory_space<vmem>> -> memref<1x8x16xf32, #tpu.memory_space<vmem>>
      %swap3A_470 = tpu.memref_squeeze %swap3A_469 : memref<1x8x16xf32, #tpu.memory_space<vmem>> -> memref<8x16xf32, #tpu.memory_space<vmem>>
      %swap3A_471 = arith.index_cast %swap3A_466 : i32 to index
      %swap3A_472 = arith.constant 0 : index
      %swap3A_473 = tpu.vector_load %swap3A_470[%swap3A_471, %swap3A_472] {strides = array<i32>} : memref<8x16xf32, #tpu.memory_space<vmem>>, vector<16xf32>,
      tpu.vector_store %swap3A_470[%swap3A_471, %swap3A_472], %gather3A_464 {strides = array<i32>} : memref<8x16xf32, #tpu.memory_space<vmem>>, vector<16xf32>,
      %gather3A_474 = tpu.vector_load_idx %arg12[%get3A_453] : memref<10000xf32, #tpu.memory_space<vmem>>[vector<16xi32>], vector<16xf32>,
      %swap3A_475 = arith.constant 1 : i32
      %swap3A_476 = arith.constant 1 : i32
      %swap3A_477 = arith.constant 0 : i32
      %swap3A_478 = arith.constant 0 : i32
      %swap3A_479 = tpu.memref_slice %arg15[%swap3A_475, %swap3A_477, %swap3A_478] : memref<2x8x16xf32, #tpu.memory_space<vmem>> -> memref<1x8x16xf32, #tpu.memory_space<vmem>>
      %swap3A_480 = tpu.memref_squeeze %swap3A_479 : memref<1x8x16xf32, #tpu.memory_space<vmem>> -> memref<8x16xf32, #tpu.memory_space<vmem>>
      %swap3A_481 = arith.index_cast %swap3A_476 : i32 to index
      %swap3A_482 = arith.constant 0 : index
      %swap3A_483 = tpu.vector_load %swap3A_480[%swap3A_481, %swap3A_482] {strides = array<i32>} : memref<8x16xf32, #tpu.memory_space<vmem>>, vector<16xf32>,
      tpu.vector_store %swap3A_480[%swap3A_481, %swap3A_482], %gather3A_474 {strides = array<i32>} : memref<8x16xf32, #tpu.memory_space<vmem>>, vector<16xf32>,
      %get3A_484 = arith.index_cast %add3A_409 : i32 to index
      %get3A_485 = arith.constant 32 : index
      %get3A_486 = tpu.vector_load %arg9[%get3A_484, %get3A_485] {strides = array<i32>} : memref<40x128xi32, #tpu.memory_space<vmem>>, vector<16xi32>,
      %gather3A_487 = tpu.vector_load_idx %arg10[%get3A_486] : memref<10000xf32, #tpu.memory_space<vmem>>[vector<16xi32>], vector<16xf32>,
      %swap3A_488 = arith.constant 1 : i32
      %swap3A_489 = arith.constant 2 : i32
      %swap3A_490 = arith.constant 0 : i32
      %swap3A_491 = arith.constant 0 : i32
      %swap3A_492 = tpu.memref_slice %arg13[%swap3A_488, %swap3A_490, %swap3A_491] : memref<2x8x16xf32, #tpu.memory_space<vmem>> -> memref<1x8x16xf32, #tpu.memory_space<vmem>>
      %swap3A_493 = tpu.memref_squeeze %swap3A_492 : memref<1x8x16xf32, #tpu.memory_space<vmem>> -> memref<8x16xf32, #tpu.memory_space<vmem>>
      %swap3A_494 = arith.index_cast %swap3A_489 : i32 to index
      %swap3A_495 = arith.constant 0 : index
      %swap3A_496 = tpu.vector_load %swap3A_493[%swap3A_494, %swap3A_495] {strides = array<i32>} : memref<8x16xf32, #tpu.memory_space<vmem>>, vector<16xf32>,
      tpu.vector_store %swap3A_493[%swap3A_494, %swap3A_495], %gather3A_487 {strides = array<i32>} : memref<8x16xf32, #tpu.memory_space<vmem>>, vector<16xf32>,
      %gather3A_497 = tpu.vector_load_idx %arg11[%get3A_486] : memref<10000xf32, #tpu.memory_space<vmem>>[vector<16xi32>], vector<16xf32>,
      %swap3A_498 = arith.constant 1 : i32
      %swap3A_499 = arith.constant 2 : i32
      %swap3A_500 = arith.constant 0 : i32
      %swap3A_501 = arith.constant 0 : i32
      %swap3A_502 = tpu.memref_slice %arg14[%swap3A_498, %swap3A_500, %swap3A_501] : memref<2x8x16xf32, #tpu.memory_space<vmem>> -> memref<1x8x16xf32, #tpu.memory_space<vmem>>
      %swap3A_503 = tpu.memref_squeeze %swap3A_502 : memref<1x8x16xf32, #tpu.memory_space<vmem>> -> memref<8x16xf32, #tpu.memory_space<vmem>>
      %swap3A_504 = arith.index_cast %swap3A_499 : i32 to index
      %swap3A_505 = arith.constant 0 : index
      %swap3A_506 = tpu.vector_load %swap3A_503[%swap3A_504, %swap3A_505] {strides = array<i32>} : memref<8x16xf32, #tpu.memory_space<vmem>>, vector<16xf32>,
      tpu.vector_store %swap3A_503[%swap3A_504, %swap3A_505], %gather3A_497 {strides = array<i32>} : memref<8x16xf32, #tpu.memory_space<vmem>>, vector<16xf32>,
      %gather3A_507 = tpu.vector_load_idx %arg12[%get3A_486] : memref<10000xf32, #tpu.memory_space<vmem>>[vector<16xi32>], vector<16xf32>,
      %swap3A_508 = arith.constant 1 : i32
      %swap3A_509 = arith.constant 2 : i32
      %swap3A_510 = arith.constant 0 : i32
      %swap3A_511 = arith.constant 0 : i32
      %swap3A_512 = tpu.memref_slice %arg15[%swap3A_508, %swap3A_510, %swap3A_511] : memref<2x8x16xf32, #tpu.memory_space<vmem>> -> memref<1x8x16xf32, #tpu.memory_space<vmem>>
      %swap3A_513 = tpu.memref_squeeze %swap3A_512 : memref<1x8x16xf32, #tpu.memory_space<vmem>> -> memref<8x16xf32, #tpu.memory_space<vmem>>
      %swap3A_514 = arith.index_cast %swap3A_509 : i32 to index
      %swap3A_515 = arith.constant 0 : index
      %swap3A_516 = tpu.vector_load %swap3A_513[%swap3A_514, %swap3A_515] {strides = array<i32>} : memref<8x16xf32, #tpu.memory_space<vmem>>, vector<16xf32>,
      tpu.vector_store %swap3A_513[%swap3A_514, %swap3A_515], %gather3A_507 {strides = array<i32>} : memref<8x16xf32, #tpu.memory_space<vmem>>, vector<16xf32>,
      %get3A_517 = arith.index_cast %add3A_409 : i32 to index
      %get3A_518 = arith.constant 48 : index
      %get3A_519 = tpu.vector_load %arg9[%get3A_517, %get3A_518] {strides = array<i32>} : memref<40x128xi32, #tpu.memory_space<vmem>>, vector<16xi32>,
      %gather3A_520 = tpu.vector_load_idx %arg10[%get3A_519] : memref<10000xf32, #tpu.memory_space<vmem>>[vector<16xi32>], vector<16xf32>,
      %swap3A_521 = arith.constant 1 : i32
      %swap3A_522 = arith.constant 3 : i32
      %swap3A_523 = arith.constant 0 : i32
      %swap3A_524 = arith.constant 0 : i32
      %swap3A_525 = tpu.memref_slice %arg13[%swap3A_521, %swap3A_523, %swap3A_524] : memref<2x8x16xf32, #tpu.memory_space<vmem>> -> memref<1x8x16xf32, #tpu.memory_space<vmem>>
      %swap3A_526 = tpu.memref_squeeze %swap3A_525 : memref<1x8x16xf32, #tpu.memory_space<vmem>> -> memref<8x16xf32, #tpu.memory_space<vmem>>
      %swap3A_527 = arith.index_cast %swap3A_522 : i32 to index
      %swap3A_528 = arith.constant 0 : index
      %swap3A_529 = tpu.vector_load %swap3A_526[%swap3A_527, %swap3A_528] {strides = array<i32>} : memref<8x16xf32, #tpu.memory_space<vmem>>, vector<16xf32>,
      tpu.vector_store %swap3A_526[%swap3A_527, %swap3A_528], %gather3A_520 {strides = array<i32>} : memref<8x16xf32, #tpu.memory_space<vmem>>, vector<16xf32>,
      %gather3A_530 = tpu.vector_load_idx %arg11[%get3A_519] : memref<10000xf32, #tpu.memory_space<vmem>>[vector<16xi32>], vector<16xf32>,
      %swap3A_531 = arith.constant 1 : i32
      %swap3A_532 = arith.constant 3 : i32
      %swap3A_533 = arith.constant 0 : i32
      %swap3A_534 = arith.constant 0 : i32
      %swap3A_535 = tpu.memref_slice %arg14[%swap3A_531, %swap3A_533, %swap3A_534] : memref<2x8x16xf32, #tpu.memory_space<vmem>> -> memref<1x8x16xf32, #tpu.memory_space<vmem>>
      %swap3A_536 = tpu.memref_squeeze %swap3A_535 : memref<1x8x16xf32, #tpu.memory_space<vmem>> -> memref<8x16xf32, #tpu.memory_space<vmem>>
      %swap3A_537 = arith.index_cast %swap3A_532 : i32 to index
      %swap3A_538 = arith.constant 0 : index
      %swap3A_539 = tpu.vector_load %swap3A_536[%swap3A_537, %swap3A_538] {strides = array<i32>} : memref<8x16xf32, #tpu.memory_space<vmem>>, vector<16xf32>,
      tpu.vector_store %swap3A_536[%swap3A_537, %swap3A_538], %gather3A_530 {strides = array<i32>} : memref<8x16xf32, #tpu.memory_space<vmem>>, vector<16xf32>,
      %gather3A_540 = tpu.vector_load_idx %arg12[%get3A_519] : memref<10000xf32, #tpu.memory_space<vmem>>[vector<16xi32>], vector<16xf32>,
      %swap3A_541 = arith.constant 1 : i32
      %swap3A_542 = arith.constant 3 : i32
      %swap3A_543 = arith.constant 0 : i32
      %swap3A_544 = arith.constant 0 : i32
      %swap3A_545 = tpu.memref_slice %arg15[%swap3A_541, %swap3A_543, %swap3A_544] : memref<2x8x16xf32, #tpu.memory_space<vmem>> -> memref<1x8x16xf32, #tpu.memory_space<vmem>>
      %swap3A_546 = tpu.memref_squeeze %swap3A_545 : memref<1x8x16xf32, #tpu.memory_space<vmem>> -> memref<8x16xf32, #tpu.memory_space<vmem>>
      %swap3A_547 = arith.index_cast %swap3A_542 : i32 to index
      %swap3A_548 = arith.constant 0 : index
      %swap3A_549 = tpu.vector_load %swap3A_546[%swap3A_547, %swap3A_548] {strides = array<i32>} : memref<8x16xf32, #tpu.memory_space<vmem>>, vector<16xf32>,
      tpu.vector_store %swap3A_546[%swap3A_547, %swap3A_548], %gather3A_540 {strides = array<i32>} : memref<8x16xf32, #tpu.memory_space<vmem>>, vector<16xf32>,
      %get3A_550 = arith.index_cast %add3A_409 : i32 to index
      %get3A_551 = arith.constant 64 : index
      %get3A_552 = tpu.vector_load %arg9[%get3A_550, %get3A_551] {strides = array<i32>} : memref<40x128xi32, #tpu.memory_space<vmem>>, vector<16xi32>,
      %gather3A_553 = tpu.vector_load_idx %arg10[%get3A_552] : memref<10000xf32, #tpu.memory_space<vmem>>[vector<16xi32>], vector<16xf32>,
      %swap3A_554 = arith.constant 1 : i32
      %swap3A_555 = arith.constant 4 : i32
      %swap3A_556 = arith.constant 0 : i32
      %swap3A_557 = arith.constant 0 : i32
      %swap3A_558 = tpu.memref_slice %arg13[%swap3A_554, %swap3A_556, %swap3A_557] : memref<2x8x16xf32, #tpu.memory_space<vmem>> -> memref<1x8x16xf32, #tpu.memory_space<vmem>>
      %swap3A_559 = tpu.memref_squeeze %swap3A_558 : memref<1x8x16xf32, #tpu.memory_space<vmem>> -> memref<8x16xf32, #tpu.memory_space<vmem>>
      %swap3A_560 = arith.index_cast %swap3A_555 : i32 to index
      %swap3A_561 = arith.constant 0 : index
      %swap3A_562 = tpu.vector_load %swap3A_559[%swap3A_560, %swap3A_561] {strides = array<i32>} : memref<8x16xf32, #tpu.memory_space<vmem>>, vector<16xf32>,
      tpu.vector_store %swap3A_559[%swap3A_560, %swap3A_561], %gather3A_553 {strides = array<i32>} : memref<8x16xf32, #tpu.memory_space<vmem>>, vector<16xf32>,
      %gather3A_563 = tpu.vector_load_idx %arg11[%get3A_552] : memref<10000xf32, #tpu.memory_space<vmem>>[vector<16xi32>], vector<16xf32>,
      %swap3A_564 = arith.constant 1 : i32
      %swap3A_565 = arith.constant 4 : i32
      %swap3A_566 = arith.constant 0 : i32
      %swap3A_567 = arith.constant 0 : i32
      %swap3A_568 = tpu.memref_slice %arg14[%swap3A_564, %swap3A_566, %swap3A_567] : memref<2x8x16xf32, #tpu.memory_space<vmem>> -> memref<1x8x16xf32, #tpu.memory_space<vmem>>
      %swap3A_569 = tpu.memref_squeeze %swap3A_568 : memref<1x8x16xf32, #tpu.memory_space<vmem>> -> memref<8x16xf32, #tpu.memory_space<vmem>>
      %swap3A_570 = arith.index_cast %swap3A_565 : i32 to index
      %swap3A_571 = arith.constant 0 : index
      %swap3A_572 = tpu.vector_load %swap3A_569[%swap3A_570, %swap3A_571] {strides = array<i32>} : memref<8x16xf32, #tpu.memory_space<vmem>>, vector<16xf32>,
      tpu.vector_store %swap3A_569[%swap3A_570, %swap3A_571], %gather3A_563 {strides = array<i32>} : memref<8x16xf32, #tpu.memory_space<vmem>>, vector<16xf32>,
      %gather3A_573 = tpu.vector_load_idx %arg12[%get3A_552] : memref<10000xf32, #tpu.memory_space<vmem>>[vector<16xi32>], vector<16xf32>,
      %swap3A_574 = arith.constant 1 : i32
      %swap3A_575 = arith.constant 4 : i32
      %swap3A_576 = arith.constant 0 : i32
      %swap3A_577 = arith.constant 0 : i32
      %swap3A_578 = tpu.memref_slice %arg15[%swap3A_574, %swap3A_576, %swap3A_577] : memref<2x8x16xf32, #tpu.memory_space<vmem>> -> memref<1x8x16xf32, #tpu.memory_space<vmem>>
      %swap3A_579 = tpu.memref_squeeze %swap3A_578 : memref<1x8x16xf32, #tpu.memory_space<vmem>> -> memref<8x16xf32, #tpu.memory_space<vmem>>
      %swap3A_580 = arith.index_cast %swap3A_575 : i32 to index
      %swap3A_581 = arith.constant 0 : index
      %swap3A_582 = tpu.vector_load %swap3A_579[%swap3A_580, %swap3A_581] {strides = array<i32>} : memref<8x16xf32, #tpu.memory_space<vmem>>, vector<16xf32>,
      tpu.vector_store %swap3A_579[%swap3A_580, %swap3A_581], %gather3A_573 {strides = array<i32>} : memref<8x16xf32, #tpu.memory_space<vmem>>, vector<16xf32>,
      %get3A_583 = arith.index_cast %add3A_409 : i32 to index
      %get3A_584 = arith.constant 80 : index
      %get3A_585 = tpu.vector_load %arg9[%get3A_583, %get3A_584] {strides = array<i32>} : memref<40x128xi32, #tpu.memory_space<vmem>>, vector<16xi32>,
      %gather3A_586 = tpu.vector_load_idx %arg10[%get3A_585] : memref<10000xf32, #tpu.memory_space<vmem>>[vector<16xi32>], vector<16xf32>,
      %swap3A_587 = arith.constant 1 : i32
      %swap3A_588 = arith.constant 5 : i32
      %swap3A_589 = arith.constant 0 : i32
      %swap3A_590 = arith.constant 0 : i32
      %swap3A_591 = tpu.memref_slice %arg13[%swap3A_587, %swap3A_589, %swap3A_590] : memref<2x8x16xf32, #tpu.memory_space<vmem>> -> memref<1x8x16xf32, #tpu.memory_space<vmem>>
      %swap3A_592 = tpu.memref_squeeze %swap3A_591 : memref<1x8x16xf32, #tpu.memory_space<vmem>> -> memref<8x16xf32, #tpu.memory_space<vmem>>
      %swap3A_593 = arith.index_cast %swap3A_588 : i32 to index
      %swap3A_594 = arith.constant 0 : index
      %swap3A_595 = tpu.vector_load %swap3A_592[%swap3A_593, %swap3A_594] {strides = array<i32>} : memref<8x16xf32, #tpu.memory_space<vmem>>, vector<16xf32>,
      tpu.vector_store %swap3A_592[%swap3A_593, %swap3A_594], %gather3A_586 {strides = array<i32>} : memref<8x16xf32, #tpu.memory_space<vmem>>, vector<16xf32>,
      %gather3A_596 = tpu.vector_load_idx %arg11[%get3A_585] : memref<10000xf32, #tpu.memory_space<vmem>>[vector<16xi32>], vector<16xf32>,
      %swap3A_597 = arith.constant 1 : i32
      %swap3A_598 = arith.constant 5 : i32
      %swap3A_599 = arith.constant 0 : i32
      %swap3A_600 = arith.constant 0 : i32
      %swap3A_601 = tpu.memref_slice %arg14[%swap3A_597, %swap3A_599, %swap3A_600] : memref<2x8x16xf32, #tpu.memory_space<vmem>> -> memref<1x8x16xf32, #tpu.memory_space<vmem>>
      %swap3A_602 = tpu.memref_squeeze %swap3A_601 : memref<1x8x16xf32, #tpu.memory_space<vmem>> -> memref<8x16xf32, #tpu.memory_space<vmem>>
      %swap3A_603 = arith.index_cast %swap3A_598 : i32 to index
      %swap3A_604 = arith.constant 0 : index
      %swap3A_605 = tpu.vector_load %swap3A_602[%swap3A_603, %swap3A_604] {strides = array<i32>} : memref<8x16xf32, #tpu.memory_space<vmem>>, vector<16xf32>,
      tpu.vector_store %swap3A_602[%swap3A_603, %swap3A_604], %gather3A_596 {strides = array<i32>} : memref<8x16xf32, #tpu.memory_space<vmem>>, vector<16xf32>,
      %gather3A_606 = tpu.vector_load_idx %arg12[%get3A_585] : memref<10000xf32, #tpu.memory_space<vmem>>[vector<16xi32>], vector<16xf32>,
      %swap3A_607 = arith.constant 1 : i32
      %swap3A_608 = arith.constant 5 : i32
      %swap3A_609 = arith.constant 0 : i32
      %swap3A_610 = arith.constant 0 : i32
      %swap3A_611 = tpu.memref_slice %arg15[%swap3A_607, %swap3A_609, %swap3A_610] : memref<2x8x16xf32, #tpu.memory_space<vmem>> -> memref<1x8x16xf32, #tpu.memory_space<vmem>>
      %swap3A_612 = tpu.memref_squeeze %swap3A_611 : memref<1x8x16xf32, #tpu.memory_space<vmem>> -> memref<8x16xf32, #tpu.memory_space<vmem>>
      %swap3A_613 = arith.index_cast %swap3A_608 : i32 to index
      %swap3A_614 = arith.constant 0 : index
      %swap3A_615 = tpu.vector_load %swap3A_612[%swap3A_613, %swap3A_614] {strides = array<i32>} : memref<8x16xf32, #tpu.memory_space<vmem>>, vector<16xf32>,
      tpu.vector_store %swap3A_612[%swap3A_613, %swap3A_614], %gather3A_606 {strides = array<i32>} : memref<8x16xf32, #tpu.memory_space<vmem>>, vector<16xf32>,
      %get3A_616 = arith.index_cast %add3A_409 : i32 to index
      %get3A_617 = arith.constant 96 : index
      %get3A_618 = tpu.vector_load %arg9[%get3A_616, %get3A_617] {strides = array<i32>} : memref<40x128xi32, #tpu.memory_space<vmem>>, vector<16xi32>,
      %gather3A_619 = tpu.vector_load_idx %arg10[%get3A_618] : memref<10000xf32, #tpu.memory_space<vmem>>[vector<16xi32>], vector<16xf32>,
      %swap3A_620 = arith.constant 1 : i32
      %swap3A_621 = arith.constant 6 : i32
      %swap3A_622 = arith.constant 0 : i32
      %swap3A_623 = arith.constant 0 : i32
      %swap3A_624 = tpu.memref_slice %arg13[%swap3A_620, %swap3A_622, %swap3A_623] : memref<2x8x16xf32, #tpu.memory_space<vmem>> -> memref<1x8x16xf32, #tpu.memory_space<vmem>>
      %swap3A_625 = tpu.memref_squeeze %swap3A_624 : memref<1x8x16xf32, #tpu.memory_space<vmem>> -> memref<8x16xf32, #tpu.memory_space<vmem>>
      %swap3A_626 = arith.index_cast %swap3A_621 : i32 to index
      %swap3A_627 = arith.constant 0 : index
      %swap3A_628 = tpu.vector_load %swap3A_625[%swap3A_626, %swap3A_627] {strides = array<i32>} : memref<8x16xf32, #tpu.memory_space<vmem>>, vector<16xf32>,
      tpu.vector_store %swap3A_625[%swap3A_626, %swap3A_627], %gather3A_619 {strides = array<i32>} : memref<8x16xf32, #tpu.memory_space<vmem>>, vector<16xf32>,
      %gather3A_629 = tpu.vector_load_idx %arg11[%get3A_618] : memref<10000xf32, #tpu.memory_space<vmem>>[vector<16xi32>], vector<16xf32>,
      %swap3A_630 = arith.constant 1 : i32
      %swap3A_631 = arith.constant 6 : i32
      %swap3A_632 = arith.constant 0 : i32
      %swap3A_633 = arith.constant 0 : i32
      %swap3A_634 = tpu.memref_slice %arg14[%swap3A_630, %swap3A_632, %swap3A_633] : memref<2x8x16xf32, #tpu.memory_space<vmem>> -> memref<1x8x16xf32, #tpu.memory_space<vmem>>
      %swap3A_635 = tpu.memref_squeeze %swap3A_634 : memref<1x8x16xf32, #tpu.memory_space<vmem>> -> memref<8x16xf32, #tpu.memory_space<vmem>>
      %swap3A_636 = arith.index_cast %swap3A_631 : i32 to index
      %swap3A_637 = arith.constant 0 : index
      %swap3A_638 = tpu.vector_load %swap3A_635[%swap3A_636, %swap3A_637] {strides = array<i32>} : memref<8x16xf32, #tpu.memory_space<vmem>>, vector<16xf32>,
      tpu.vector_store %swap3A_635[%swap3A_636, %swap3A_637], %gather3A_629 {strides = array<i32>} : memref<8x16xf32, #tpu.memory_space<vmem>>, vector<16xf32>,
      %gather3A_639 = tpu.vector_load_idx %arg12[%get3A_618] : memref<10000xf32, #tpu.memory_space<vmem>>[vector<16xi32>], vector<16xf32>,
      %swap3A_640 = arith.constant 1 : i32
      %swap3A_641 = arith.constant 6 : i32
      %swap3A_642 = arith.constant 0 : i32
      %swap3A_643 = arith.constant 0 : i32
      %swap3A_644 = tpu.memref_slice %arg15[%swap3A_640, %swap3A_642, %swap3A_643] : memref<2x8x16xf32, #tpu.memory_space<vmem>> -> memref<1x8x16xf32, #tpu.memory_space<vmem>>
      %swap3A_645 = tpu.memref_squeeze %swap3A_644 : memref<1x8x16xf32, #tpu.memory_space<vmem>> -> memref<8x16xf32, #tpu.memory_space<vmem>>
      %swap3A_646 = arith.index_cast %swap3A_641 : i32 to index
      %swap3A_647 = arith.constant 0 : index
      %swap3A_648 = tpu.vector_load %swap3A_645[%swap3A_646, %swap3A_647] {strides = array<i32>} : memref<8x16xf32, #tpu.memory_space<vmem>>, vector<16xf32>,
      tpu.vector_store %swap3A_645[%swap3A_646, %swap3A_647], %gather3A_639 {strides = array<i32>} : memref<8x16xf32, #tpu.memory_space<vmem>>, vector<16xf32>,
      %get3A_649 = arith.index_cast %add3A_409 : i32 to index
      %get3A_650 = arith.constant 112 : index
      %get3A_651 = tpu.vector_load %arg9[%get3A_649, %get3A_650] {strides = array<i32>} : memref<40x128xi32, #tpu.memory_space<vmem>>, vector<16xi32>,
      %gather3A_652 = tpu.vector_load_idx %arg10[%get3A_651] : memref<10000xf32, #tpu.memory_space<vmem>>[vector<16xi32>], vector<16xf32>,
      %swap3A_653 = arith.constant 1 : i32
      %swap3A_654 = arith.constant 7 : i32
      %swap3A_655 = arith.constant 0 : i32
      %swap3A_656 = arith.constant 0 : i32
      %swap3A_657 = tpu.memref_slice %arg13[%swap3A_653, %swap3A_655, %swap3A_656] : memref<2x8x16xf32, #tpu.memory_space<vmem>> -> memref<1x8x16xf32, #tpu.memory_space<vmem>>
      %swap3A_658 = tpu.memref_squeeze %swap3A_657 : memref<1x8x16xf32, #tpu.memory_space<vmem>> -> memref<8x16xf32, #tpu.memory_space<vmem>>
      %swap3A_659 = arith.index_cast %swap3A_654 : i32 to index
      %swap3A_660 = arith.constant 0 : index
      %swap3A_661 = tpu.vector_load %swap3A_658[%swap3A_659, %swap3A_660] {strides = array<i32>} : memref<8x16xf32, #tpu.memory_space<vmem>>, vector<16xf32>,
      tpu.vector_store %swap3A_658[%swap3A_659, %swap3A_660], %gather3A_652 {strides = array<i32>} : memref<8x16xf32, #tpu.memory_space<vmem>>, vector<16xf32>,
      %gather3A_662 = tpu.vector_load_idx %arg11[%get3A_651] : memref<10000xf32, #tpu.memory_space<vmem>>[vector<16xi32>], vector<16xf32>,
      %swap3A_663 = arith.constant 1 : i32
      %swap3A_664 = arith.constant 7 : i32
      %swap3A_665 = arith.constant 0 : i32
      %swap3A_666 = arith.constant 0 : i32
      %swap3A_667 = tpu.memref_slice %arg14[%swap3A_663, %swap3A_665, %swap3A_666] : memref<2x8x16xf32, #tpu.memory_space<vmem>> -> memref<1x8x16xf32, #tpu.memory_space<vmem>>
      %swap3A_668 = tpu.memref_squeeze %swap3A_667 : memref<1x8x16xf32, #tpu.memory_space<vmem>> -> memref<8x16xf32, #tpu.memory_space<vmem>>
      %swap3A_669 = arith.index_cast %swap3A_664 : i32 to index
      %swap3A_670 = arith.constant 0 : index
      %swap3A_671 = tpu.vector_load %swap3A_668[%swap3A_669, %swap3A_670] {strides = array<i32>} : memref<8x16xf32, #tpu.memory_space<vmem>>, vector<16xf32>,
      tpu.vector_store %swap3A_668[%swap3A_669, %swap3A_670], %gather3A_662 {strides = array<i32>} : memref<8x16xf32, #tpu.memory_space<vmem>>, vector<16xf32>,
      %gather3A_672 = tpu.vector_load_idx %arg12[%get3A_651] : memref<10000xf32, #tpu.memory_space<vmem>>[vector<16xi32>], vector<16xf32>,
      %swap3A_673 = arith.constant 1 : i32
      %swap3A_674 = arith.constant 7 : i32
      %swap3A_675 = arith.constant 0 : i32
      %swap3A_676 = arith.constant 0 : i32
      %swap3A_677 = tpu.memref_slice %arg15[%swap3A_673, %swap3A_675, %swap3A_676] : memref<2x8x16xf32, #tpu.memory_space<vmem>> -> memref<1x8x16xf32, #tpu.memory_space<vmem>>
      %swap3A_678 = tpu.memref_squeeze %swap3A_677 : memref<1x8x16xf32, #tpu.memory_space<vmem>> -> memref<8x16xf32, #tpu.memory_space<vmem>>
      %swap3A_679 = arith.index_cast %swap3A_674 : i32 to index
      %swap3A_680 = arith.constant 0 : index
      %swap3A_681 = tpu.vector_load %swap3A_678[%swap3A_679, %swap3A_680] {strides = array<i32>} : memref<8x16xf32, #tpu.memory_space<vmem>>, vector<16xf32>,
      tpu.vector_store %swap3A_678[%swap3A_679, %swap3A_680], %gather3A_672 {strides = array<i32>} : memref<8x16xf32, #tpu.memory_space<vmem>>, vector<16xf32>,
      %dma_start3A_682 = arith.constant 1 : i32
      %dma_start3A_683 = arith.constant 0 : i32
      %dma_start3A_684 = arith.constant 0 : i32
      %dma_start3A_685 = tpu.memref_slice %arg13[%dma_start3A_682, %dma_start3A_683, %dma_start3A_684] : memref<2x8x16xf32, #tpu.memory_space<vmem>> -> memref<1x8x16xf32, #tpu.memory_space<vmem>>
      %dma_start3A_686 = tpu.memref_squeeze %dma_start3A_685 : memref<1x8x16xf32, #tpu.memory_space<vmem>> -> memref<8x16xf32, #tpu.memory_space<vmem>>
      %dma_start3A_687 = arith.constant 0 : i32
      %dma_start3A_688 = tpu.memref_slice %arg6[%mul3A_412, %dma_start3A_687] : memref<10240x16xf32, #tpu.memory_space<hbm>> -> memref<8x16xf32, #tpu.memory_space<hbm>>
      %dma_start3A_689 = arith.constant 0 : i32
      %dma_start3A_690 = tpu.memref_slice %arg6[%mul3A_412, %dma_start3A_689] : memref<10240x16xf32, #tpu.memory_space<hbm>> -> memref<8x16xf32, #tpu.memory_space<hbm>>
      %dma_start3A_691 = arith.constant 0 : i32
      %dma_start3A_692 = arith.constant 0 : i32
      %dma_start3A_693 = tpu.memref_slice %arg13[%dma_start3A_682, %dma_start3A_691, %dma_start3A_692] : memref<2x8x16xf32, #tpu.memory_space<vmem>> -> memref<1x8x16xf32, #tpu.memory_space<vmem>>
      %dma_start3A_694 = tpu.memref_squeeze %dma_start3A_693 : memref<1x8x16xf32, #tpu.memory_space<vmem>> -> memref<8x16xf32, #tpu.memory_space<vmem>>
      tpu.enqueue_dma source(%dma_start3A_694 : memref<8x16xf32, #tpu.memory_space<vmem>>) target(%dma_start3A_690 : memref<8x16xf32, #tpu.memory_space<hbm>>) target_semaphore(%arg17 : memref<!tpu.dma_semaphore, #tpu.memory_space<semaphore_mem>>)
      %dma_start3A_695 = arith.constant 1 : i32
      %dma_start3A_696 = arith.constant 0 : i32
      %dma_start3A_697 = arith.constant 0 : i32
      %dma_start3A_698 = tpu.memref_slice %arg14[%dma_start3A_695, %dma_start3A_696, %dma_start3A_697] : memref<2x8x16xf32, #tpu.memory_space<vmem>> -> memref<1x8x16xf32, #tpu.memory_space<vmem>>
      %dma_start3A_699 = tpu.memref_squeeze %dma_start3A_698 : memref<1x8x16xf32, #tpu.memory_space<vmem>> -> memref<8x16xf32, #tpu.memory_space<vmem>>
      %dma_start3A_700 = arith.constant 0 : i32
      %dma_start3A_701 = tpu.memref_slice %arg7[%mul3A_412, %dma_start3A_700] : memref<10240x16xf32, #tpu.memory_space<hbm>> -> memref<8x16xf32, #tpu.memory_space<hbm>>
      %dma_start3A_702 = arith.constant 0 : i32
      %dma_start3A_703 = tpu.memref_slice %arg7[%mul3A_412, %dma_start3A_702] : memref<10240x16xf32, #tpu.memory_space<hbm>> -> memref<8x16xf32, #tpu.memory_space<hbm>>
      %dma_start3A_704 = arith.constant 0 : i32
      %dma_start3A_705 = arith.constant 0 : i32
      %dma_start3A_706 = tpu.memref_slice %arg14[%dma_start3A_695, %dma_start3A_704, %dma_start3A_705] : memref<2x8x16xf32, #tpu.memory_space<vmem>> -> memref<1x8x16xf32, #tpu.memory_space<vmem>>
      %dma_start3A_707 = tpu.memref_squeeze %dma_start3A_706 : memref<1x8x16xf32, #tpu.memory_space<vmem>> -> memref<8x16xf32, #tpu.memory_space<vmem>>
      tpu.enqueue_dma source(%dma_start3A_707 : memref<8x16xf32, #tpu.memory_space<vmem>>) target(%dma_start3A_703 : memref<8x16xf32, #tpu.memory_space<hbm>>) target_semaphore(%arg17 : memref<!tpu.dma_semaphore, #tpu.memory_space<semaphore_mem>>)
      %dma_start3A_708 = arith.constant 1 : i32
      %dma_start3A_709 = arith.constant 0 : i32
      %dma_start3A_710 = arith.constant 0 : i32
      %dma_start3A_711 = tpu.memref_slice %arg15[%dma_start3A_708, %dma_start3A_709, %dma_start3A_710] : memref<2x8x16xf32, #tpu.memory_space<vmem>> -> memref<1x8x16xf32, #tpu.memory_space<vmem>>
      %dma_start3A_712 = tpu.memref_squeeze %dma_start3A_711 : memref<1x8x16xf32, #tpu.memory_space<vmem>> -> memref<8x16xf32, #tpu.memory_space<vmem>>
      %dma_start3A_713 = arith.constant 0 : i32
      %dma_start3A_714 = tpu.memref_slice %arg8[%mul3A_412, %dma_start3A_713] : memref<10240x16xf32, #tpu.memory_space<hbm>> -> memref<8x16xf32, #tpu.memory_space<hbm>>
      %dma_start3A_715 = arith.constant 0 : i32
      %dma_start3A_716 = tpu.memref_slice %arg8[%mul3A_412, %dma_start3A_715] : memref<10240x16xf32, #tpu.memory_space<hbm>> -> memref<8x16xf32, #tpu.memory_space<hbm>>
      %dma_start3A_717 = arith.constant 0 : i32
      %dma_start3A_718 = arith.constant 0 : i32
      %dma_start3A_719 = tpu.memref_slice %arg15[%dma_start3A_708, %dma_start3A_717, %dma_start3A_718] : memref<2x8x16xf32, #tpu.memory_space<vmem>> -> memref<1x8x16xf32, #tpu.memory_space<vmem>>
      %dma_start3A_720 = tpu.memref_squeeze %dma_start3A_719 : memref<1x8x16xf32, #tpu.memory_space<vmem>> -> memref<8x16xf32, #tpu.memory_space<vmem>>
      tpu.enqueue_dma source(%dma_start3A_720 : memref<8x16xf32, #tpu.memory_space<vmem>>) target(%dma_start3A_716 : memref<8x16xf32, #tpu.memory_space<hbm>>) target_semaphore(%arg17 : memref<!tpu.dma_semaphore, #tpu.memory_space<semaphore_mem>>)
    }
    %scan3A_7 = arith.constant 20 : i32
    %mul3A_8 = arith.constant 8 : i32
    %mul3A_9 = arith.muli %mul3A_2, %mul3A_8 : i32
    %dma_wait3A = arith.constant 0 : i32
    %dma_wait3A_10 = arith.constant 0 : i32
    %dma_wait3A_11 = arith.constant 0 : i32
    %dma_wait3A_12 = tpu.memref_slice %arg13[%dma_wait3A, %dma_wait3A_10, %dma_wait3A_11] : memref<2x8x16xf32, #tpu.memory_space<vmem>> -> memref<1x8x16xf32, #tpu.memory_space<vmem>>
    %dma_wait3A_13 = tpu.memref_squeeze %dma_wait3A_12 : memref<1x8x16xf32, #tpu.memory_space<vmem>> -> memref<8x16xf32, #tpu.memory_space<vmem>>
    %dma_wait3A_14 = arith.constant 0 : i32
    %dma_wait3A_15 = tpu.memref_slice %arg6[%mul3A_9, %dma_wait3A_14] : memref<10240x16xf32, #tpu.memory_space<hbm>> -> memref<8x16xf32, #tpu.memory_space<hbm>>
    %dma_wait3A_16 = arith.constant 0 : i32
    %dma_wait3A_17 = tpu.memref_slice %arg6[%mul3A_9, %dma_wait3A_16] : memref<10240x16xf32, #tpu.memory_space<hbm>> -> memref<8x16xf32, #tpu.memory_space<hbm>>
    %dma_wait3A_18 = arith.constant 0 : i32
    %dma_wait3A_19 = arith.constant 0 : i32
    %dma_wait3A_20 = tpu.memref_slice %arg13[%dma_wait3A, %dma_wait3A_18, %dma_wait3A_19] : memref<2x8x16xf32, #tpu.memory_space<vmem>> -> memref<1x8x16xf32, #tpu.memory_space<vmem>>
    %dma_wait3A_21 = tpu.memref_squeeze %dma_wait3A_20 : memref<1x8x16xf32, #tpu.memory_space<vmem>> -> memref<8x16xf32, #tpu.memory_space<vmem>>
    tpu.wait_dma2 semaphore(%arg16 : memref<!tpu.dma_semaphore, #tpu.memory_space<semaphore_mem>>) src(%dma_wait3A_21 : memref<8x16xf32, #tpu.memory_space<vmem>>) dst(%dma_wait3A_17 : memref<8x16xf32, #tpu.memory_space<hbm>>)
    %mul3A_22 = arith.constant 8 : i32
    %mul3A_23 = arith.muli %mul3A_2, %mul3A_22 : i32
    %dma_wait3A_24 = arith.constant 0 : i32
    %dma_wait3A_25 = arith.constant 0 : i32
    %dma_wait3A_26 = arith.constant 0 : i32
    %dma_wait3A_27 = tpu.memref_slice %arg14[%dma_wait3A_24, %dma_wait3A_25, %dma_wait3A_26] : memref<2x8x16xf32, #tpu.memory_space<vmem>> -> memref<1x8x16xf32, #tpu.memory_space<vmem>>
    %dma_wait3A_28 = tpu.memref_squeeze %dma_wait3A_27 : memref<1x8x16xf32, #tpu.memory_space<vmem>> -> memref<8x16xf32, #tpu.memory_space<vmem>>
    %dma_wait3A_29 = arith.constant 0 : i32
    %dma_wait3A_30 = tpu.memref_slice %arg7[%mul3A_23, %dma_wait3A_29] : memref<10240x16xf32, #tpu.memory_space<hbm>> -> memref<8x16xf32, #tpu.memory_space<hbm>>
    %dma_wait3A_31 = arith.constant 0 : i32
    %dma_wait3A_32 = tpu.memref_slice %arg7[%mul3A_23, %dma_wait3A_31] : memref<10240x16xf32, #tpu.memory_space<hbm>> -> memref<8x16xf32, #tpu.memory_space<hbm>>
    %dma_wait3A_33 = arith.constant 0 : i32
    %dma_wait3A_34 = arith.constant 0 : i32
    %dma_wait3A_35 = tpu.memref_slice %arg14[%dma_wait3A_24, %dma_wait3A_33, %dma_wait3A_34] : memref<2x8x16xf32, #tpu.memory_space<vmem>> -> memref<1x8x16xf32, #tpu.memory_space<vmem>>
    %dma_wait3A_36 = tpu.memref_squeeze %dma_wait3A_35 : memref<1x8x16xf32, #tpu.memory_space<vmem>> -> memref<8x16xf32, #tpu.memory_space<vmem>>
    tpu.wait_dma2 semaphore(%arg16 : memref<!tpu.dma_semaphore, #tpu.memory_space<semaphore_mem>>) src(%dma_wait3A_36 : memref<8x16xf32, #tpu.memory_space<vmem>>) dst(%dma_wait3A_32 : memref<8x16xf32, #tpu.memory_space<hbm>>)
    %mul3A_37 = arith.constant 8 : i32
    %mul3A_38 = arith.muli %mul3A_2, %mul3A_37 : i32
    %dma_wait3A_39 = arith.constant 0 : i32
    %dma_wait3A_40 = arith.constant 0 : i32
    %dma_wait3A_41 = arith.constant 0 : i32
    %dma_wait3A_42 = tpu.memref_slice %arg15[%dma_wait3A_39, %dma_wait3A_40, %dma_wait3A_41] : memref<2x8x16xf32, #tpu.memory_space<vmem>> -> memref<1x8x16xf32, #tpu.memory_space<vmem>>
    %dma_wait3A_43 = tpu.memref_squeeze %dma_wait3A_42 : memref<1x8x16xf32, #tpu.memory_space<vmem>> -> memref<8x16xf32, #tpu.memory_space<vmem>>
    %dma_wait3A_44 = arith.constant 0 : i32
    %dma_wait3A_45 = tpu.memref_slice %arg8[%mul3A_38, %dma_wait3A_44] : memref<10240x16xf32, #tpu.memory_space<hbm>> -> memref<8x16xf32, #tpu.memory_space<hbm>>
    %dma_wait3A_46 = arith.constant 0 : i32
    %dma_wait3A_47 = tpu.memref_slice %arg8[%mul3A_38, %dma_wait3A_46] : memref<10240x16xf32, #tpu.memory_space<hbm>> -> memref<8x16xf32, #tpu.memory_space<hbm>>
    %dma_wait3A_48 = arith.constant 0 : i32
    %dma_wait3A_49 = arith.constant 0 : i32
    %dma_wait3A_50 = tpu.memref_slice %arg15[%dma_wait3A_39, %dma_wait3A_48, %dma_wait3A_49] : memref<2x8x16xf32, #tpu.memory_space<vmem>> -> memref<1x8x16xf32, #tpu.memory_space<vmem>>
    %dma_wait3A_51 = tpu.memref_squeeze %dma_wait3A_50 : memref<1x8x16xf32, #tpu.memory_space<vmem>> -> memref<8x16xf32, #tpu.memory_space<vmem>>
    tpu.wait_dma2 semaphore(%arg16 : memref<!tpu.dma_semaphore, #tpu.memory_space<semaphore_mem>>) src(%dma_wait3A_51 : memref<8x16xf32, #tpu.memory_space<vmem>>) dst(%dma_wait3A_47 : memref<8x16xf32, #tpu.memory_space<hbm>>)
    %mul3A_52 = arith.constant 8 : i32
    %mul3A_53 = arith.muli %mul3A_2, %mul3A_52 : i32
    %dma_wait3A_54 = arith.constant 1 : i32
    %dma_wait3A_55 = arith.constant 0 : i32
    %dma_wait3A_56 = arith.constant 0 : i32
    %dma_wait3A_57 = tpu.memref_slice %arg13[%dma_wait3A_54, %dma_wait3A_55, %dma_wait3A_56] : memref<2x8x16xf32, #tpu.memory_space<vmem>> -> memref<1x8x16xf32, #tpu.memory_space<vmem>>
    %dma_wait3A_58 = tpu.memref_squeeze %dma_wait3A_57 : memref<1x8x16xf32, #tpu.memory_space<vmem>> -> memref<8x16xf32, #tpu.memory_space<vmem>>
    %dma_wait3A_59 = arith.constant 0 : i32
    %dma_wait3A_60 = tpu.memref_slice %arg6[%mul3A_53, %dma_wait3A_59] : memref<10240x16xf32, #tpu.memory_space<hbm>> -> memref<8x16xf32, #tpu.memory_space<hbm>>
    %dma_wait3A_61 = arith.constant 0 : i32
    %dma_wait3A_62 = tpu.memref_slice %arg6[%mul3A_53, %dma_wait3A_61] : memref<10240x16xf32, #tpu.memory_space<hbm>> -> memref<8x16xf32, #tpu.memory_space<hbm>>
    %dma_wait3A_63 = arith.constant 0 : i32
    %dma_wait3A_64 = arith.constant 0 : i32
    %dma_wait3A_65 = tpu.memref_slice %arg13[%dma_wait3A_54, %dma_wait3A_63, %dma_wait3A_64] : memref<2x8x16xf32, #tpu.memory_space<vmem>> -> memref<1x8x16xf32, #tpu.memory_space<vmem>>
    %dma_wait3A_66 = tpu.memref_squeeze %dma_wait3A_65 : memref<1x8x16xf32, #tpu.memory_space<vmem>> -> memref<8x16xf32, #tpu.memory_space<vmem>>
    tpu.wait_dma2 semaphore(%arg17 : memref<!tpu.dma_semaphore, #tpu.memory_space<semaphore_mem>>) src(%dma_wait3A_66 : memref<8x16xf32, #tpu.memory_space<vmem>>) dst(%dma_wait3A_62 : memref<8x16xf32, #tpu.memory_space<hbm>>)
    %mul3A_67 = arith.constant 8 : i32
    %mul3A_68 = arith.muli %mul3A_2, %mul3A_67 : i32
    %dma_wait3A_69 = arith.constant 1 : i32
    %dma_wait3A_70 = arith.constant 0 : i32
    %dma_wait3A_71 = arith.constant 0 : i32
    %dma_wait3A_72 = tpu.memref_slice %arg14[%dma_wait3A_69, %dma_wait3A_70, %dma_wait3A_71] : memref<2x8x16xf32, #tpu.memory_space<vmem>> -> memref<1x8x16xf32, #tpu.memory_space<vmem>>
    %dma_wait3A_73 = tpu.memref_squeeze %dma_wait3A_72 : memref<1x8x16xf32, #tpu.memory_space<vmem>> -> memref<8x16xf32, #tpu.memory_space<vmem>>
    %dma_wait3A_74 = arith.constant 0 : i32
    %dma_wait3A_75 = tpu.memref_slice %arg7[%mul3A_68, %dma_wait3A_74] : memref<10240x16xf32, #tpu.memory_space<hbm>> -> memref<8x16xf32, #tpu.memory_space<hbm>>
    %dma_wait3A_76 = arith.constant 0 : i32
    %dma_wait3A_77 = tpu.memref_slice %arg7[%mul3A_68, %dma_wait3A_76] : memref<10240x16xf32, #tpu.memory_space<hbm>> -> memref<8x16xf32, #tpu.memory_space<hbm>>
    %dma_wait3A_78 = arith.constant 0 : i32
    %dma_wait3A_79 = arith.constant 0 : i32
    %dma_wait3A_80 = tpu.memref_slice %arg14[%dma_wait3A_69, %dma_wait3A_78, %dma_wait3A_79] : memref<2x8x16xf32, #tpu.memory_space<vmem>> -> memref<1x8x16xf32, #tpu.memory_space<vmem>>
    %dma_wait3A_81 = tpu.memref_squeeze %dma_wait3A_80 : memref<1x8x16xf32, #tpu.memory_space<vmem>> -> memref<8x16xf32, #tpu.memory_space<vmem>>
    tpu.wait_dma2 semaphore(%arg17 : memref<!tpu.dma_semaphore, #tpu.memory_space<semaphore_mem>>) src(%dma_wait3A_81 : memref<8x16xf32, #tpu.memory_space<vmem>>) dst(%dma_wait3A_77 : memref<8x16xf32, #tpu.memory_space<hbm>>)
    %mul3A_82 = arith.constant 8 : i32
    %mul3A_83 = arith.muli %mul3A_2, %mul3A_82 : i32
    %dma_wait3A_84 = arith.constant 1 : i32
    %dma_wait3A_85 = arith.constant 0 : i32
    %dma_wait3A_86 = arith.constant 0 : i32
    %dma_wait3A_87 = tpu.memref_slice %arg15[%dma_wait3A_84, %dma_wait3A_85, %dma_wait3A_86] : memref<2x8x16xf32, #tpu.memory_space<vmem>> -> memref<1x8x16xf32, #tpu.memory_space<vmem>>
    %dma_wait3A_88 = tpu.memref_squeeze %dma_wait3A_87 : memref<1x8x16xf32, #tpu.memory_space<vmem>> -> memref<8x16xf32, #tpu.memory_space<vmem>>
    %dma_wait3A_89 = arith.constant 0 : i32
    %dma_wait3A_90 = tpu.memref_slice %arg8[%mul3A_83, %dma_wait3A_89] : memref<10240x16xf32, #tpu.memory_space<hbm>> -> memref<8x16xf32, #tpu.memory_space<hbm>>
    %dma_wait3A_91 = arith.constant 0 : i32
    %dma_wait3A_92 = tpu.memref_slice %arg8[%mul3A_83, %dma_wait3A_91] : memref<10240x16xf32, #tpu.memory_space<hbm>> -> memref<8x16xf32, #tpu.memory_space<hbm>>
    %dma_wait3A_93 = arith.constant 0 : i32
    %dma_wait3A_94 = arith.constant 0 : i32
    %dma_wait3A_95 = tpu.memref_slice %arg15[%dma_wait3A_84, %dma_wait3A_93, %dma_wait3A_94] : memref<2x8x16xf32, #tpu.memory_space<vmem>> -> memref<1x8x16xf32, #tpu.memory_space<vmem>>
    %dma_wait3A_96 = tpu.memref_squeeze %dma_wait3A_95 : memref<1x8x16xf32, #tpu.memory_space<vmem>> -> memref<8x16xf32, #tpu.memory_space<vmem>>
    tpu.wait_dma2 semaphore(%arg17 : memref<!tpu.dma_semaphore, #tpu.memory_space<semaphore_mem>>) src(%dma_wait3A_96 : memref<8x16xf32, #tpu.memory_space<vmem>>) dst(%dma_wait3A_92 : memref<8x16xf32, #tpu.memory_space<hbm>>)
    return
  }
}

module attributes {stable_mosaic.version = 14 : i64} {
  func.func @kern(%arg0: i32, %arg1: memref<2000x128xf32, #tpu.memory_space<vmem>>, %arg2: memref<128x128xf32, #tpu.memory_space<vmem>>, %arg3: memref<128x128xf32, #tpu.memory_space<vmem>>, %arg4: memref<2000x128xf32, #tpu.memory_space<vmem>>, %arg5: memref<2000x128xf32, #tpu.memory_space<vmem>>) attributes {dimension_semantics = [#tpu.dimension_semantics<parallel>], iteration_bounds = array<i64: 5>, scalar_prefetch = 0 : i64, scratch_operands = 0 : i64, tpu.core_type = #tpu.core_type<tc>, window_params = [{transform_indices = @transform_0, window_bounds = array<i64: 2000, 128>}, {pipeline_mode = #tpu.pipeline_mode<synchronous>, transform_indices = @transform_1, window_bounds = array<i64: 128, 128>}, {pipeline_mode = #tpu.pipeline_mode<synchronous>, transform_indices = @transform_2, window_bounds = array<i64: 128, 128>}, {transform_indices = @transform_3, window_bounds = array<i64: 2000, 128>}, {transform_indices = @transform_4, window_bounds = array<i64: 2000, 128>}]} {
    %get3A = arith.constant 0 : index
    %get3A_0 = arith.constant 0 : index
    %get3A_1 = vector.load %arg1[%get3A, %get3A_0] : memref<2000x128xf32, #tpu.memory_space<vmem>>, vector<2000x128xf32>
    %get3A_2 = arith.constant 0 : index
    %get3A_3 = arith.constant 0 : index
    %get3A_4 = vector.load %arg2[%get3A_2, %get3A_3] : memref<128x128xf32, #tpu.memory_space<vmem>>, vector<128x128xf32>
    %dot_general3A = arith.constant dense<0.000000e+00> : vector<2000x128xf32>
    %dot_general3A_5 = tpu.matmul %get3A_1, %get3A_4, %dot_general3A {dimension_numbers = #tpu.dot_dimension_numbers<[1], [0], [0], [1], [0, 0, 1, 1], [], []>, transpose_lhs_hint = false} : vector<2000x128xf32>, vector<128x128xf32>, vector<2000x128xf32> -> vector<2000x128xf32>
    %swap3A = arith.constant 0 : index
    %swap3A_6 = arith.constant 0 : index
    %swap3A_7 = vector.load %arg4[%swap3A, %swap3A_6] : memref<2000x128xf32, #tpu.memory_space<vmem>>, vector<2000x128xf32>
    tpu.vector_store %arg4[%swap3A, %swap3A_6], %dot_general3A_5 {strides = array<i32>} : memref<2000x128xf32, #tpu.memory_space<vmem>>, vector<2000x128xf32>,
    %get3A_8 = arith.constant 0 : index
    %get3A_9 = arith.constant 0 : index
    %get3A_10 = vector.load %arg3[%get3A_8, %get3A_9] : memref<128x128xf32, #tpu.memory_space<vmem>>, vector<128x128xf32>
    %dot_general3A_11 = arith.constant dense<0.000000e+00> : vector<2000x128xf32>
    %dot_general3A_12 = tpu.matmul %get3A_1, %get3A_10, %dot_general3A_11 {dimension_numbers = #tpu.dot_dimension_numbers<[1], [0], [0], [1], [0, 0, 1, 1], [], []>, transpose_lhs_hint = false} : vector<2000x128xf32>, vector<128x128xf32>, vector<2000x128xf32> -> vector<2000x128xf32>
    %swap3A_13 = arith.constant 0 : index
    %swap3A_14 = arith.constant 0 : index
    %swap3A_15 = vector.load %arg5[%swap3A_13, %swap3A_14] : memref<2000x128xf32, #tpu.memory_space<vmem>>, vector<2000x128xf32>
    tpu.vector_store %arg5[%swap3A_13, %swap3A_14], %dot_general3A_12 {strides = array<i32>} : memref<2000x128xf32, #tpu.memory_space<vmem>>, vector<2000x128xf32>,
    return
  }
  func.func @transform_0(%arg0: i32) -> (i32, i32) {
    %c0_i32 = arith.constant 0 : i32
    %c0_i32_0 = arith.constant 0 : i32
    return %arg0, %c0_i32 : i32, i32
  }
  func.func @transform_1(%arg0: i32) -> (i32, i32) {
    %c0_i32 = arith.constant 0 : i32
    %c0_i32_0 = arith.constant 0 : i32
    %c0_i32_1 = arith.constant 0 : i32
    return %c0_i32, %c0_i32_0 : i32, i32
  }
  func.func @transform_2(%arg0: i32) -> (i32, i32) {
    %c0_i32 = arith.constant 0 : i32
    %c0_i32_0 = arith.constant 0 : i32
    %c0_i32_1 = arith.constant 0 : i32
    return %c0_i32, %c0_i32_0 : i32, i32
  }
  func.func @transform_3(%arg0: i32) -> (i32, i32) {
    %c0_i32 = arith.constant 0 : i32
    %c0_i32_0 = arith.constant 0 : i32
    return %arg0, %c0_i32 : i32, i32
  }
  func.func @transform_4(%arg0: i32) -> (i32, i32) {
    %c0_i32 = arith.constant 0 : i32
    %c0_i32_0 = arith.constant 0 : i32
    return %arg0, %c0_i32 : i32, i32
  }
}

module attributes {stable_mosaic.version = 14 : i64} {
  func.func @kern(%arg0: i32, %arg1: memref<2000x16xf32, #tpu.memory_space<vmem>>, %arg2: memref<2000x16xf32, #tpu.memory_space<vmem>>, %arg3: memref<2000x16xf32, #tpu.memory_space<vmem>>, %arg4: memref<1x1xf32, #tpu.memory_space<vmem>>) attributes {dimension_semantics = [#tpu.dimension_semantics<arbitrary>], iteration_bounds = array<i64: 5>, scalar_prefetch = 0 : i64, scratch_operands = 0 : i64, tpu.core_type = #tpu.core_type<tc>, window_params = [{transform_indices = @transform_0, window_bounds = array<i64: 2000, 16>}, {transform_indices = @transform_1, window_bounds = array<i64: 2000, 16>}, {transform_indices = @transform_2, window_bounds = array<i64: 2000, 16>}, {pipeline_mode = #tpu.pipeline_mode<synchronous>, transform_indices = @transform_3, window_bounds = array<i64: 1, 1>}]} {
    %eq3A = arith.constant 0 : i32
    %eq3A_0 = arith.cmpi eq, %arg0, %eq3A : i32
    %convert_element_type3A = arith.extui %eq3A_0 : i1 to i32
    %cond3A = arith.constant 0 : i32
    %cond3A_1 = arith.cmpi ne, %convert_element_type3A, %cond3A : i32
    scf.if %cond3A_1 {
      %broadcast_in_dim3A = arith.constant 0.000000e+00 : f32
      %broadcast_in_dim3A_73 = vector.broadcast %broadcast_in_dim3A : f32 to vector<1x1xf32>
      %swap3A_74 = arith.constant 0 : index
      %swap3A_75 = arith.constant 0 : index
      %swap3A_76 = vector.load %arg4[%swap3A_74, %swap3A_75] : memref<1x1xf32, #tpu.memory_space<vmem>>, vector<1x1xf32>
      tpu.vector_store %arg4[%swap3A_74, %swap3A_75], %broadcast_in_dim3A_73 {strides = array<i32>} : memref<1x1xf32, #tpu.memory_space<vmem>>, vector<1x1xf32>,
    } else {
    }
    %get3A = arith.constant 0 : index
    %get3A_2 = arith.constant 0 : index
    %get3A_3 = vector.load %arg1[%get3A, %get3A_2] : memref<2000x16xf32, #tpu.memory_space<vmem>>, vector<2000x16xf32>
    %reduce_sum3A = arith.constant dense<0.000000e+00> : vector<2000xf32>
    %reduce_sum3A_4 = vector.multi_reduction <add>, %get3A_3, %reduce_sum3A [1] : vector<2000x16xf32> to vector<2000xf32>
    %mul3A = arith.mulf %get3A_3, %get3A_3 : vector<2000x16xf32>
    %reduce_sum3A_5 = vector.shape_cast %mul3A : vector<2000x16xf32> to vector<1x2000x16xf32>
    %reduce_sum3A_6 = arith.constant dense<0.000000e+00> : vector<1xf32>
    %reduce_sum3A_7 = vector.multi_reduction <add>, %reduce_sum3A_5, %reduce_sum3A_6 [1, 2] : vector<1x2000x16xf32> to vector<1xf32>
    %reduce_sum3A_8 = vector.shape_cast %reduce_sum3A_7 : vector<1xf32> to vector<1x1x1xf32>
    %reduce_sum3A_9 = vector.extract %reduce_sum3A_8[0, 0, 0] : f32 from vector<1x1x1xf32>
    %mul3A_10 = arith.constant 3.200000e+01 : f32
    %mul3A_11 = arith.mulf %mul3A_10, %reduce_sum3A_9 : f32
    %mul3A_12 = arith.mulf %reduce_sum3A_4, %reduce_sum3A_4 : vector<2000xf32>
    %reduce_sum3A_13 = vector.shape_cast %mul3A_12 : vector<2000xf32> to vector<1x2000xf32>
    %reduce_sum3A_14 = arith.constant dense<0.000000e+00> : vector<1xf32>
    %reduce_sum3A_15 = vector.multi_reduction <add>, %reduce_sum3A_13, %reduce_sum3A_14 [1] : vector<1x2000xf32> to vector<1xf32>
    %reduce_sum3A_16 = vector.shape_cast %reduce_sum3A_15 : vector<1xf32> to vector<1x1xf32>
    %reduce_sum3A_17 = vector.extract %reduce_sum3A_16[0, 0] : f32 from vector<1x1xf32>
    %mul3A_18 = arith.constant 2.000000e+00 : f32
    %mul3A_19 = arith.mulf %mul3A_18, %reduce_sum3A_17 : f32
    %sub3A = arith.subf %mul3A_11, %mul3A_19 : f32
    %add3A = arith.constant 0.000000e+00 : f32
    %add3A_20 = arith.addf %add3A, %sub3A : f32
    %get3A_21 = arith.constant 0 : index
    %get3A_22 = arith.constant 0 : index
    %get3A_23 = vector.load %arg2[%get3A_21, %get3A_22] : memref<2000x16xf32, #tpu.memory_space<vmem>>, vector<2000x16xf32>
    %reduce_sum3A_24 = arith.constant dense<0.000000e+00> : vector<2000xf32>
    %reduce_sum3A_25 = vector.multi_reduction <add>, %get3A_23, %reduce_sum3A_24 [1] : vector<2000x16xf32> to vector<2000xf32>
    %mul3A_26 = arith.mulf %get3A_23, %get3A_23 : vector<2000x16xf32>
    %reduce_sum3A_27 = vector.shape_cast %mul3A_26 : vector<2000x16xf32> to vector<1x2000x16xf32>
    %reduce_sum3A_28 = arith.constant dense<0.000000e+00> : vector<1xf32>
    %reduce_sum3A_29 = vector.multi_reduction <add>, %reduce_sum3A_27, %reduce_sum3A_28 [1, 2] : vector<1x2000x16xf32> to vector<1xf32>
    %reduce_sum3A_30 = vector.shape_cast %reduce_sum3A_29 : vector<1xf32> to vector<1x1x1xf32>
    %reduce_sum3A_31 = vector.extract %reduce_sum3A_30[0, 0, 0] : f32 from vector<1x1x1xf32>
    %mul3A_32 = arith.constant 3.200000e+01 : f32
    %mul3A_33 = arith.mulf %mul3A_32, %reduce_sum3A_31 : f32
    %mul3A_34 = arith.mulf %reduce_sum3A_25, %reduce_sum3A_25 : vector<2000xf32>
    %reduce_sum3A_35 = vector.shape_cast %mul3A_34 : vector<2000xf32> to vector<1x2000xf32>
    %reduce_sum3A_36 = arith.constant dense<0.000000e+00> : vector<1xf32>
    %reduce_sum3A_37 = vector.multi_reduction <add>, %reduce_sum3A_35, %reduce_sum3A_36 [1] : vector<1x2000xf32> to vector<1xf32>
    %reduce_sum3A_38 = vector.shape_cast %reduce_sum3A_37 : vector<1xf32> to vector<1x1xf32>
    %reduce_sum3A_39 = vector.extract %reduce_sum3A_38[0, 0] : f32 from vector<1x1xf32>
    %mul3A_40 = arith.constant 2.000000e+00 : f32
    %mul3A_41 = arith.mulf %mul3A_40, %reduce_sum3A_39 : f32
    %sub3A_42 = arith.subf %mul3A_33, %mul3A_41 : f32
    %add3A_43 = arith.addf %add3A_20, %sub3A_42 : f32
    %get3A_44 = arith.constant 0 : index
    %get3A_45 = arith.constant 0 : index
    %get3A_46 = vector.load %arg3[%get3A_44, %get3A_45] : memref<2000x16xf32, #tpu.memory_space<vmem>>, vector<2000x16xf32>
    %reduce_sum3A_47 = arith.constant dense<0.000000e+00> : vector<2000xf32>
    %reduce_sum3A_48 = vector.multi_reduction <add>, %get3A_46, %reduce_sum3A_47 [1] : vector<2000x16xf32> to vector<2000xf32>
    %mul3A_49 = arith.mulf %get3A_46, %get3A_46 : vector<2000x16xf32>
    %reduce_sum3A_50 = vector.shape_cast %mul3A_49 : vector<2000x16xf32> to vector<1x2000x16xf32>
    %reduce_sum3A_51 = arith.constant dense<0.000000e+00> : vector<1xf32>
    %reduce_sum3A_52 = vector.multi_reduction <add>, %reduce_sum3A_50, %reduce_sum3A_51 [1, 2] : vector<1x2000x16xf32> to vector<1xf32>
    %reduce_sum3A_53 = vector.shape_cast %reduce_sum3A_52 : vector<1xf32> to vector<1x1x1xf32>
    %reduce_sum3A_54 = vector.extract %reduce_sum3A_53[0, 0, 0] : f32 from vector<1x1x1xf32>
    %mul3A_55 = arith.constant 3.200000e+01 : f32
    %mul3A_56 = arith.mulf %mul3A_55, %reduce_sum3A_54 : f32
    %mul3A_57 = arith.mulf %reduce_sum3A_48, %reduce_sum3A_48 : vector<2000xf32>
    %reduce_sum3A_58 = vector.shape_cast %mul3A_57 : vector<2000xf32> to vector<1x2000xf32>
    %reduce_sum3A_59 = arith.constant dense<0.000000e+00> : vector<1xf32>
    %reduce_sum3A_60 = vector.multi_reduction <add>, %reduce_sum3A_58, %reduce_sum3A_59 [1] : vector<1x2000xf32> to vector<1xf32>
    %reduce_sum3A_61 = vector.shape_cast %reduce_sum3A_60 : vector<1xf32> to vector<1x1xf32>
    %reduce_sum3A_62 = vector.extract %reduce_sum3A_61[0, 0] : f32 from vector<1x1xf32>
    %mul3A_63 = arith.constant 2.000000e+00 : f32
    %mul3A_64 = arith.mulf %mul3A_63, %reduce_sum3A_62 : f32
    %sub3A_65 = arith.subf %mul3A_56, %mul3A_64 : f32
    %add3A_66 = arith.addf %add3A_43, %sub3A_65 : f32
    %get3A_67 = arith.constant 0 : index
    %get3A_68 = arith.constant 0 : index
    %get3A_69 = vector.load %arg4[%get3A_67, %get3A_68] : memref<1x1xf32, #tpu.memory_space<vmem>>, vector<1x1xf32>
    %reshape3A = vector.broadcast %add3A_66 : f32 to vector<1x1xf32>
    %add3A_70 = arith.addf %get3A_69, %reshape3A : vector<1x1xf32>
    %swap3A = arith.constant 0 : index
    %swap3A_71 = arith.constant 0 : index
    %swap3A_72 = vector.load %arg4[%swap3A, %swap3A_71] : memref<1x1xf32, #tpu.memory_space<vmem>>, vector<1x1xf32>
    tpu.vector_store %arg4[%swap3A, %swap3A_71], %add3A_70 {strides = array<i32>} : memref<1x1xf32, #tpu.memory_space<vmem>>, vector<1x1xf32>,
    return
  }
  func.func @transform_0(%arg0: i32) -> (i32, i32) {
    %c0_i32 = arith.constant 0 : i32
    %c0_i32_0 = arith.constant 0 : i32
    return %arg0, %c0_i32 : i32, i32
  }
  func.func @transform_1(%arg0: i32) -> (i32, i32) {
    %c0_i32 = arith.constant 0 : i32
    %c0_i32_0 = arith.constant 0 : i32
    return %arg0, %c0_i32 : i32, i32
  }
  func.func @transform_2(%arg0: i32) -> (i32, i32) {
    %c0_i32 = arith.constant 0 : i32
    %c0_i32_0 = arith.constant 0 : i32
    return %arg0, %c0_i32 : i32, i32
  }
  func.func @transform_3(%arg0: i32) -> (i32, i32) {
    %c0_i32 = arith.constant 0 : i32
    %c0_i32_0 = arith.constant 0 : i32
    %c0_i32_1 = arith.constant 0 : i32
    return %c0_i32, %c0_i32_0 : i32, i32
  }
}

module attributes {stable_mosaic.version = 14 : i64} {
  func.func @kern(%arg0: i32, %arg1: memref<3200x128xf32, #tpu.memory_space<vmem>>, %arg2: memref<200x128xf32, #tpu.memory_space<vmem>>, %arg3: memref<200x3xf32, #tpu.memory_space<vmem>>, %arg4: memref<200x128xf32, #tpu.memory_space<vmem>>, %arg5: memref<200x16xf32, #tpu.memory_space<vmem>>, %arg6: memref<200x16xf32, #tpu.memory_space<vmem>>, %arg7: memref<200x16xf32, #tpu.memory_space<vmem>>, %arg8: memref<3200x16xf32, #tpu.memory_space<vmem>>, %arg9: memref<200x128xf32, #tpu.memory_space<vmem>>, %arg10: memref<200x8xf32, #tpu.memory_space<vmem>>, %arg11: memref<3200x128xf32, #tpu.memory_space<vmem>>, %arg12: memref<128x128xf32, #tpu.memory_space<vmem>>, %arg13: memref<1x128xf32, #tpu.memory_space<vmem>>, %arg14: memref<1x128xf32, #tpu.memory_space<vmem>>, %arg15: memref<128x128xf32, #tpu.memory_space<vmem>>, %arg16: memref<1x128xf32, #tpu.memory_space<vmem>>, %arg17: memref<128x128xf32, #tpu.memory_space<vmem>>, %arg18: memref<1x128xf32, #tpu.memory_space<vmem>>, %arg19: memref<128x1xf32, #tpu.memory_space<vmem>>, %arg20: memref<1x1xf32, #tpu.memory_space<vmem>>, %arg21: memref<128x128xf32, #tpu.memory_space<vmem>>, %arg22: memref<128x128xf32, #tpu.memory_space<vmem>>, %arg23: memref<8x128xf32, #tpu.memory_space<vmem>>, %arg24: memref<1x128xf32, #tpu.memory_space<vmem>>, %arg25: memref<128x128xf32, #tpu.memory_space<vmem>>, %arg26: memref<1x128xf32, #tpu.memory_space<vmem>>, %arg27: memref<200x128xf32, #tpu.memory_space<vmem>>, %arg28: memref<200x3xf32, #tpu.memory_space<vmem>>) attributes {dimension_semantics = [#tpu.dimension_semantics<parallel>], iteration_bounds = array<i64: 50>, scalar_prefetch = 0 : i64, scratch_operands = 0 : i64, tpu.core_type = #tpu.core_type<tc>, window_params = [{transform_indices = @transform_0, window_bounds = array<i64: 3200, 128>}, {transform_indices = @transform_1, window_bounds = array<i64: 200, 128>}, {transform_indices = @transform_2, window_bounds = array<i64: 200, 3>}, {transform_indices = @transform_3, window_bounds = array<i64: 200, 128>}, {transform_indices = @transform_4, window_bounds = array<i64: 200, 16>}, {transform_indices = @transform_5, window_bounds = array<i64: 200, 16>}, {transform_indices = @transform_6, window_bounds = array<i64: 200, 16>}, {pipeline_mode = #tpu.pipeline_mode<synchronous>, transform_indices = @transform_7, window_bounds = array<i64: 3200, 16>}, {transform_indices = @transform_8, window_bounds = array<i64: 200, 128>}, {transform_indices = @transform_9, window_bounds = array<i64: 200, 8>}, {pipeline_mode = #tpu.pipeline_mode<synchronous>, transform_indices = @transform_10, window_bounds = array<i64: 3200, 128>}, {pipeline_mode = #tpu.pipeline_mode<synchronous>, transform_indices = @transform_11, window_bounds = array<i64: 128, 128>}, {pipeline_mode = #tpu.pipeline_mode<synchronous>, transform_indices = @transform_12, window_bounds = array<i64: 1, 128>}, {pipeline_mode = #tpu.pipeline_mode<synchronous>, transform_indices = @transform_13, window_bounds = array<i64: 1, 128>}, {pipeline_mode = #tpu.pipeline_mode<synchronous>, transform_indices = @transform_14, window_bounds = array<i64: 128, 128>}, {pipeline_mode = #tpu.pipeline_mode<synchronous>, transform_indices = @transform_15, window_bounds = array<i64: 1, 128>}, {pipeline_mode = #tpu.pipeline_mode<synchronous>, transform_indices = @transform_16, window_bounds = array<i64: 128, 128>}, {pipeline_mode = #tpu.pipeline_mode<synchronous>, transform_indices = @transform_17, window_bounds = array<i64: 1, 128>}, {pipeline_mode = #tpu.pipeline_mode<synchronous>, transform_indices = @transform_18, window_bounds = array<i64: 128, 1>}, {pipeline_mode = #tpu.pipeline_mode<synchronous>, transform_indices = @transform_19, window_bounds = array<i64: 1, 1>}, {pipeline_mode = #tpu.pipeline_mode<synchronous>, transform_indices = @transform_20, window_bounds = array<i64: 128, 128>}, {pipeline_mode = #tpu.pipeline_mode<synchronous>, transform_indices = @transform_21, window_bounds = array<i64: 128, 128>}, {pipeline_mode = #tpu.pipeline_mode<synchronous>, transform_indices = @transform_22, window_bounds = array<i64: 8, 128>}, {pipeline_mode = #tpu.pipeline_mode<synchronous>, transform_indices = @transform_23, window_bounds = array<i64: 1, 128>}, {pipeline_mode = #tpu.pipeline_mode<synchronous>, transform_indices = @transform_24, window_bounds = array<i64: 128, 128>}, {pipeline_mode = #tpu.pipeline_mode<synchronous>, transform_indices = @transform_25, window_bounds = array<i64: 1, 128>}, {transform_indices = @transform_26, window_bounds = array<i64: 200, 128>}, {transform_indices = @transform_27, window_bounds = array<i64: 200, 3>}]} {
    %get3A = arith.constant 0 : index
    %get3A_0 = arith.constant 0 : index
    %get3A_1 = vector.load %arg8[%get3A, %get3A_0] : memref<3200x16xf32, #tpu.memory_space<vmem>>, vector<3200x16xf32>
    %get3A_2 = arith.constant 0 : index
    %get3A_3 = arith.constant 0 : index
    %get3A_4 = vector.load %arg5[%get3A_2, %get3A_3] : memref<200x16xf32, #tpu.memory_space<vmem>>, vector<200x16xf32>
    %broadcast_in_dim3A = vector.shape_cast %get3A_4 : vector<200x16xf32> to vector<200x1x16xf32>
    %broadcast_in_dim3A_5 = vector.shape_cast %broadcast_in_dim3A : vector<200x1x16xf32> to vector<200x1x16xf32>
    %broadcast_in_dim3A_6 = vector.broadcast %broadcast_in_dim3A_5 : vector<200x1x16xf32> to vector<200x16x16xf32>
    %reshape3A = vector.shape_cast %broadcast_in_dim3A_6 : vector<200x16x16xf32> to vector<3200x16xf32>
    %mul3A = arith.mulf %reshape3A, %get3A_1 : vector<3200x16xf32>
    %reduce_sum3A = arith.constant dense<0.000000e+00> : vector<3200xf32>
    %reduce_sum3A_7 = vector.multi_reduction <add>, %mul3A, %reduce_sum3A [1] : vector<3200x16xf32> to vector<3200xf32>
    %broadcast_in_dim3A_8 = vector.shape_cast %reduce_sum3A_7 : vector<3200xf32> to vector<3200x1xf32>
    %get3A_9 = arith.constant 0 : index
    %get3A_10 = arith.constant 0 : index
    %get3A_11 = vector.load %arg6[%get3A_9, %get3A_10] : memref<200x16xf32, #tpu.memory_space<vmem>>, vector<200x16xf32>
    %broadcast_in_dim3A_12 = vector.shape_cast %get3A_11 : vector<200x16xf32> to vector<200x1x16xf32>
    %broadcast_in_dim3A_13 = vector.shape_cast %broadcast_in_dim3A_12 : vector<200x1x16xf32> to vector<200x1x16xf32>
    %broadcast_in_dim3A_14 = vector.broadcast %broadcast_in_dim3A_13 : vector<200x1x16xf32> to vector<200x16x16xf32>
    %reshape3A_15 = vector.shape_cast %broadcast_in_dim3A_14 : vector<200x16x16xf32> to vector<3200x16xf32>
    %mul3A_16 = arith.mulf %reshape3A_15, %get3A_1 : vector<3200x16xf32>
    %reduce_sum3A_17 = arith.constant dense<0.000000e+00> : vector<3200xf32>
    %reduce_sum3A_18 = vector.multi_reduction <add>, %mul3A_16, %reduce_sum3A_17 [1] : vector<3200x16xf32> to vector<3200xf32>
    %broadcast_in_dim3A_19 = vector.shape_cast %reduce_sum3A_18 : vector<3200xf32> to vector<3200x1xf32>
    %get3A_20 = arith.constant 0 : index
    %get3A_21 = arith.constant 0 : index
    %get3A_22 = vector.load %arg7[%get3A_20, %get3A_21] : memref<200x16xf32, #tpu.memory_space<vmem>>, vector<200x16xf32>
    %broadcast_in_dim3A_23 = vector.shape_cast %get3A_22 : vector<200x16xf32> to vector<200x1x16xf32>
    %broadcast_in_dim3A_24 = vector.shape_cast %broadcast_in_dim3A_23 : vector<200x1x16xf32> to vector<200x1x16xf32>
    %broadcast_in_dim3A_25 = vector.broadcast %broadcast_in_dim3A_24 : vector<200x1x16xf32> to vector<200x16x16xf32>
    %reshape3A_26 = vector.shape_cast %broadcast_in_dim3A_25 : vector<200x16x16xf32> to vector<3200x16xf32>
    %mul3A_27 = arith.mulf %reshape3A_26, %get3A_1 : vector<3200x16xf32>
    %reduce_sum3A_28 = arith.constant dense<0.000000e+00> : vector<3200xf32>
    %reduce_sum3A_29 = vector.multi_reduction <add>, %mul3A_27, %reduce_sum3A_28 [1] : vector<3200x16xf32> to vector<3200xf32>
    %broadcast_in_dim3A_30 = vector.shape_cast %reduce_sum3A_29 : vector<3200xf32> to vector<3200x1xf32>
    %get3A_31 = arith.constant 0 : index
    %get3A_32 = arith.constant 0 : index
    %get3A_33 = vector.load %arg9[%get3A_31, %get3A_32] : memref<200x128xf32, #tpu.memory_space<vmem>>, vector<200x128xf32>
    %get3A_34 = arith.constant 0 : index
    %get3A_35 = arith.constant 0 : index
    %get3A_36 = vector.load %arg10[%get3A_34, %get3A_35] : memref<200x8xf32, #tpu.memory_space<vmem>>, vector<200x8xf32>
    %get3A_37 = arith.constant 0 : index
    %get3A_38 = arith.constant 0 : index
    %get3A_39 = vector.load %arg3[%get3A_37, %get3A_38] : memref<200x3xf32, #tpu.memory_space<vmem>>, vector<200x3xf32>
    %concatenate3A = tpu.concatenate %broadcast_in_dim3A_8, %broadcast_in_dim3A_19, %broadcast_in_dim3A_30 in 1 : vector<3200x1xf32>, vector<3200x1xf32>, vector<3200x1xf32> -> vector<3200x3xf32>
    %broadcast_in_dim3A_40 = vector.shape_cast %get3A_39 : vector<200x3xf32> to vector<200x1x3xf32>
    %broadcast_in_dim3A_41 = vector.shape_cast %broadcast_in_dim3A_40 : vector<200x1x3xf32> to vector<200x1x3xf32>
    %broadcast_in_dim3A_42 = vector.broadcast %broadcast_in_dim3A_41 : vector<200x1x3xf32> to vector<200x16x3xf32>
    %reshape3A_43 = vector.shape_cast %broadcast_in_dim3A_42 : vector<200x16x3xf32> to vector<3200x3xf32>
    %sub3A = arith.subf %concatenate3A, %reshape3A_43 : vector<3200x3xf32>
    %mul3A_44 = arith.mulf %sub3A, %sub3A : vector<3200x3xf32>
    %reduce_sum3A_45 = arith.constant dense<0.000000e+00> : vector<3200xf32>
    %reduce_sum3A_46 = vector.multi_reduction <add>, %mul3A_44, %reduce_sum3A_45 [1] : vector<3200x3xf32> to vector<3200xf32>
    %broadcast_in_dim3A_47 = vector.shape_cast %reduce_sum3A_46 : vector<3200xf32> to vector<3200x1xf32>
    %get3A_48 = arith.constant 0 : index
    %get3A_49 = arith.constant 0 : index
    %get3A_50 = vector.load %arg2[%get3A_48, %get3A_49] : memref<200x128xf32, #tpu.memory_space<vmem>>, vector<200x128xf32>
    %get3A_51 = arith.constant 0 : index
    %get3A_52 = arith.constant 0 : index
    %get3A_53 = vector.load %arg4[%get3A_51, %get3A_52] : memref<200x128xf32, #tpu.memory_space<vmem>>, vector<200x128xf32>
    %broadcast_in_dim3A_54 = vector.shape_cast %get3A_53 : vector<200x128xf32> to vector<200x1x128xf32>
    %broadcast_in_dim3A_55 = vector.shape_cast %broadcast_in_dim3A_54 : vector<200x1x128xf32> to vector<200x1x128xf32>
    %broadcast_in_dim3A_56 = vector.broadcast %broadcast_in_dim3A_55 : vector<200x1x128xf32> to vector<200x16x128xf32>
    %reshape3A_57 = vector.shape_cast %broadcast_in_dim3A_56 : vector<200x16x128xf32> to vector<3200x128xf32>
    %broadcast_in_dim3A_58 = vector.shape_cast %get3A_33 : vector<200x128xf32> to vector<200x1x128xf32>
    %broadcast_in_dim3A_59 = vector.shape_cast %broadcast_in_dim3A_58 : vector<200x1x128xf32> to vector<200x1x128xf32>
    %broadcast_in_dim3A_60 = vector.broadcast %broadcast_in_dim3A_59 : vector<200x1x128xf32> to vector<200x16x128xf32>
    %reshape3A_61 = vector.shape_cast %broadcast_in_dim3A_60 : vector<200x16x128xf32> to vector<3200x128xf32>
    %get3A_62 = arith.constant 0 : index
    %get3A_63 = arith.constant 0 : index
    %get3A_64 = vector.load %arg11[%get3A_62, %get3A_63] : memref<3200x128xf32, #tpu.memory_space<vmem>>, vector<3200x128xf32>
    %mul3A_65 = arith.mulf %reshape3A_61, %get3A_64 : vector<3200x128xf32>
    %get3A_66 = arith.constant 0 : index
    %get3A_67 = arith.constant 0 : index
    %get3A_68 = vector.load %arg12[%get3A_66, %get3A_67] : memref<128x128xf32, #tpu.memory_space<vmem>>, vector<128x128xf32>
    %dot_general3A = arith.constant dense<0.000000e+00> : vector<3200x128xf32>
    %dot_general3A_69 = tpu.matmul %mul3A_65, %get3A_68, %dot_general3A {dimension_numbers = #tpu.dot_dimension_numbers<[1], [0], [0], [1], [0, 0, 1, 1], [], []>, transpose_lhs_hint = false} : vector<3200x128xf32>, vector<128x128xf32>, vector<3200x128xf32> -> vector<3200x128xf32>
    %get3A_70 = arith.constant 0 : index
    %get3A_71 = arith.constant 0 : index
    %get3A_72 = vector.load %arg1[%get3A_70, %get3A_71] : memref<3200x128xf32, #tpu.memory_space<vmem>>, vector<3200x128xf32>
    %add3A = arith.addf %dot_general3A_69, %get3A_72 : vector<3200x128xf32>
    %add3A_73 = arith.addf %add3A, %reshape3A_57 : vector<3200x128xf32>
    %get3A_74 = arith.constant 0 : index
    %get3A_75 = arith.constant 0 : index
    %get3A_76 = vector.load %arg13[%get3A_74, %get3A_75] : memref<1x128xf32, #tpu.memory_space<vmem>>, vector<1x128xf32>
    %mul3A_77 = vector.broadcast %broadcast_in_dim3A_47 : vector<3200x1xf32> to vector<3200x128xf32>
    %mul3A_78 = vector.broadcast %get3A_76 : vector<1x128xf32> to vector<3200x128xf32>
    %mul3A_79 = arith.mulf %mul3A_77, %mul3A_78 : vector<3200x128xf32>
    %add3A_80 = arith.addf %add3A_73, %mul3A_79 : vector<3200x128xf32>
    %get3A_81 = arith.constant 0 : index
    %get3A_82 = arith.constant 0 : index
    %get3A_83 = vector.load %arg14[%get3A_81, %get3A_82] : memref<1x128xf32, #tpu.memory_space<vmem>>, vector<1x128xf32>
    %add3A_84 = vector.broadcast %get3A_83 : vector<1x128xf32> to vector<3200x128xf32>
    %add3A_85 = arith.addf %add3A_80, %add3A_84 : vector<3200x128xf32>
    %logistic3A = arith.negf %add3A_85 : vector<3200x128xf32>
    %logistic3A_86 = math.exp %logistic3A : vector<3200x128xf32>
    %logistic3A_87 = arith.constant 1.000000e+00 : f32
    %logistic3A_88 = vector.broadcast %logistic3A_87 : f32 to vector<3200x128xf32>
    %logistic3A_89 = arith.addf %logistic3A_88, %logistic3A_86 : vector<3200x128xf32>
    %logistic3A_90 = arith.divf %logistic3A_88, %logistic3A_89 : vector<3200x128xf32>
    %mul3A_91 = arith.mulf %add3A_85, %logistic3A_90 : vector<3200x128xf32>
    %get3A_92 = arith.constant 0 : index
    %get3A_93 = arith.constant 0 : index
    %get3A_94 = vector.load %arg15[%get3A_92, %get3A_93] : memref<128x128xf32, #tpu.memory_space<vmem>>, vector<128x128xf32>
    %dot_general3A_95 = arith.constant dense<0.000000e+00> : vector<3200x128xf32>
    %dot_general3A_96 = tpu.matmul %mul3A_91, %get3A_94, %dot_general3A_95 {dimension_numbers = #tpu.dot_dimension_numbers<[1], [0], [0], [1], [0, 0, 1, 1], [], []>, transpose_lhs_hint = false} : vector<3200x128xf32>, vector<128x128xf32>, vector<3200x128xf32> -> vector<3200x128xf32>
    %get3A_97 = arith.constant 0 : index
    %get3A_98 = arith.constant 0 : index
    %get3A_99 = vector.load %arg16[%get3A_97, %get3A_98] : memref<1x128xf32, #tpu.memory_space<vmem>>, vector<1x128xf32>
    %add3A_100 = vector.broadcast %get3A_99 : vector<1x128xf32> to vector<3200x128xf32>
    %add3A_101 = arith.addf %dot_general3A_96, %add3A_100 : vector<3200x128xf32>
    %logistic3A_102 = arith.negf %add3A_101 : vector<3200x128xf32>
    %logistic3A_103 = math.exp %logistic3A_102 : vector<3200x128xf32>
    %logistic3A_104 = arith.constant 1.000000e+00 : f32
    %logistic3A_105 = vector.broadcast %logistic3A_104 : f32 to vector<3200x128xf32>
    %logistic3A_106 = arith.addf %logistic3A_105, %logistic3A_103 : vector<3200x128xf32>
    %logistic3A_107 = arith.divf %logistic3A_105, %logistic3A_106 : vector<3200x128xf32>
    %mul3A_108 = arith.mulf %add3A_101, %logistic3A_107 : vector<3200x128xf32>
    %get3A_109 = arith.constant 0 : index
    %get3A_110 = arith.constant 0 : index
    %get3A_111 = vector.load %arg17[%get3A_109, %get3A_110] : memref<128x128xf32, #tpu.memory_space<vmem>>, vector<128x128xf32>
    %dot_general3A_112 = arith.constant dense<0.000000e+00> : vector<3200x128xf32>
    %dot_general3A_113 = tpu.matmul %mul3A_108, %get3A_111, %dot_general3A_112 {dimension_numbers = #tpu.dot_dimension_numbers<[1], [0], [0], [1], [0, 0, 1, 1], [], []>, transpose_lhs_hint = false} : vector<3200x128xf32>, vector<128x128xf32>, vector<3200x128xf32> -> vector<3200x128xf32>
    %get3A_114 = arith.constant 0 : index
    %get3A_115 = arith.constant 0 : index
    %get3A_116 = vector.load %arg18[%get3A_114, %get3A_115] : memref<1x128xf32, #tpu.memory_space<vmem>>, vector<1x128xf32>
    %add3A_117 = vector.broadcast %get3A_116 : vector<1x128xf32> to vector<3200x128xf32>
    %add3A_118 = arith.addf %dot_general3A_113, %add3A_117 : vector<3200x128xf32>
    %logistic3A_119 = arith.negf %add3A_118 : vector<3200x128xf32>
    %logistic3A_120 = math.exp %logistic3A_119 : vector<3200x128xf32>
    %logistic3A_121 = arith.constant 1.000000e+00 : f32
    %logistic3A_122 = vector.broadcast %logistic3A_121 : f32 to vector<3200x128xf32>
    %logistic3A_123 = arith.addf %logistic3A_122, %logistic3A_120 : vector<3200x128xf32>
    %logistic3A_124 = arith.divf %logistic3A_122, %logistic3A_123 : vector<3200x128xf32>
    %mul3A_125 = arith.mulf %add3A_118, %logistic3A_124 : vector<3200x128xf32>
    %get3A_126 = arith.constant 0 : index
    %get3A_127 = arith.constant 0 : index
    %get3A_128 = vector.load %arg19[%get3A_126, %get3A_127] : memref<128x1xf32, #tpu.memory_space<vmem>>, vector<128x1xf32>
    %dot_general3A_129 = arith.constant dense<0.000000e+00> : vector<3200x1xf32>
    %dot_general3A_130 = tpu.matmul %mul3A_125, %get3A_128, %dot_general3A_129 {dimension_numbers = #tpu.dot_dimension_numbers<[1], [0], [0], [1], [0, 0, 1, 1], [], []>, transpose_lhs_hint = false} : vector<3200x128xf32>, vector<128x1xf32>, vector<3200x1xf32> -> vector<3200x1xf32>
    %get3A_131 = arith.constant 0 : index
    %get3A_132 = arith.constant 0 : index
    %get3A_133 = vector.load %arg20[%get3A_131, %get3A_132] : memref<1x1xf32, #tpu.memory_space<vmem>>, vector<1x1xf32>
    %add3A_134 = vector.broadcast %get3A_133 : vector<1x1xf32> to vector<3200x1xf32>
    %add3A_135 = arith.addf %dot_general3A_130, %add3A_134 : vector<3200x1xf32>
    %mul3A_136 = vector.broadcast %add3A_135 : vector<3200x1xf32> to vector<3200x3xf32>
    %mul3A_137 = arith.mulf %sub3A, %mul3A_136 : vector<3200x3xf32>
    %reshape3A_138 = vector.shape_cast %mul3A_137 : vector<3200x3xf32> to vector<200x16x3xf32>
    %reduce_sum3A_139 = arith.constant dense<0.000000e+00> : vector<200x3xf32>
    %reduce_sum3A_140 = vector.multi_reduction <add>, %reshape3A_138, %reduce_sum3A_139 [1] : vector<200x16x3xf32> to vector<200x3xf32>
    %add3A_141 = arith.addf %get3A_39, %reduce_sum3A_140 : vector<200x3xf32>
    %swap3A = arith.constant 0 : index
    %swap3A_142 = arith.constant 0 : index
    %swap3A_143 = vector.load %arg28[%swap3A, %swap3A_142] : memref<200x3xf32, #tpu.memory_space<vmem>>, vector<200x3xf32>
    tpu.vector_store %arg28[%swap3A, %swap3A_142], %add3A_141 {strides = array<i32>} : memref<200x3xf32, #tpu.memory_space<vmem>>, vector<200x3xf32>,
    %reshape3A_144 = vector.shape_cast %mul3A_108 : vector<3200x128xf32> to vector<200x16x128xf32>
    %reduce_sum3A_145 = arith.constant dense<0.000000e+00> : vector<200x128xf32>
    %reduce_sum3A_146 = vector.multi_reduction <add>, %reshape3A_144, %reduce_sum3A_145 [1] : vector<200x16x128xf32> to vector<200x128xf32>
    %get3A_147 = arith.constant 0 : index
    %get3A_148 = arith.constant 0 : index
    %get3A_149 = vector.load %arg21[%get3A_147, %get3A_148] : memref<128x128xf32, #tpu.memory_space<vmem>>, vector<128x128xf32>
    %dot_general3A_150 = arith.constant dense<0.000000e+00> : vector<200x128xf32>
    %dot_general3A_151 = tpu.matmul %get3A_50, %get3A_149, %dot_general3A_150 {dimension_numbers = #tpu.dot_dimension_numbers<[1], [0], [0], [1], [0, 0, 1, 1], [], []>, transpose_lhs_hint = false} : vector<200x128xf32>, vector<128x128xf32>, vector<200x128xf32> -> vector<200x128xf32>
    %get3A_152 = arith.constant 0 : index
    %get3A_153 = arith.constant 0 : index
    %get3A_154 = vector.load %arg22[%get3A_152, %get3A_153] : memref<128x128xf32, #tpu.memory_space<vmem>>, vector<128x128xf32>
    %dot_general3A_155 = arith.constant dense<0.000000e+00> : vector<200x128xf32>
    %dot_general3A_156 = tpu.matmul %reduce_sum3A_146, %get3A_154, %dot_general3A_155 {dimension_numbers = #tpu.dot_dimension_numbers<[1], [0], [0], [1], [0, 0, 1, 1], [], []>, transpose_lhs_hint = false} : vector<200x128xf32>, vector<128x128xf32>, vector<200x128xf32> -> vector<200x128xf32>
    %add3A_157 = arith.addf %dot_general3A_151, %dot_general3A_156 : vector<200x128xf32>
    %get3A_158 = arith.constant 0 : index
    %get3A_159 = arith.constant 0 : index
    %get3A_160 = vector.load %arg23[%get3A_158, %get3A_159] : memref<8x128xf32, #tpu.memory_space<vmem>>, vector<8x128xf32>
    %dot_general3A_161 = arith.constant dense<0.000000e+00> : vector<200x128xf32>
    %dot_general3A_162 = tpu.matmul %get3A_36, %get3A_160, %dot_general3A_161 {dimension_numbers = #tpu.dot_dimension_numbers<[1], [0], [0], [1], [0, 0, 1, 1], [], []>, transpose_lhs_hint = false} : vector<200x8xf32>, vector<8x128xf32>, vector<200x128xf32> -> vector<200x128xf32>
    %add3A_163 = arith.addf %add3A_157, %dot_general3A_162 : vector<200x128xf32>
    %get3A_164 = arith.constant 0 : index
    %get3A_165 = arith.constant 0 : index
    %get3A_166 = vector.load %arg24[%get3A_164, %get3A_165] : memref<1x128xf32, #tpu.memory_space<vmem>>, vector<1x128xf32>
    %add3A_167 = vector.broadcast %get3A_166 : vector<1x128xf32> to vector<200x128xf32>
    %add3A_168 = arith.addf %add3A_163, %add3A_167 : vector<200x128xf32>
    %logistic3A_169 = arith.negf %add3A_168 : vector<200x128xf32>
    %logistic3A_170 = math.exp %logistic3A_169 : vector<200x128xf32>
    %logistic3A_171 = arith.constant 1.000000e+00 : f32
    %logistic3A_172 = vector.broadcast %logistic3A_171 : f32 to vector<200x128xf32>
    %logistic3A_173 = arith.addf %logistic3A_172, %logistic3A_170 : vector<200x128xf32>
    %logistic3A_174 = arith.divf %logistic3A_172, %logistic3A_173 : vector<200x128xf32>
    %mul3A_175 = arith.mulf %add3A_168, %logistic3A_174 : vector<200x128xf32>
    %get3A_176 = arith.constant 0 : index
    %get3A_177 = arith.constant 0 : index
    %get3A_178 = vector.load %arg25[%get3A_176, %get3A_177] : memref<128x128xf32, #tpu.memory_space<vmem>>, vector<128x128xf32>
    %dot_general3A_179 = arith.constant dense<0.000000e+00> : vector<200x128xf32>
    %dot_general3A_180 = tpu.matmul %mul3A_175, %get3A_178, %dot_general3A_179 {dimension_numbers = #tpu.dot_dimension_numbers<[1], [0], [0], [1], [0, 0, 1, 1], [], []>, transpose_lhs_hint = false} : vector<200x128xf32>, vector<128x128xf32>, vector<200x128xf32> -> vector<200x128xf32>
    %get3A_181 = arith.constant 0 : index
    %get3A_182 = arith.constant 0 : index
    %get3A_183 = vector.load %arg26[%get3A_181, %get3A_182] : memref<1x128xf32, #tpu.memory_space<vmem>>, vector<1x128xf32>
    %add3A_184 = vector.broadcast %get3A_183 : vector<1x128xf32> to vector<200x128xf32>
    %add3A_185 = arith.addf %dot_general3A_180, %add3A_184 : vector<200x128xf32>
    %swap3A_186 = arith.constant 0 : index
    %swap3A_187 = arith.constant 0 : index
    %swap3A_188 = vector.load %arg27[%swap3A_186, %swap3A_187] : memref<200x128xf32, #tpu.memory_space<vmem>>, vector<200x128xf32>
    tpu.vector_store %arg27[%swap3A_186, %swap3A_187], %add3A_185 {strides = array<i32>} : memref<200x128xf32, #tpu.memory_space<vmem>>, vector<200x128xf32>,
    return
  }
  func.func @transform_0(%arg0: i32) -> (i32, i32) {
    %c0_i32 = arith.constant 0 : i32
    %c0_i32_0 = arith.constant 0 : i32
    return %arg0, %c0_i32 : i32, i32
  }
  func.func @transform_1(%arg0: i32) -> (i32, i32) {
    %c0_i32 = arith.constant 0 : i32
    %c0_i32_0 = arith.constant 0 : i32
    return %arg0, %c0_i32 : i32, i32
  }
  func.func @transform_2(%arg0: i32) -> (i32, i32) {
    %c0_i32 = arith.constant 0 : i32
    %c0_i32_0 = arith.constant 0 : i32
    return %arg0, %c0_i32 : i32, i32
  }
  func.func @transform_3(%arg0: i32) -> (i32, i32) {
    %c0_i32 = arith.constant 0 : i32
    %c0_i32_0 = arith.constant 0 : i32
    return %arg0, %c0_i32 : i32, i32
  }
  func.func @transform_4(%arg0: i32) -> (i32, i32) {
    %c0_i32 = arith.constant 0 : i32
    %c0_i32_0 = arith.constant 0 : i32
    return %arg0, %c0_i32 : i32, i32
  }
  func.func @transform_5(%arg0: i32) -> (i32, i32) {
    %c0_i32 = arith.constant 0 : i32
    %c0_i32_0 = arith.constant 0 : i32
    return %arg0, %c0_i32 : i32, i32
  }
  func.func @transform_6(%arg0: i32) -> (i32, i32) {
    %c0_i32 = arith.constant 0 : i32
    %c0_i32_0 = arith.constant 0 : i32
    return %arg0, %c0_i32 : i32, i32
  }
  func.func @transform_7(%arg0: i32) -> (i32, i32) {
    %c0_i32 = arith.constant 0 : i32
    %c0_i32_0 = arith.constant 0 : i32
    %c0_i32_1 = arith.constant 0 : i32
    return %c0_i32, %c0_i32_0 : i32, i32
  }
  func.func @transform_8(%arg0: i32) -> (i32, i32) {
    %c0_i32 = arith.constant 0 : i32
    %c0_i32_0 = arith.constant 0 : i32
    return %arg0, %c0_i32 : i32, i32
  }
  func.func @transform_9(%arg0: i32) -> (i32, i32) {
    %c0_i32 = arith.constant 0 : i32
    %c0_i32_0 = arith.constant 0 : i32
    return %arg0, %c0_i32 : i32, i32
  }
  func.func @transform_10(%arg0: i32) -> (i32, i32) {
    %c0_i32 = arith.constant 0 : i32
    %c0_i32_0 = arith.constant 0 : i32
    %c0_i32_1 = arith.constant 0 : i32
    return %c0_i32, %c0_i32_0 : i32, i32
  }
  func.func @transform_11(%arg0: i32) -> (i32, i32) {
    %c0_i32 = arith.constant 0 : i32
    %c0_i32_0 = arith.constant 0 : i32
    %c0_i32_1 = arith.constant 0 : i32
    return %c0_i32, %c0_i32_0 : i32, i32
  }
  func.func @transform_12(%arg0: i32) -> (i32, i32) {
    %c0_i32 = arith.constant 0 : i32
    %c0_i32_0 = arith.constant 0 : i32
    %c0_i32_1 = arith.constant 0 : i32
    return %c0_i32, %c0_i32_0 : i32, i32
  }
  func.func @transform_13(%arg0: i32) -> (i32, i32) {
    %c0_i32 = arith.constant 0 : i32
    %c0_i32_0 = arith.constant 0 : i32
    %c0_i32_1 = arith.constant 0 : i32
    return %c0_i32, %c0_i32_0 : i32, i32
  }
  func.func @transform_14(%arg0: i32) -> (i32, i32) {
    %c0_i32 = arith.constant 0 : i32
    %c0_i32_0 = arith.constant 0 : i32
    %c0_i32_1 = arith.constant 0 : i32
    return %c0_i32, %c0_i32_0 : i32, i32
  }
  func.func @transform_15(%arg0: i32) -> (i32, i32) {
    %c0_i32 = arith.constant 0 : i32
    %c0_i32_0 = arith.constant 0 : i32
    %c0_i32_1 = arith.constant 0 : i32
    return %c0_i32, %c0_i32_0 : i32, i32
  }
  func.func @transform_16(%arg0: i32) -> (i32, i32) {
    %c0_i32 = arith.constant 0 : i32
    %c0_i32_0 = arith.constant 0 : i32
    %c0_i32_1 = arith.constant 0 : i32
    return %c0_i32, %c0_i32_0 : i32, i32
  }
  func.func @transform_17(%arg0: i32) -> (i32, i32) {
    %c0_i32 = arith.constant 0 : i32
    %c0_i32_0 = arith.constant 0 : i32
    %c0_i32_1 = arith.constant 0 : i32
    return %c0_i32, %c0_i32_0 : i32, i32
  }
  func.func @transform_18(%arg0: i32) -> (i32, i32) {
    %c0_i32 = arith.constant 0 : i32
    %c0_i32_0 = arith.constant 0 : i32
    %c0_i32_1 = arith.constant 0 : i32
    return %c0_i32, %c0_i32_0 : i32, i32
  }
  func.func @transform_19(%arg0: i32) -> (i32, i32) {
    %c0_i32 = arith.constant 0 : i32
    %c0_i32_0 = arith.constant 0 : i32
    %c0_i32_1 = arith.constant 0 : i32
    return %c0_i32, %c0_i32_0 : i32, i32
  }
  func.func @transform_20(%arg0: i32) -> (i32, i32) {
    %c0_i32 = arith.constant 0 : i32
    %c0_i32_0 = arith.constant 0 : i32
    %c0_i32_1 = arith.constant 0 : i32
    return %c0_i32, %c0_i32_0 : i32, i32
  }
  func.func @transform_21(%arg0: i32) -> (i32, i32) {
    %c0_i32 = arith.constant 0 : i32
    %c0_i32_0 = arith.constant 0 : i32
    %c0_i32_1 = arith.constant 0 : i32
    return %c0_i32, %c0_i32_0 : i32, i32
  }
  func.func @transform_22(%arg0: i32) -> (i32, i32) {
    %c0_i32 = arith.constant 0 : i32
    %c0_i32_0 = arith.constant 0 : i32
    %c0_i32_1 = arith.constant 0 : i32
    return %c0_i32, %c0_i32_0 : i32, i32
  }
  func.func @transform_23(%arg0: i32) -> (i32, i32) {
    %c0_i32 = arith.constant 0 : i32
    %c0_i32_0 = arith.constant 0 : i32
    %c0_i32_1 = arith.constant 0 : i32
    return %c0_i32, %c0_i32_0 : i32, i32
  }
  func.func @transform_24(%arg0: i32) -> (i32, i32) {
    %c0_i32 = arith.constant 0 : i32
    %c0_i32_0 = arith.constant 0 : i32
    %c0_i32_1 = arith.constant 0 : i32
    return %c0_i32, %c0_i32_0 : i32, i32
  }
  func.func @transform_25(%arg0: i32) -> (i32, i32) {
    %c0_i32 = arith.constant 0 : i32
    %c0_i32_0 = arith.constant 0 : i32
    %c0_i32_1 = arith.constant 0 : i32
    return %c0_i32, %c0_i32_0 : i32, i32
  }
  func.func @transform_26(%arg0: i32) -> (i32, i32) {
    %c0_i32 = arith.constant 0 : i32
    %c0_i32_0 = arith.constant 0 : i32
    return %arg0, %c0_i32 : i32, i32
  }
  func.func @transform_27(%arg0: i32) -> (i32, i32) {
    %c0_i32 = arith.constant 0 : i32
    %c0_i32_0 = arith.constant 0 : i32
    return %arg0, %c0_i32 : i32, i32
  }
}

module attributes {stable_mosaic.version = 14 : i64} {
  func.func @kern(%arg0: i32, %arg1: memref<200x16xf32, #tpu.memory_space<vmem>>, %arg2: memref<200x16xf32, #tpu.memory_space<vmem>>, %arg3: memref<200x16xf32, #tpu.memory_space<vmem>>, %arg4: memref<3200x16xf32, #tpu.memory_space<vmem>>, %arg5: memref<1x1xf32, #tpu.memory_space<vmem>>, %arg6: memref<16x128xf32, #tpu.memory_space<vmem>>, %arg7: memref<1x128xf32, #tpu.memory_space<vmem>>, %arg8: memref<1x128xf32, #tpu.memory_space<vmem>>, %arg9: memref<128x128xf32, #tpu.memory_space<vmem>>, %arg10: memref<1x128xf32, #tpu.memory_space<vmem>>, %arg11: memref<128x8xf32, #tpu.memory_space<vmem>>, %arg12: memref<128x128xf32, #tpu.memory_space<vmem>>, %arg13: memref<128x128xf32, #tpu.memory_space<vmem>>, %arg14: memref<128x128xf32, #tpu.memory_space<vmem>>, %arg15: memref<128x128xf32, #tpu.memory_space<vmem>>, %arg16: memref<1x128xf32, #tpu.memory_space<vmem>>, %arg17: memref<40x8xf32, #tpu.memory_space<vmem>>, %arg18: memref<1x8xf32, #tpu.memory_space<vmem>>, %arg19: memref<200x128xf32, #tpu.memory_space<vmem>>, %arg20: memref<200x8xf32, #tpu.memory_space<vmem>>) attributes {dimension_semantics = [#tpu.dimension_semantics<parallel>], iteration_bounds = array<i64: 50>, scalar_prefetch = 0 : i64, scratch_operands = 0 : i64, tpu.core_type = #tpu.core_type<tc>, window_params = [{transform_indices = @transform_0, window_bounds = array<i64: 200, 16>}, {transform_indices = @transform_1, window_bounds = array<i64: 200, 16>}, {transform_indices = @transform_2, window_bounds = array<i64: 200, 16>}, {pipeline_mode = #tpu.pipeline_mode<synchronous>, transform_indices = @transform_3, window_bounds = array<i64: 3200, 16>}, {pipeline_mode = #tpu.pipeline_mode<synchronous>, transform_indices = @transform_4, window_bounds = array<i64: 1, 1>}, {pipeline_mode = #tpu.pipeline_mode<synchronous>, transform_indices = @transform_5, window_bounds = array<i64: 16, 128>}, {pipeline_mode = #tpu.pipeline_mode<synchronous>, transform_indices = @transform_6, window_bounds = array<i64: 1, 128>}, {pipeline_mode = #tpu.pipeline_mode<synchronous>, transform_indices = @transform_7, window_bounds = array<i64: 1, 128>}, {pipeline_mode = #tpu.pipeline_mode<synchronous>, transform_indices = @transform_8, window_bounds = array<i64: 128, 128>}, {pipeline_mode = #tpu.pipeline_mode<synchronous>, transform_indices = @transform_9, window_bounds = array<i64: 1, 128>}, {pipeline_mode = #tpu.pipeline_mode<synchronous>, transform_indices = @transform_10, window_bounds = array<i64: 128, 8>}, {pipeline_mode = #tpu.pipeline_mode<synchronous>, transform_indices = @transform_11, window_bounds = array<i64: 128, 128>}, {pipeline_mode = #tpu.pipeline_mode<synchronous>, transform_indices = @transform_12, window_bounds = array<i64: 128, 128>}, {pipeline_mode = #tpu.pipeline_mode<synchronous>, transform_indices = @transform_13, window_bounds = array<i64: 128, 128>}, {pipeline_mode = #tpu.pipeline_mode<synchronous>, transform_indices = @transform_14, window_bounds = array<i64: 128, 128>}, {pipeline_mode = #tpu.pipeline_mode<synchronous>, transform_indices = @transform_15, window_bounds = array<i64: 1, 128>}, {pipeline_mode = #tpu.pipeline_mode<synchronous>, transform_indices = @transform_16, window_bounds = array<i64: 40, 8>}, {pipeline_mode = #tpu.pipeline_mode<synchronous>, transform_indices = @transform_17, window_bounds = array<i64: 1, 8>}, {transform_indices = @transform_18, window_bounds = array<i64: 200, 128>}, {transform_indices = @transform_19, window_bounds = array<i64: 200, 8>}]} {
    %get3A = arith.constant 0 : index
    %get3A_0 = arith.constant 0 : index
    %get3A_1 = vector.load %arg5[%get3A, %get3A_0] : memref<1x1xf32, #tpu.memory_space<vmem>>, vector<1x1xf32>
    %get3A_2 = vector.extract %get3A_1[0, 0] : f32 from vector<1x1xf32>
    %add3A = arith.constant 1.000000e+00 : f32
    %add3A_3 = arith.addf %get3A_2, %add3A : f32
    %div3A = arith.constant 1.000000e+00 : f32
    %div3A_4 = arith.divf %div3A, %add3A_3 : f32
    %get3A_5 = arith.constant 0 : index
    %get3A_6 = arith.constant 0 : index
    %get3A_7 = vector.load %arg4[%get3A_5, %get3A_6] : memref<3200x16xf32, #tpu.memory_space<vmem>>, vector<3200x16xf32>
    %broadcast_in_dim3A = arith.constant 0.000000e+00 : f32
    %broadcast_in_dim3A_8 = vector.broadcast %broadcast_in_dim3A : f32 to vector<3200x16xf32>
    %get3A_9 = arith.constant 0 : index
    %get3A_10 = arith.constant 0 : index
    %get3A_11 = vector.load %arg1[%get3A_9, %get3A_10] : memref<200x16xf32, #tpu.memory_space<vmem>>, vector<200x16xf32>
    %broadcast_in_dim3A_12 = vector.shape_cast %get3A_11 : vector<200x16xf32> to vector<200x1x16xf32>
    %broadcast_in_dim3A_13 = vector.shape_cast %broadcast_in_dim3A_12 : vector<200x1x16xf32> to vector<200x1x16xf32>
    %broadcast_in_dim3A_14 = vector.broadcast %broadcast_in_dim3A_13 : vector<200x1x16xf32> to vector<200x16x16xf32>
    %reshape3A = vector.shape_cast %broadcast_in_dim3A_14 : vector<200x16x16xf32> to vector<3200x16xf32>
    %mul3A = arith.mulf %reshape3A, %get3A_7 : vector<3200x16xf32>
    %reduce_sum3A = arith.constant dense<0.000000e+00> : vector<3200xf32>
    %reduce_sum3A_15 = vector.multi_reduction <add>, %mul3A, %reduce_sum3A [1] : vector<3200x16xf32> to vector<3200xf32>
    %broadcast_in_dim3A_16 = vector.shape_cast %reduce_sum3A_15 : vector<3200xf32> to vector<3200x1xf32>
    %sub3A = vector.broadcast %broadcast_in_dim3A_16 : vector<3200x1xf32> to vector<3200x16xf32>
    %sub3A_17 = arith.subf %sub3A, %reshape3A : vector<3200x16xf32>
    %mul3A_18 = arith.mulf %sub3A_17, %sub3A_17 : vector<3200x16xf32>
    %add3A_19 = arith.addf %broadcast_in_dim3A_8, %mul3A_18 : vector<3200x16xf32>
    %get3A_20 = arith.constant 0 : index
    %get3A_21 = arith.constant 0 : index
    %get3A_22 = vector.load %arg2[%get3A_20, %get3A_21] : memref<200x16xf32, #tpu.memory_space<vmem>>, vector<200x16xf32>
    %broadcast_in_dim3A_23 = vector.shape_cast %get3A_22 : vector<200x16xf32> to vector<200x1x16xf32>
    %broadcast_in_dim3A_24 = vector.shape_cast %broadcast_in_dim3A_23 : vector<200x1x16xf32> to vector<200x1x16xf32>
    %broadcast_in_dim3A_25 = vector.broadcast %broadcast_in_dim3A_24 : vector<200x1x16xf32> to vector<200x16x16xf32>
    %reshape3A_26 = vector.shape_cast %broadcast_in_dim3A_25 : vector<200x16x16xf32> to vector<3200x16xf32>
    %mul3A_27 = arith.mulf %reshape3A_26, %get3A_7 : vector<3200x16xf32>
    %reduce_sum3A_28 = arith.constant dense<0.000000e+00> : vector<3200xf32>
    %reduce_sum3A_29 = vector.multi_reduction <add>, %mul3A_27, %reduce_sum3A_28 [1] : vector<3200x16xf32> to vector<3200xf32>
    %broadcast_in_dim3A_30 = vector.shape_cast %reduce_sum3A_29 : vector<3200xf32> to vector<3200x1xf32>
    %sub3A_31 = vector.broadcast %broadcast_in_dim3A_30 : vector<3200x1xf32> to vector<3200x16xf32>
    %sub3A_32 = arith.subf %sub3A_31, %reshape3A_26 : vector<3200x16xf32>
    %mul3A_33 = arith.mulf %sub3A_32, %sub3A_32 : vector<3200x16xf32>
    %add3A_34 = arith.addf %add3A_19, %mul3A_33 : vector<3200x16xf32>
    %get3A_35 = arith.constant 0 : index
    %get3A_36 = arith.constant 0 : index
    %get3A_37 = vector.load %arg3[%get3A_35, %get3A_36] : memref<200x16xf32, #tpu.memory_space<vmem>>, vector<200x16xf32>
    %broadcast_in_dim3A_38 = vector.shape_cast %get3A_37 : vector<200x16xf32> to vector<200x1x16xf32>
    %broadcast_in_dim3A_39 = vector.shape_cast %broadcast_in_dim3A_38 : vector<200x1x16xf32> to vector<200x1x16xf32>
    %broadcast_in_dim3A_40 = vector.broadcast %broadcast_in_dim3A_39 : vector<200x1x16xf32> to vector<200x16x16xf32>
    %reshape3A_41 = vector.shape_cast %broadcast_in_dim3A_40 : vector<200x16x16xf32> to vector<3200x16xf32>
    %mul3A_42 = arith.mulf %reshape3A_41, %get3A_7 : vector<3200x16xf32>
    %reduce_sum3A_43 = arith.constant dense<0.000000e+00> : vector<3200xf32>
    %reduce_sum3A_44 = vector.multi_reduction <add>, %mul3A_42, %reduce_sum3A_43 [1] : vector<3200x16xf32> to vector<3200xf32>
    %broadcast_in_dim3A_45 = vector.shape_cast %reduce_sum3A_44 : vector<3200xf32> to vector<3200x1xf32>
    %sub3A_46 = vector.broadcast %broadcast_in_dim3A_45 : vector<3200x1xf32> to vector<3200x16xf32>
    %sub3A_47 = arith.subf %sub3A_46, %reshape3A_41 : vector<3200x16xf32>
    %mul3A_48 = arith.mulf %sub3A_47, %sub3A_47 : vector<3200x16xf32>
    %add3A_49 = arith.addf %add3A_34, %mul3A_48 : vector<3200x16xf32>
    %mul3A_50 = vector.broadcast %div3A_4 : f32 to vector<3200x16xf32>
    %mul3A_51 = arith.mulf %add3A_49, %mul3A_50 : vector<3200x16xf32>
    %get3A_52 = arith.constant 0 : index
    %get3A_53 = arith.constant 0 : index
    %get3A_54 = vector.load %arg6[%get3A_52, %get3A_53] : memref<16x128xf32, #tpu.memory_space<vmem>>, vector<16x128xf32>
    %dot_general3A = arith.constant dense<0.000000e+00> : vector<3200x128xf32>
    %dot_general3A_55 = tpu.matmul %mul3A_51, %get3A_54, %dot_general3A {dimension_numbers = #tpu.dot_dimension_numbers<[1], [0], [0], [1], [0, 0, 1, 1], [], []>, transpose_lhs_hint = false} : vector<3200x16xf32>, vector<16x128xf32>, vector<3200x128xf32> -> vector<3200x128xf32>
    %get3A_56 = arith.constant 0 : index
    %get3A_57 = arith.constant 0 : index
    %get3A_58 = vector.load %arg7[%get3A_56, %get3A_57] : memref<1x128xf32, #tpu.memory_space<vmem>>, vector<1x128xf32>
    %mul3A_59 = vector.broadcast %get3A_58 : vector<1x128xf32> to vector<3200x128xf32>
    %mul3A_60 = arith.mulf %dot_general3A_55, %mul3A_59 : vector<3200x128xf32>
    %get3A_61 = arith.constant 0 : index
    %get3A_62 = arith.constant 0 : index
    %get3A_63 = vector.load %arg8[%get3A_61, %get3A_62] : memref<1x128xf32, #tpu.memory_space<vmem>>, vector<1x128xf32>
    %add3A_64 = vector.broadcast %get3A_63 : vector<1x128xf32> to vector<3200x128xf32>
    %add3A_65 = arith.addf %mul3A_60, %add3A_64 : vector<3200x128xf32>
    %logistic3A = arith.negf %add3A_65 : vector<3200x128xf32>
    %logistic3A_66 = math.exp %logistic3A : vector<3200x128xf32>
    %logistic3A_67 = arith.constant 1.000000e+00 : f32
    %logistic3A_68 = vector.broadcast %logistic3A_67 : f32 to vector<3200x128xf32>
    %logistic3A_69 = arith.addf %logistic3A_68, %logistic3A_66 : vector<3200x128xf32>
    %logistic3A_70 = arith.divf %logistic3A_68, %logistic3A_69 : vector<3200x128xf32>
    %mul3A_71 = arith.mulf %add3A_65, %logistic3A_70 : vector<3200x128xf32>
    %get3A_72 = arith.constant 0 : index
    %get3A_73 = arith.constant 0 : index
    %get3A_74 = vector.load %arg9[%get3A_72, %get3A_73] : memref<128x128xf32, #tpu.memory_space<vmem>>, vector<128x128xf32>
    %dot_general3A_75 = arith.constant dense<0.000000e+00> : vector<3200x128xf32>
    %dot_general3A_76 = tpu.matmul %mul3A_71, %get3A_74, %dot_general3A_75 {dimension_numbers = #tpu.dot_dimension_numbers<[1], [0], [0], [1], [0, 0, 1, 1], [], []>, transpose_lhs_hint = false} : vector<3200x128xf32>, vector<128x128xf32>, vector<3200x128xf32> -> vector<3200x128xf32>
    %get3A_77 = arith.constant 0 : index
    %get3A_78 = arith.constant 0 : index
    %get3A_79 = vector.load %arg10[%get3A_77, %get3A_78] : memref<1x128xf32, #tpu.memory_space<vmem>>, vector<1x128xf32>
    %add3A_80 = vector.broadcast %get3A_79 : vector<1x128xf32> to vector<3200x128xf32>
    %add3A_81 = arith.addf %dot_general3A_76, %add3A_80 : vector<3200x128xf32>
    %logistic3A_82 = arith.negf %add3A_81 : vector<3200x128xf32>
    %logistic3A_83 = math.exp %logistic3A_82 : vector<3200x128xf32>
    %logistic3A_84 = arith.constant 1.000000e+00 : f32
    %logistic3A_85 = vector.broadcast %logistic3A_84 : f32 to vector<3200x128xf32>
    %logistic3A_86 = arith.addf %logistic3A_85, %logistic3A_83 : vector<3200x128xf32>
    %logistic3A_87 = arith.divf %logistic3A_85, %logistic3A_86 : vector<3200x128xf32>
    %mul3A_88 = arith.mulf %add3A_81, %logistic3A_87 : vector<3200x128xf32>
    %reshape3A_89 = vector.shape_cast %mul3A_88 : vector<3200x128xf32> to vector<200x16x128xf32>
    %reduce_sum3A_90 = arith.constant dense<0.000000e+00> : vector<200x128xf32>
    %reduce_sum3A_91 = vector.multi_reduction <add>, %reshape3A_89, %reduce_sum3A_90 [1] : vector<200x16x128xf32> to vector<200x128xf32>
    %mul3A_92 = arith.mulf %reshape3A_89, %reshape3A_89 : vector<200x16x128xf32>
    %reduce_sum3A_93 = arith.constant dense<0.000000e+00> : vector<200x128xf32>
    %reduce_sum3A_94 = vector.multi_reduction <add>, %mul3A_92, %reduce_sum3A_93 [1] : vector<200x16x128xf32> to vector<200x128xf32>
    %reduce_max3A = arith.constant dense<0xFF800000> : vector<200x128xf32>
    %reduce_max3A_95 = vector.multi_reduction <maximumf>, %reshape3A_89, %reduce_max3A [1] : vector<200x16x128xf32> to vector<200x128xf32>
    %reduce_min3A = arith.constant dense<0x7F800000> : vector<200x128xf32>
    %reduce_min3A_96 = vector.multi_reduction <minimumf>, %reshape3A_89, %reduce_min3A [1] : vector<200x16x128xf32> to vector<200x128xf32>
    %mul3A_97 = arith.constant 6.250000e-02 : f32
    %mul3A_98 = vector.broadcast %mul3A_97 : f32 to vector<200x128xf32>
    %mul3A_99 = arith.mulf %reduce_sum3A_91, %mul3A_98 : vector<200x128xf32>
    %mul3A_100 = arith.constant 6.250000e-02 : f32
    %mul3A_101 = vector.broadcast %mul3A_100 : f32 to vector<200x128xf32>
    %mul3A_102 = arith.mulf %reduce_sum3A_94, %mul3A_101 : vector<200x128xf32>
    %mul3A_103 = arith.mulf %mul3A_99, %mul3A_99 : vector<200x128xf32>
    %sub3A_104 = arith.subf %mul3A_102, %mul3A_103 : vector<200x128xf32>
    %max3A = arith.constant 0.000000e+00 : f32
    %max3A_105 = vector.broadcast %max3A : f32 to vector<200x128xf32>
    %max3A_106 = arith.maximumf %sub3A_104, %max3A_105 : vector<200x128xf32>
    %sqrt3A = math.sqrt %max3A_106 : vector<200x128xf32>
    %get3A_107 = arith.constant 0 : index
    %get3A_108 = arith.constant 0 : index
    %get3A_109 = vector.load %arg12[%get3A_107, %get3A_108] : memref<128x128xf32, #tpu.memory_space<vmem>>, vector<128x128xf32>
    %dot_general3A_110 = arith.constant dense<0.000000e+00> : vector<200x128xf32>
    %dot_general3A_111 = tpu.matmul %reduce_sum3A_91, %get3A_109, %dot_general3A_110 {dimension_numbers = #tpu.dot_dimension_numbers<[1], [0], [0], [1], [0, 0, 1, 1], [], []>, transpose_lhs_hint = false} : vector<200x128xf32>, vector<128x128xf32>, vector<200x128xf32> -> vector<200x128xf32>
    %get3A_112 = arith.constant 0 : index
    %get3A_113 = arith.constant 0 : index
    %get3A_114 = vector.load %arg13[%get3A_112, %get3A_113] : memref<128x128xf32, #tpu.memory_space<vmem>>, vector<128x128xf32>
    %dot_general3A_115 = arith.constant dense<0.000000e+00> : vector<200x128xf32>
    %dot_general3A_116 = tpu.matmul %reduce_max3A_95, %get3A_114, %dot_general3A_115 {dimension_numbers = #tpu.dot_dimension_numbers<[1], [0], [0], [1], [0, 0, 1, 1], [], []>, transpose_lhs_hint = false} : vector<200x128xf32>, vector<128x128xf32>, vector<200x128xf32> -> vector<200x128xf32>
    %add3A_117 = arith.addf %dot_general3A_111, %dot_general3A_116 : vector<200x128xf32>
    %get3A_118 = arith.constant 0 : index
    %get3A_119 = arith.constant 0 : index
    %get3A_120 = vector.load %arg14[%get3A_118, %get3A_119] : memref<128x128xf32, #tpu.memory_space<vmem>>, vector<128x128xf32>
    %dot_general3A_121 = arith.constant dense<0.000000e+00> : vector<200x128xf32>
    %dot_general3A_122 = tpu.matmul %reduce_min3A_96, %get3A_120, %dot_general3A_121 {dimension_numbers = #tpu.dot_dimension_numbers<[1], [0], [0], [1], [0, 0, 1, 1], [], []>, transpose_lhs_hint = false} : vector<200x128xf32>, vector<128x128xf32>, vector<200x128xf32> -> vector<200x128xf32>
    %add3A_123 = arith.addf %add3A_117, %dot_general3A_122 : vector<200x128xf32>
    %get3A_124 = arith.constant 0 : index
    %get3A_125 = arith.constant 0 : index
    %get3A_126 = vector.load %arg15[%get3A_124, %get3A_125] : memref<128x128xf32, #tpu.memory_space<vmem>>, vector<128x128xf32>
    %dot_general3A_127 = arith.constant dense<0.000000e+00> : vector<200x128xf32>
    %dot_general3A_128 = tpu.matmul %sqrt3A, %get3A_126, %dot_general3A_127 {dimension_numbers = #tpu.dot_dimension_numbers<[1], [0], [0], [1], [0, 0, 1, 1], [], []>, transpose_lhs_hint = false} : vector<200x128xf32>, vector<128x128xf32>, vector<200x128xf32> -> vector<200x128xf32>
    %add3A_129 = arith.addf %add3A_123, %dot_general3A_128 : vector<200x128xf32>
    %get3A_130 = arith.constant 0 : index
    %get3A_131 = arith.constant 0 : index
    %get3A_132 = vector.load %arg16[%get3A_130, %get3A_131] : memref<1x128xf32, #tpu.memory_space<vmem>>, vector<1x128xf32>
    %add3A_133 = vector.broadcast %get3A_132 : vector<1x128xf32> to vector<200x128xf32>
    %add3A_134 = arith.addf %add3A_129, %add3A_133 : vector<200x128xf32>
    %logistic3A_135 = arith.negf %add3A_134 : vector<200x128xf32>
    %logistic3A_136 = math.exp %logistic3A_135 : vector<200x128xf32>
    %logistic3A_137 = arith.constant 1.000000e+00 : f32
    %logistic3A_138 = vector.broadcast %logistic3A_137 : f32 to vector<200x128xf32>
    %logistic3A_139 = arith.addf %logistic3A_138, %logistic3A_136 : vector<200x128xf32>
    %logistic3A_140 = arith.divf %logistic3A_138, %logistic3A_139 : vector<200x128xf32>
    %mul3A_141 = arith.mulf %add3A_134, %logistic3A_140 : vector<200x128xf32>
    %get3A_142 = arith.constant 0 : index
    %get3A_143 = arith.constant 0 : index
    %get3A_144 = vector.load %arg11[%get3A_142, %get3A_143] : memref<128x8xf32, #tpu.memory_space<vmem>>, vector<128x8xf32>
    %dot_general3A_145 = arith.constant dense<0.000000e+00> : vector<200x8xf32>
    %dot_general3A_146 = tpu.matmul %mul3A_141, %get3A_144, %dot_general3A_145 {dimension_numbers = #tpu.dot_dimension_numbers<[1], [0], [0], [1], [0, 0, 1, 1], [], []>, transpose_lhs_hint = false} : vector<200x128xf32>, vector<128x8xf32>, vector<200x8xf32> -> vector<200x8xf32>
    %mul3A_147 = arith.mulf %mul3A_141, %mul3A_141 : vector<200x128xf32>
    %get3A_148 = arith.constant 0 : index
    %get3A_149 = arith.constant 0 : index
    %get3A_150 = vector.load %arg11[%get3A_148, %get3A_149] : memref<128x8xf32, #tpu.memory_space<vmem>>, vector<128x8xf32>
    %dot_general3A_151 = arith.constant dense<0.000000e+00> : vector<200x8xf32>
    %dot_general3A_152 = tpu.matmul %mul3A_147, %get3A_150, %dot_general3A_151 {dimension_numbers = #tpu.dot_dimension_numbers<[1], [0], [0], [1], [0, 0, 1, 1], [], []>, transpose_lhs_hint = false} : vector<200x128xf32>, vector<128x8xf32>, vector<200x8xf32> -> vector<200x8xf32>
    %slice3A = vector.extract_strided_slice %mul3A_141 {offsets = [0, 0], sizes = [200, 64], strides = [1, 1]} : vector<200x128xf32> to vector<200x64xf32>
    %slice3A_153 = vector.extract_strided_slice %mul3A_141 {offsets = [0, 64], sizes = [200, 64], strides = [1, 1]} : vector<200x128xf32> to vector<200x64xf32>
    %max3A_154 = arith.maximumf %slice3A, %slice3A_153 : vector<200x64xf32>
    %slice3A_155 = vector.extract_strided_slice %mul3A_141 {offsets = [0, 0], sizes = [200, 64], strides = [1, 1]} : vector<200x128xf32> to vector<200x64xf32>
    %slice3A_156 = vector.extract_strided_slice %mul3A_141 {offsets = [0, 64], sizes = [200, 64], strides = [1, 1]} : vector<200x128xf32> to vector<200x64xf32>
    %min3A = arith.minimumf %slice3A_155, %slice3A_156 : vector<200x64xf32>
    %slice3A_157 = vector.extract_strided_slice %max3A_154 {offsets = [0, 0], sizes = [200, 32], strides = [1, 1]} : vector<200x64xf32> to vector<200x32xf32>
    %slice3A_158 = vector.extract_strided_slice %max3A_154 {offsets = [0, 32], sizes = [200, 32], strides = [1, 1]} : vector<200x64xf32> to vector<200x32xf32>
    %max3A_159 = arith.maximumf %slice3A_157, %slice3A_158 : vector<200x32xf32>
    %slice3A_160 = vector.extract_strided_slice %min3A {offsets = [0, 0], sizes = [200, 32], strides = [1, 1]} : vector<200x64xf32> to vector<200x32xf32>
    %slice3A_161 = vector.extract_strided_slice %min3A {offsets = [0, 32], sizes = [200, 32], strides = [1, 1]} : vector<200x64xf32> to vector<200x32xf32>
    %min3A_162 = arith.minimumf %slice3A_160, %slice3A_161 : vector<200x32xf32>
    %slice3A_163 = vector.extract_strided_slice %max3A_159 {offsets = [0, 0], sizes = [200, 16], strides = [1, 1]} : vector<200x32xf32> to vector<200x16xf32>
    %slice3A_164 = vector.extract_strided_slice %max3A_159 {offsets = [0, 16], sizes = [200, 16], strides = [1, 1]} : vector<200x32xf32> to vector<200x16xf32>
    %max3A_165 = arith.maximumf %slice3A_163, %slice3A_164 : vector<200x16xf32>
    %slice3A_166 = vector.extract_strided_slice %min3A_162 {offsets = [0, 0], sizes = [200, 16], strides = [1, 1]} : vector<200x32xf32> to vector<200x16xf32>
    %slice3A_167 = vector.extract_strided_slice %min3A_162 {offsets = [0, 16], sizes = [200, 16], strides = [1, 1]} : vector<200x32xf32> to vector<200x16xf32>
    %min3A_168 = arith.minimumf %slice3A_166, %slice3A_167 : vector<200x16xf32>
    %slice3A_169 = vector.extract_strided_slice %max3A_165 {offsets = [0, 0], sizes = [200, 8], strides = [1, 1]} : vector<200x16xf32> to vector<200x8xf32>
    %slice3A_170 = vector.extract_strided_slice %max3A_165 {offsets = [0, 8], sizes = [200, 8], strides = [1, 1]} : vector<200x16xf32> to vector<200x8xf32>
    %max3A_171 = arith.maximumf %slice3A_169, %slice3A_170 : vector<200x8xf32>
    %slice3A_172 = vector.extract_strided_slice %min3A_168 {offsets = [0, 0], sizes = [200, 8], strides = [1, 1]} : vector<200x16xf32> to vector<200x8xf32>
    %slice3A_173 = vector.extract_strided_slice %min3A_168 {offsets = [0, 8], sizes = [200, 8], strides = [1, 1]} : vector<200x16xf32> to vector<200x8xf32>
    %min3A_174 = arith.minimumf %slice3A_172, %slice3A_173 : vector<200x8xf32>
    %mul3A_175 = arith.constant 6.250000e-02 : f32
    %mul3A_176 = vector.broadcast %mul3A_175 : f32 to vector<200x8xf32>
    %mul3A_177 = arith.mulf %dot_general3A_146, %mul3A_176 : vector<200x8xf32>
    %mul3A_178 = arith.constant 6.250000e-02 : f32
    %mul3A_179 = vector.broadcast %mul3A_178 : f32 to vector<200x8xf32>
    %mul3A_180 = arith.mulf %dot_general3A_152, %mul3A_179 : vector<200x8xf32>
    %mul3A_181 = arith.mulf %mul3A_177, %mul3A_177 : vector<200x8xf32>
    %sub3A_182 = arith.subf %mul3A_180, %mul3A_181 : vector<200x8xf32>
    %max3A_183 = arith.constant 0.000000e+00 : f32
    %max3A_184 = vector.broadcast %max3A_183 : f32 to vector<200x8xf32>
    %max3A_185 = arith.maximumf %sub3A_182, %max3A_184 : vector<200x8xf32>
    %sqrt3A_186 = math.sqrt %max3A_185 : vector<200x8xf32>
    %concatenate3A = tpu.concatenate %dot_general3A_146, %mul3A_177, %max3A_171, %min3A_174, %sqrt3A_186 in 1 : vector<200x8xf32>, vector<200x8xf32>, vector<200x8xf32>, vector<200x8xf32>, vector<200x8xf32> -> vector<200x40xf32>
    %get3A_187 = arith.constant 0 : index
    %get3A_188 = arith.constant 0 : index
    %get3A_189 = vector.load %arg17[%get3A_187, %get3A_188] : memref<40x8xf32, #tpu.memory_space<vmem>>, vector<40x8xf32>
    %dot_general3A_190 = arith.constant dense<0.000000e+00> : vector<200x8xf32>
    %dot_general3A_191 = tpu.matmul %concatenate3A, %get3A_189, %dot_general3A_190 {dimension_numbers = #tpu.dot_dimension_numbers<[1], [0], [0], [1], [0, 0, 1, 1], [], []>, transpose_lhs_hint = false} : vector<200x40xf32>, vector<40x8xf32>, vector<200x8xf32> -> vector<200x8xf32>
    %get3A_192 = arith.constant 0 : index
    %get3A_193 = arith.constant 0 : index
    %get3A_194 = vector.load %arg18[%get3A_192, %get3A_193] : memref<1x8xf32, #tpu.memory_space<vmem>>, vector<1x8xf32>
    %add3A_195 = vector.broadcast %get3A_194 : vector<1x8xf32> to vector<200x8xf32>
    %add3A_196 = arith.addf %dot_general3A_191, %add3A_195 : vector<200x8xf32>
    %logistic3A_197 = arith.negf %add3A_196 : vector<200x8xf32>
    %logistic3A_198 = math.exp %logistic3A_197 : vector<200x8xf32>
    %logistic3A_199 = arith.constant 1.000000e+00 : f32
    %logistic3A_200 = vector.broadcast %logistic3A_199 : f32 to vector<200x8xf32>
    %logistic3A_201 = arith.addf %logistic3A_200, %logistic3A_198 : vector<200x8xf32>
    %logistic3A_202 = arith.divf %logistic3A_200, %logistic3A_201 : vector<200x8xf32>
    %mul3A_203 = arith.mulf %add3A_196, %logistic3A_202 : vector<200x8xf32>
    %swap3A = arith.constant 0 : index
    %swap3A_204 = arith.constant 0 : index
    %swap3A_205 = vector.load %arg20[%swap3A, %swap3A_204] : memref<200x8xf32, #tpu.memory_space<vmem>>, vector<200x8xf32>
    tpu.vector_store %arg20[%swap3A, %swap3A_204], %mul3A_203 {strides = array<i32>} : memref<200x8xf32, #tpu.memory_space<vmem>>, vector<200x8xf32>,
    %swap3A_206 = arith.constant 0 : index
    %swap3A_207 = arith.constant 0 : index
    %swap3A_208 = vector.load %arg19[%swap3A_206, %swap3A_207] : memref<200x128xf32, #tpu.memory_space<vmem>>, vector<200x128xf32>
    tpu.vector_store %arg19[%swap3A_206, %swap3A_207], %mul3A_141 {strides = array<i32>} : memref<200x128xf32, #tpu.memory_space<vmem>>, vector<200x128xf32>,
    return
  }
  func.func @transform_0(%arg0: i32) -> (i32, i32) {
    %c0_i32 = arith.constant 0 : i32
    %c0_i32_0 = arith.constant 0 : i32
    return %arg0, %c0_i32 : i32, i32
  }
  func.func @transform_1(%arg0: i32) -> (i32, i32) {
    %c0_i32 = arith.constant 0 : i32
    %c0_i32_0 = arith.constant 0 : i32
    return %arg0, %c0_i32 : i32, i32
  }
  func.func @transform_2(%arg0: i32) -> (i32, i32) {
    %c0_i32 = arith.constant 0 : i32
    %c0_i32_0 = arith.constant 0 : i32
    return %arg0, %c0_i32 : i32, i32
  }
  func.func @transform_3(%arg0: i32) -> (i32, i32) {
    %c0_i32 = arith.constant 0 : i32
    %c0_i32_0 = arith.constant 0 : i32
    %c0_i32_1 = arith.constant 0 : i32
    return %c0_i32, %c0_i32_0 : i32, i32
  }
  func.func @transform_4(%arg0: i32) -> (i32, i32) {
    %c0_i32 = arith.constant 0 : i32
    %c0_i32_0 = arith.constant 0 : i32
    %c0_i32_1 = arith.constant 0 : i32
    return %c0_i32, %c0_i32_0 : i32, i32
  }
  func.func @transform_5(%arg0: i32) -> (i32, i32) {
    %c0_i32 = arith.constant 0 : i32
    %c0_i32_0 = arith.constant 0 : i32
    %c0_i32_1 = arith.constant 0 : i32
    return %c0_i32, %c0_i32_0 : i32, i32
  }
  func.func @transform_6(%arg0: i32) -> (i32, i32) {
    %c0_i32 = arith.constant 0 : i32
    %c0_i32_0 = arith.constant 0 : i32
    %c0_i32_1 = arith.constant 0 : i32
    return %c0_i32, %c0_i32_0 : i32, i32
  }
  func.func @transform_7(%arg0: i32) -> (i32, i32) {
    %c0_i32 = arith.constant 0 : i32
    %c0_i32_0 = arith.constant 0 : i32
    %c0_i32_1 = arith.constant 0 : i32
    return %c0_i32, %c0_i32_0 : i32, i32
  }
  func.func @transform_8(%arg0: i32) -> (i32, i32) {
    %c0_i32 = arith.constant 0 : i32
    %c0_i32_0 = arith.constant 0 : i32
    %c0_i32_1 = arith.constant 0 : i32
    return %c0_i32, %c0_i32_0 : i32, i32
  }
  func.func @transform_9(%arg0: i32) -> (i32, i32) {
    %c0_i32 = arith.constant 0 : i32
    %c0_i32_0 = arith.constant 0 : i32
    %c0_i32_1 = arith.constant 0 : i32
    return %c0_i32, %c0_i32_0 : i32, i32
  }
  func.func @transform_10(%arg0: i32) -> (i32, i32) {
    %c0_i32 = arith.constant 0 : i32
    %c0_i32_0 = arith.constant 0 : i32
    %c0_i32_1 = arith.constant 0 : i32
    return %c0_i32, %c0_i32_0 : i32, i32
  }
  func.func @transform_11(%arg0: i32) -> (i32, i32) {
    %c0_i32 = arith.constant 0 : i32
    %c0_i32_0 = arith.constant 0 : i32
    %c0_i32_1 = arith.constant 0 : i32
    return %c0_i32, %c0_i32_0 : i32, i32
  }
  func.func @transform_12(%arg0: i32) -> (i32, i32) {
    %c0_i32 = arith.constant 0 : i32
    %c0_i32_0 = arith.constant 0 : i32
    %c0_i32_1 = arith.constant 0 : i32
    return %c0_i32, %c0_i32_0 : i32, i32
  }
  func.func @transform_13(%arg0: i32) -> (i32, i32) {
    %c0_i32 = arith.constant 0 : i32
    %c0_i32_0 = arith.constant 0 : i32
    %c0_i32_1 = arith.constant 0 : i32
    return %c0_i32, %c0_i32_0 : i32, i32
  }
  func.func @transform_14(%arg0: i32) -> (i32, i32) {
    %c0_i32 = arith.constant 0 : i32
    %c0_i32_0 = arith.constant 0 : i32
    %c0_i32_1 = arith.constant 0 : i32
    return %c0_i32, %c0_i32_0 : i32, i32
  }
  func.func @transform_15(%arg0: i32) -> (i32, i32) {
    %c0_i32 = arith.constant 0 : i32
    %c0_i32_0 = arith.constant 0 : i32
    %c0_i32_1 = arith.constant 0 : i32
    return %c0_i32, %c0_i32_0 : i32, i32
  }
  func.func @transform_16(%arg0: i32) -> (i32, i32) {
    %c0_i32 = arith.constant 0 : i32
    %c0_i32_0 = arith.constant 0 : i32
    %c0_i32_1 = arith.constant 0 : i32
    return %c0_i32, %c0_i32_0 : i32, i32
  }
  func.func @transform_17(%arg0: i32) -> (i32, i32) {
    %c0_i32 = arith.constant 0 : i32
    %c0_i32_0 = arith.constant 0 : i32
    %c0_i32_1 = arith.constant 0 : i32
    return %c0_i32, %c0_i32_0 : i32, i32
  }
  func.func @transform_18(%arg0: i32) -> (i32, i32) {
    %c0_i32 = arith.constant 0 : i32
    %c0_i32_0 = arith.constant 0 : i32
    return %arg0, %c0_i32 : i32, i32
  }
  func.func @transform_19(%arg0: i32) -> (i32, i32) {
    %c0_i32 = arith.constant 0 : i32
    %c0_i32_0 = arith.constant 0 : i32
    return %arg0, %c0_i32 : i32, i32
  }
}

</mosaic_0001>

<sc_bundles>
// kernel: kernel.11.cloned.1.call-start
scs
__scs_entry_jumppad:
0x0: {  	(pc) =	sbr.rel $0x88, $3  }
0x1: {  	(tag) =	ssettag $0x0;
	lr =	simm.s32 $0x1  }
0x2: {  	[smem:$0x3F8A] =	sst lr;
	_ =	strace $0xD0000000  }
0x3: {  	_ = 	snop  }
0x4: {  	_ = 	snop  }
0x5: {  	_ = 	snop  }
0x6: {  	_ = 	snop  }
0x7: {  	_ = 	snop  }
__scs_overlays_trampoline_lowered:
0x8: {  	[smem:$0x3F99] =	sst s0  }
0x9: {  	[smem:$0x3F9A] =	sst s1  }
0xa: {  	[smem:$0x3F9B] =	sst s2  }
0xb: {  	[smem:$0x3F9C] =	sst s3  }
0xc: {  	[smem:$0x3F9D] =	sst s4  }
0xd: {  	[smem:$0x3F9E] =	sst s5  }
0xe: {  	[smem:$0x3F9F] =	sst s6  }
0xf: {  	[smem:$0x3FA0] =	sst s7  }
0x10: {  	[smem:$0x3FA1] =	sst s8  }
0x11: {  	[smem:$0x3FA2] =	sst s9;
	s0 =	simm.s32 @!p0 $0x0  }
0x12: {  	s1 =	sld [smem:$0x3F88];
	s0 =	simm.s32 @p0 $0x1  }
0x13: {  	[smem:$0x3FA3] =	sst s0;
	s0 =	simm.s32 @!p1 $0x0  }
0x14: {  	s2 =	sld [smem:$0x3F87];
	s0 =	simm.s32 @p1 $0x1  }
0x15: {  	[smem:$0x3FA4] =	sst s0;
	s0 =	simm.s32 @!p2 $0x0  }
0x16: {  	s3 =	sld [smem:$0x3FDB];
	s0 =	simm.s32 @p2 $0x1  }
0x17: {  	s4 =	simm.s32 $0x1BF5;
	[smem:$0x3FA6] =	sst s0  }
0x18: {  	s0 =	sld [smem:$0x3F89];
	_ =	swait.ge [sflag:s4], $0x0  }
0x19: {  	s7 =	sld [smem:$0x3F8A]  }
0x1a: {  	s8 =	sadd.s32 $0xFFFFE003, lr  }
0x1b: {  	s9 =	sadd.s32 $0xFFFFFEF7, lr;
	s5 =	simm.s32 $0xFFFFFFFF;
	p2 =	slt.u32 s8, $0xFFFFF086  }
0x1c: {  	p1 =	slt.u32 s9, $0xF7A;
	s5 =	simm.s32 @!p2 $0x0  }
0x1d: {  	s5 =	simm.s32 @p1 $0x1;
	p0 =	seq.s32 s7, s2  }
0x1e: {  	s7 =	smul.u32 @!p0 $0xF7A, s2;
	p2 =	seq.s32 @!p0 s5, $0x0  }
0x1f: {  	s9 =	smul.u32 $0xF7A, s1;
	s8 =	simm.s32 @!p0 $0x1BF5;
	p2 =	por !p2, p0  }
0x20: {  	[sflag:s8] =	ssyncset.s32 @!p0 $0xFFFFF086;
	s6 =	sadd.s32 @!p0 s3, s7;
	s7 =	simm.s32 @!p0 $0x108  }
0x21: {  	s3 =	sadd.s32 s3, s9;
	s6 =	sadd.s32 @!p0 $0x88, s6;
	s7 =	simm.s32 @p2 $0x1082  }
0x22: {  	[simem:s7], [sflag:s8] =	dma.local @!p0 [hbm:s6], $0xF7A  }
0x23: {  	s9 =	sor.u32 $0xD0000000, s2;
	s6 =	simm.s32 $0x108;
	_ =	swait.ge @!p0 [sflag:s8], $0x0  }
0x24: {  	s3 =	sadd.s32 $0x88, s3;
	s6 =	simm.s32 @!p1 $0x1082;
	[sflag:s4] =	ssyncset.s32 $0xFFFFF086  }
0x25: {  	[simem:s6], [sflag:s4] =	dma.local [hbm:s3], $0xF7A  }
0x26: {  	[smem:$0x3F8A] =	sst s1;
	(tag) =	ssettag s2;
	_ =	strace s9  }
0x27: {  	s1 =	sld [smem:$0x3F9A]  }
0x28: {  	s2 =	sld [smem:$0x3F9B]  }
0x29: {  	s4 =	sld [smem:$0x3F9D]  }
0x2a: {  	p0 =	seq.s32 s5, $0x0;
	s5 =	sld [smem:$0x3F9E]  }
0x2b: {  	s6 =	sld [smem:$0x3F9F]  }
0x2c: {  	s7 =	sld [smem:$0x3FA0]  }
0x2d: {  	s3 =	simm.s32 $0x108;
	s8 =	sld [smem:$0x3FA1]  }
0x2e: {  	s3 =	simm.s32 @!p0 $0x1082;
	s9 =	sld [smem:$0x3FA2]  }
0x2f: {  	lr =	sadd.s32 s0, s3;
	s0 =	sld [smem:$0x3F99]  }
0x30: {  	s3 =	sld [smem:$0x3F9C]  }
0x31: {  	[smem:$0x3FA5] =	sst s10  }
0x32: {  	s10 =	sld [smem:$0x3FA3];
	_ =	sdelay $0x3  }
0x33: {  	p0 =	seq.s32 s10, $0x1;
	s10 =	sld [smem:$0x3FA5];
	_ =	sdelay $0x3  }
0x34: {  	[smem:$0x3FA5] =	sst s10  }
0x35: {  	s10 =	sld [smem:$0x3FA4];
	_ =	sdelay $0x3  }
0x36: {  	p1 =	seq.s32 s10, $0x1;
	s10 =	sld [smem:$0x3FA5];
	_ =	sdelay $0x3  }
0x37: {  	[smem:$0x3FA5] =	sst s10  }
0x38: {  	s10 =	sld [smem:$0x3FA6]  }
0x39: {  	_ = 	snop;
	(pc) =	sbr.ind lr, $3  }
0x3a: {  	_ = 	snop  }
0x3b: {  	_ = 	snop  }
0x3c: {  	p2 =	seq.s32 s10, $0x1;
	s10 =	sld [smem:$0x3FA5]  }
0x3d: {  	_ =	shalt  }
0x3e: {  	_ =	shalt  }
0x3f: {  	_ =	shalt  }
0x40: {  	_ =	shalt  }
0x41: {  	_ =	shalt  }
0x42: {  	_ =	shalt  }
0x43: {  	_ =	shalt  }
0x44: {  	_ =	shalt  }
0x45: {  	_ =	shalt  }
0x46: {  	_ =	shalt  }
0x47: {  	_ =	shalt  }
0x48: {  	_ =	shalt  }
0x49: {  	_ =	shalt  }
0x4a: {  	_ =	shalt  }
0x4b: {  	_ =	shalt  }
0x4c: {  	_ =	shalt  }
0x4d: {  	_ =	shalt  }
0x4e: {  	_ =	shalt  }
0x4f: {  	_ =	shalt  }
0x50: {  	_ =	shalt  }
0x51: {  	_ =	shalt  }
0x52: {  	_ =	shalt  }
0x53: {  	_ =	shalt  }
0x54: {  	_ =	shalt  }
0x55: {  	_ =	shalt  }
0x56: {  	_ =	shalt  }
0x57: {  	_ =	shalt  }
0x58: {  	_ =	shalt  }
0x59: {  	_ =	shalt  }
0x5a: {  	_ =	shalt  }
0x5b: {  	_ =	shalt  }
0x5c: {  	_ =	shalt  }
0x5d: {  	_ =	shalt  }
0x5e: {  	_ =	shalt  }
0x5f: {  	_ =	shalt  }
0x60: {  	_ =	shalt  }
0x61: {  	_ =	shalt  }
0x62: {  	_ =	shalt  }
0x63: {  	_ =	shalt  }
0x64: {  	_ =	shalt  }
0x65: {  	_ =	shalt  }
0x66: {  	_ =	shalt  }
0x67: {  	_ =	shalt  }
0x68: {  	_ =	shalt  }
0x69: {  	_ =	shalt  }
0x6a: {  	_ =	shalt  }
0x6b: {  	_ =	shalt  }
0x6c: {  	_ =	shalt  }
0x6d: {  	_ =	shalt  }
0x6e: {  	_ =	shalt  }
0x6f: {  	_ =	shalt  }
0x70: {  	_ =	shalt  }
0x71: {  	_ =	shalt  }
0x72: {  	_ =	shalt  }
0x73: {  	_ =	shalt  }
0x74: {  	_ =	shalt  }
0x75: {  	_ =	shalt  }
0x76: {  	_ =	shalt  }
0x77: {  	_ =	shalt  }
0x78: {  	_ =	shalt  }
0x79: {  	_ =	shalt  }
0x7a: {  	_ =	shalt  }
0x7b: {  	_ =	shalt  }
0x7c: {  	_ =	shalt  }
0x7d: {  	_ =	shalt  }
0x7e: {  	_ =	shalt  }
0x7f: {  	_ =	shalt  }
0x80: {  	_ =	shalt  }
0x81: {  	_ =	shalt  }
0x82: {  	_ =	shalt  }
0x83: {  	_ =	shalt  }
0x84: {  	_ =	shalt  }
0x85: {  	_ =	shalt  }
0x86: {  	_ =	shalt  }
0x87: {  	_ =	shalt  }
.Lfunc_end0:
.L_simem_size_0:
called_computation.1_lowered:
.L_overlay_start_0:
0x88: {  	s2 =	sld [smem:$0x3FD9]  }
0x89: {  	s3 =	sld [smem:$0x3FFE];
	_ =	sdelay $0x1  }
0x8a: {  	s1 =	srdreg.scid  }
0x8b: {  	s0 =	sand.u32 $0x1, s1  }
0x8c: {  	s15 =	sshll.u32 s0, $0xA;
	s2 =	sadd.s32 s3, s2  }
0x8d: {  	s2 =	sadd.s32 s2, s15  }
0x8e: {  	[smem:$0x3FB1] =	sst s2  }
0x8f: {  	_ = 	snop  }
0x90: {  	s2 =	sld [smem:$0x3FD0];
	_ =	sdelay $0x2  }
0x91: {  	s16 =	simm.s32 $0xB;
	s4 =	simm.s32 $0x10  }
0x92: {  	[smem:s4], [sflag:s16] =	dma.local [hbm:s2], $0x1  }
0x93: {  	_ =	swait.eq [sflag:s16], $0x1  }
0x94: {  	[sflag:s16] =	ssyncset.done $0x0  }
0x95: {  	[sflag:s16] =	ssyncadd.s32 $0xFFFFFFFF  }
0x96: {  	s17 =	sld [smem:$0x10];
	(tm) =	ssettm $0x1  }
0x97: {  	s18 =	sld [smem:$0x3FFB];
	_ =	sdelay $0x3  }
0x98: {  	_ =	strace s18  }
0x99: {  	s2 =	sld [smem:$0x3FFC];
	_ =	sdelay $0x3  }
0x9a: {  	_ =	strace s2  }
0x9b: {  	s2 =	sld [smem:$0x3FFD];
	_ =	sdelay $0x3  }
0x9c: {  	_ =	strace s2  }
0x9d: {  	_ =	strace $0x8FFFFFFF  }
0x9e: {  	s19 =	sld [smem:$0x3FDB];
	_ =	sdelay $0x1  }
0x9f: {  	s20 =	simm.s32 $_scs_section_size  }
0xa0: {  	s5 =	simm.s32 $_size__tile_overlayer_lowered;
	s6 =	simm.s32 $_tile_overlayer_lowered  }
0xa1: {  	s7 =	simm.s32 $0x1BFF;
	s21 =	sshll.u32 s6, $0x1;
	s4 =	sadd.s32 s20, s19  }
0xa2: {  	s22 =	simm.s32 $0x0;
	s5 =	sshll.u32 s5, $0x1;
	s6 =	sadd.s32 s21, s4  }
0xa3: {  	[timem:s22], [sflag:s7] =	dma.local [hbm:s6], s5  }
0xa4: {  	_ =	swait.ge [sflag:s7], s5  }
0xa5: {  	s5 =	ssub.s32 $0x0, s5;
	[sflag:s7] =	ssyncset.done $0x0  }
0xa6: {  	[sflag:s7] =	ssyncadd.s32 s5;
	_ =	sdelay $0x1  }
0xa7: {  	s23 =	simm.s32 $0x1B8B  }
0xa8: {  	_ =	swait.ge [sflag:s23], $0x1  }
0xa9: {  	[sflag:s23] =	ssyncset.done $0x0  }
0xaa: {  	[sflag:s23] =	ssyncadd.s32 $0xFFFFFFFF  }
0xab: {  	s5 =	sld [smem:$0x0]  }
0xac: {  	s6 =	sand.u32 $0xFFFFFFFE, s1  }
0xad: {  	p0 =	sne.s32 s1, s6  }
0xae: {  	s6 =	sshll.u32 @p0 s6, $0xE  }
0xaf: {  	s6 =	sadd.s32 @p0 $0x11B8D, s6;
	s7 =	sshll.u32 @p0 s5, $0x11  }
0xb0: {  	s6 =	sor.u32 @p0 s7, s6  }
0xb1: {  	[sflag:s6] =	ssyncadd.remote.s32 @p0 $0x1;
	_ =	sdelay $0x1  }
0xb2: {  	s6 =	simm.s32 @p0 $0x1B8D  }
0xb3: {  	_ =	swait.eq @p0 [sflag:s6], $0x1  }
0xb4: {  	[sflag:s6] =	ssyncadd.s32 @p0 $0xFFFFFFFF  }
0xb5: {  	s7 =	sshll.u32 @!p0 s1, $0xE  }
0xb6: {  	s7 =	sor.u32 @!p0 $0x4000, s7;
	s6 =	simm.s32 @!p0 $0x1B8D  }
0xb7: {  	s5 =	sshll.u32 @!p0 s5, $0x11;
	s7 =	sadd.s32 @!p0 $0x11B8D, s7;
	_ =	swait.eq @!p0 [sflag:s6], $0x1  }
0xb8: {  	s5 =	sor.u32 @!p0 s5, s7;
	[sflag:s6] =	ssyncadd.s32 @!p0 $0xFFFFFFFF  }
0xb9: {  	s25 =	simm.s32 $0x1B8E;
	s24 =	sld [smem:$0x3FFE];
	[sflag:s5] =	ssyncadd.remote.s32 @!p0 $0x1  }
0xba: {  	s26 =	simm.s32 $execute0_lowered;
	[smem:$0x3FD2] =	sst s25  }
0xbb: {  	s6 =	sshll.u32 s26, $0x1;
	_ =	strace $0x80000049;
	[dreg:$0x1] =	wrdreg $0xFFFFFFFF  }
0xbc: {  	s28 =	simm.s32 $_size_execute0_lowered;
	s4 =	sadd.s32 s4, s6;
	[dreg:$0x0] =	wrdreg $0x0  }
0xbd: {  	s6 =	sshll.u32 s28, $0x1;
	[dreg:$0x2] =	wrdreg s4  }
0xbe: {  	[dreg:$0x3] =	wrdreg s6  }
0xbf: {  	[dreg:$0x4] =	wrdreg $0xC0  }
0xc0: {  	_ =	task [dreg:s22], $0x5FFFF  }
0xc1: {  	[dreg:$0x1] =	wrdreg $0xFFFFFFFF  }
0xc2: {  	[dreg:$0x0] =	wrdreg $0x60  }
0xc3: {  	[dreg:$0x2] =	wrdreg s17  }
0xc4: {  	[dreg:$0x3] =	wrdreg s24  }
0xc5: {  	[dreg:$0x4] =	wrdreg $0xA  }
0xc6: {  	_ =	task.clear_ibuf [dreg:s22], $0x5FFFF;
	_ =	strace $0x90000049  }
0xc7: {  	s29 =	simm.s32 $0xA;
	_ =	strace $0x8000004B  }
0xc8: {  	_ =	swait.ge [sflag:s29], $0x1  }
0xc9: {  	[sflag:s29] =	ssyncadd.s32 $0xFFFFFFFF  }
0xca: {  	_ =	strace $0x9000004B  }
0xcb: {  	_ =	sfence  }
0xcc: {  	s30 =	sld [smem:$0x0];
	_ =	sdelay $0x2  }
0xcd: {  	s31 =	sshll.u32 s1, $0xD;
	s1 =	sshrl.u32 s1, $0x2  }
0xce: {  	s4 =	sand.u32 $0x4000, s31;
	s1 =	sadd.s32 s1, s30  }
0xcf: {  	s0 =	sor.u32 s4, s0;
	s1 =	sshll.u32 s1, $0x11  }
0xd0: {  	s0 =	sor.u32 s1, s0  }
0xd1: {  	s0 =	sadd.s32 $0x8F2B, s0  }
0xd2: {  	[sflag:s0] =	ssyncadd.remote.s32 $0x1  }
0xd3: {  	_ =	sfence.sel $0xFFFF  }
0xd4: {  	[dreg:$0x0] =	wrdreg $0xFFFFFFFF;
	(pc) =	sbr.abs _section_cstart, $3  }
0xd5: {  	[dreg:$0x1] =	wrdreg $0xFFFFFFFF  }
0xd6: {  	_ =	task.clear_ibuf [dreg:s22], $0x2FFFF;
	_ =	strace $0x9FFFFFFF  }
0xd7: {  	(tm) =	ssettm $0x7FFFFFFF  }
tec
execute0_lowered:
.L_overlay_start_1:
0x0: {  	(tag) =	ssettag $0x1  }
0x1: {  	s1 =	srdreg.scid;
	s2 =	rddreg [dreg:$0x0]  }
0x2: {  	s0 =	stileid.u32;
	s4 =	rddreg [dreg:$0x1]  }
0x3: {  	s3 =	simm.s32 $0x0;
	s12 =	simm.s32 $0x5400;
	s14 =	simm.s32 $0x9400  }
0x4: {  	s15 =	simm.s32 $0x180;
	s16 =	simm.s32 $0xD400;
	s17 =	simm.s32 $0x1  }
0x5: {  	s18 =	simm.s32 $0x2;
	s19 =	simm.s32 $0x3;
	s20 =	simm.s32 $0x4  }
0x6: {  	s21 =	simm.s32 $0x5;
	s22 =	simm.s32 $0x6;
	s23 =	simm.s32 $0x7  }
0x7: {  	s24 =	simm.s32 $0x8;
	s25 =	simm.s32 $0x0;
	s7 =	smul.u32 $0x50, s0  }
0x8: {  	s6 =	sand.u32 $0x1, s1;
	s29 =	sshll.u32 s0, $0x1;
	s30 =	smul.u32 $0x28000, s0  }
0x9: {  	[smem:$0x7FF] =	sst s3;
	s11 =	sadd.s32 $0xAA800, s4;
	s9 =	smul.u32 $0x28, s6  }
0xa: {  	s1 =	sor.u32 s6, s29;
	s8 =	ssub.s32 $0x2, s6;
	s31 =	smul.u32 $0x14000, s6  }
0xb: {  	_ =	strace $0x8000004A;
	s5 =	smul.u32 $0x280, s1;
	s10 =	sshrl.u32 s8, $0x1  }
.Ltmp0:
0xc: {  	s8 =	ssub.s32 s8, s10;
	s7 =	sadd.s32 s9, s7;
	(pc) =	sbr.rel .LBB2_1-.Ltmp0, $4  }
0xd: {  	s9 =	sadd.s32 s30, s11;
	s10 =	simm.s32 $0x80;
	s5 =	sadd.s32 s5, s4  }
0xe: {  	s7 =	sshll.u32 s7, $0xB;
	s4 =	sadd.s32 $0x6600, s5;
	s5 =	smax.u32 s8, $0x1  }
0xf: {  	s7 =	sadd.s32 s7, s11;
	s8 =	sadd.s32 s31, s9;
	s9 =	simm.s32 $0x9  }
0x10: {  	s11 =	simm.s32 $0x1400;
	s6 =	sadd.s32 $0x1800, s7;
	s7 =	sadd.s32 $0x1000, s7  }
.LBB2_4:
0x11: {  	_ =	swait.ge [sflag:s21], $0x4000  }
0x12: {  	[sflag:s21] =	ssyncset.done $0x0  }
0x13: {  	[sflag:s21] =	ssyncadd.s32 $0xFFFFC000  }
0x14: {  	_ =	swait.ge [sflag:s22], $0x4000  }
0x15: {  	[sflag:s22] =	ssyncset.done $0x0  }
0x16: {  	s25 =	sadd.s32 $0x1, s25;
	[sflag:s22] =	ssyncadd.s32 $0xFFFFC000  }
0x17: {  	p0 =	sne.s32 s25, s5;
	_ =	swait.ge [sflag:s23], $0x4000  }
.Ltmp1:
0x18: {  	[sflag:s23] =	ssyncset.done $0x0;
	(pc) =	sbr.rel @!p0 .LBB2_5-.Ltmp1, $4  }
0x19: {  	[sflag:s23] =	ssyncadd.s32 $0xFFFFC000  }
0x1a: {  	_ =	swait.ge [sflag:s24], $0x4000  }
0x1b: {  	[sflag:s24] =	ssyncset.done $0x0  }
0x1c: {  	[sflag:s24] =	ssyncadd.s32 $0xFFFFC000  }
.LBB2_1:
0x1d: {  	[tilespmem:s3], [sflag:$0x9] =	stream.linear.gather [hbm4b:s4+s3], $0x1400, $0x38;
	[tilespmem:$0x11400] =	vst v63  }
0x1e: {  	_ =	swait.ge [sflag:s9], $0x1400  }
0x1f: {  	[sflag:s9] =	ssyncset.done $0x0  }
0x20: {  	[sflag:s9] =	ssyncadd.s32 $0xFFFFEC00  }
0x21: {  	[tilespmem:s11], [sflag:$0x1] =	stream.indirect.gather [hbm4b:s2+s10], $0x80, s3, s10, $0xb8;
	[tilespmem:$0x11400] =	vst v63  }
0x22: {  	_ = 	snop  }
0x23: {  	[tilespmem:s12], [sflag:$0x2] =	stream.indirect.gather [hbm4b:s2+s10], $0x80, s10, s10, $0xb8;
	[tilespmem:$0x11400] =	vst v63  }
0x24: {  	s0 =	simm.s32 $0x100;
	s26 =	smov.u32 s8  }
0x25: {  	[tilespmem:s14], [sflag:$0x3] =	stream.indirect.gather [hbm4b:s2+s10], $0x80, s0, s10, $0xb8;
	[tilespmem:$0x11400] =	vst v63  }
0x26: {  	s28 =	smov.u32 s7;
	s29 =	smov.u32 s6;
	s30 =	simm.s32 $0x0  }
0x27: {  	[tilespmem:s16], [sflag:$0x4] =	stream.indirect.gather [hbm4b:s2+s10], $0x80, s15, s10, $0xb8;
	[tilespmem:$0x11400] =	vst v63  }
.LBB2_2:
0x28: {  	_ =	swait.ge [sflag:s17], $0x4000  }
0x29: {  	p0 =	seq.s32 s30, $0x4800;
	[sflag:s17] =	ssyncset.done $0x0  }
0x2a: {  	s31 =	simm.s32 @!p0 $0x5;
	[sflag:s17] =	ssyncadd.s32 $0xFFFFC000  }
0x2b: {  	[hbm4b:s26+s3] =	stream.linear.scatter [tilespmem:s11], [sflag:$0x5], $0x4000, $0x38;
	[tilespmem:$0x11400] =	vst v63  }
0x2c: {  	_ =	swait.ge @!p0 [sflag:s31], $0x4000  }
0x2d: {  	[sflag:s31] =	ssyncset.done @!p0 $0x0  }
0x2e: {  	[sflag:s31] =	ssyncadd.s32 @!p0 $0xFFFFC000;
	s31 =	sshra.s32 @!p0 s30, $0x2  }
0x2f: {  	s0 =	simm.s32 @!p0 $0x80;
	s13 =	simm.s32 @!p0 $0x1400;
	s1 =	sadd.s32 @!p0 $0x200, s31  }
0x30: {  	[tilespmem:s13], [sflag:$0x1] =	stream.indirect.gather @!p0 [hbm4b:s2+s0], $0x80, s1, s0, $0xb8;
	[tilespmem:$0x11400] =	vst v63  }
0x31: {  	_ =	swait.ge [sflag:s18], $0x4000  }
0x32: {  	[sflag:s18] =	ssyncset.done $0x0  }
0x33: {  	s13 =	sadd.s32 $0xFFFFF000, s29;
	s1 =	simm.s32 @!p0 $0x6;
	[sflag:s18] =	ssyncadd.s32 $0xFFFFC000  }
0x34: {  	[hbm4b:s13+s3] =	stream.linear.scatter [tilespmem:s12], [sflag:$0x6], $0x4000, $0x38;
	[tilespmem:$0x11400] =	vst v63  }
0x35: {  	_ =	swait.ge @!p0 [sflag:s1], $0x4000  }
0x36: {  	[sflag:s1] =	ssyncset.done @!p0 $0x0  }
0x37: {  	s13 =	simm.s32 @!p0 $0x5400;
	[sflag:s1] =	ssyncadd.s32 @!p0 $0xFFFFC000;
	s1 =	sadd.s32 @!p0 $0x280, s31  }
0x38: {  	[tilespmem:s13], [sflag:$0x2] =	stream.indirect.gather @!p0 [hbm4b:s2+s0], $0x80, s1, s0, $0xb8;
	[tilespmem:$0x11400] =	vst v63  }
0x39: {  	_ =	swait.ge [sflag:s19], $0x4000  }
0x3a: {  	[sflag:s19] =	ssyncset.done $0x0  }
0x3b: {  	s1 =	simm.s32 @!p0 $0x7;
	[sflag:s19] =	ssyncadd.s32 $0xFFFFC000  }
0x3c: {  	[hbm4b:s28+s3] =	stream.linear.scatter [tilespmem:s14], [sflag:$0x7], $0x4000, $0x38;
	[tilespmem:$0x11400] =	vst v63  }
0x3d: {  	_ =	swait.ge @!p0 [sflag:s1], $0x4000  }
0x3e: {  	[sflag:s1] =	ssyncset.done @!p0 $0x0  }
0x3f: {  	s13 =	simm.s32 @!p0 $0x9400;
	[sflag:s1] =	ssyncadd.s32 @!p0 $0xFFFFC000;
	s1 =	sadd.s32 @!p0 $0x300, s31  }
0x40: {  	[tilespmem:s13], [sflag:$0x3] =	stream.indirect.gather @!p0 [hbm4b:s2+s0], $0x80, s1, s0, $0xb8;
	[tilespmem:$0x11400] =	vst v63  }
.Ltmp2:
0x41: {  	_ = 	snop;
	(pc) =	sbr.rel @p0 .LBB2_4-.Ltmp2, $4  }
0x42: {  	_ =	swait.ge [sflag:s20], $0x4000  }
0x43: {  	[sflag:s20] =	ssyncset.done $0x0  }
0x44: {  	[sflag:s20] =	ssyncadd.s32 $0xFFFFC000  }
0x45: {  	[hbm4b:s29+s3] =	stream.linear.scatter [tilespmem:s16], [sflag:$0x8], $0x4000, $0x38;
	[tilespmem:$0x11400] =	vst v63  }
.Ltmp3:
0x46: {  	(pc) =	sbr.rel .LBB2_2-.Ltmp3, $4  }
0x47: {  	_ =	swait.ge [sflag:s24], $0x4000;
	s0 =	sshra.s32 s30, $0x2;
	s30 =	sadd.s32 $0x800, s30  }
0x48: {  	s29 =	sadd.s32 $0x2000, s29;
	s28 =	sadd.s32 $0x2000, s28;
	[sflag:s24] =	ssyncset.done $0x0  }
0x49: {  	s26 =	sadd.s32 $0x2000, s26;
	s0 =	sadd.s32 $0x380, s0;
	[sflag:s24] =	ssyncadd.s32 $0xFFFFC000  }
0x4a: {  	[tilespmem:s16], [sflag:$0x4] =	stream.indirect.gather [hbm4b:s2+s10], $0x80, s0, s10, $0xb8;
	[tilespmem:$0x11400] =	vst v63  }
.LBB2_5:
0x4b: {  	_ =	sfence.sel $0x180000  }
0x4c: {  	[bflag:$0x0] =	sbarrier.arrive $0xFFFF  }
0x4d: {  	_ =	strace $0x9000004A  }
0x4e: {  	s0 =	stileid.u32;
	[bflag:$0x2] =	sbarrier.arrive $0xFFFF  }
0x4f: {  	p0 =	sne.s32 s0, $0x0;
	s0 =	rddreg [dreg:$0x2]  }
0x50: {  	s0 =	sadd.s32 @!p0 $0x100000, s0  }
0x51: {  	[sflag:s0] =	ssyncadd.tile.s32 @!p0 $0x1;
	_ =	shalt  }
.Lfunc_end2:
_tile_overlayer_lowered:
.L_overlay_start_2:
0x52: {  	(tag) =	ssettag $0x2  }
0x53: {  	s0 =	rddreg [dreg:$0x0];
	s2 =	stileid.u32  }
0x54: {  	s1 =	rddreg [dreg:$0x1];
	p0 =	sne.s32 s2, $0x0  }
0x55: {  	s3 =	rddreg [dreg:$0x2];
	[bflag:$0x3] =	sbarrier.arrive $0xFFFF;
	s2 =	simm.s32 @!p0 $0x1C09  }
0x56: {  	[timem:s3], [sflag:s2] =	dma.local @!p0 [hbm:s0], s1  }
0x57: {  	s0 =	simm.s32 @!p0 $0x9  }
0x58: {  	_ =	swait.ge @!p0 [sflag:s0], s1  }
0x59: {  	s1 =	ssub.s32 @!p0 $0x0, s1;
	[sflag:s0] =	ssyncset.done @!p0 $0x0  }
0x5a: {  	[sflag:s0] =	ssyncadd.s32 @!p0 s1  }
0x5b: {  	[bflag:$0x3] =	sbarrier.arrive $0xFFFF  }
0x5c: {  	_ =	shalt  }

// kernel: kernel.8.cloned.1.call-start
scs
__scs_entry_jumppad:
0x0: {  	(pc) =	sbr.rel $0x88, $3  }
0x1: {  	(tag) =	ssettag $0x0;
	lr =	simm.s32 $0x1  }
0x2: {  	[smem:$0x3F8A] =	sst lr;
	_ =	strace $0xD0000000  }
0x3: {  	_ = 	snop  }
0x4: {  	_ = 	snop  }
0x5: {  	_ = 	snop  }
0x6: {  	_ = 	snop  }
0x7: {  	_ = 	snop  }
__scs_overlays_trampoline_lowered:
0x8: {  	[smem:$0x3F99] =	sst s0  }
0x9: {  	[smem:$0x3F9A] =	sst s1  }
0xa: {  	[smem:$0x3F9B] =	sst s2  }
0xb: {  	[smem:$0x3F9C] =	sst s3  }
0xc: {  	[smem:$0x3F9D] =	sst s4  }
0xd: {  	[smem:$0x3F9E] =	sst s5  }
0xe: {  	[smem:$0x3F9F] =	sst s6  }
0xf: {  	[smem:$0x3FA0] =	sst s7  }
0x10: {  	[smem:$0x3FA1] =	sst s8  }
0x11: {  	[smem:$0x3FA2] =	sst s9;
	s0 =	simm.s32 @!p0 $0x0  }
0x12: {  	s1 =	sld [smem:$0x3F88];
	s0 =	simm.s32 @p0 $0x1  }
0x13: {  	[smem:$0x3FA3] =	sst s0;
	s0 =	simm.s32 @!p1 $0x0  }
0x14: {  	s2 =	sld [smem:$0x3F87];
	s0 =	simm.s32 @p1 $0x1  }
0x15: {  	[smem:$0x3FA4] =	sst s0;
	s0 =	simm.s32 @!p2 $0x0  }
0x16: {  	s3 =	sld [smem:$0x3FDB];
	s0 =	simm.s32 @p2 $0x1  }
0x17: {  	s4 =	simm.s32 $0x1BF5;
	[smem:$0x3FA6] =	sst s0  }
0x18: {  	s0 =	sld [smem:$0x3F89];
	_ =	swait.ge [sflag:s4], $0x0  }
0x19: {  	s7 =	sld [smem:$0x3F8A]  }
0x1a: {  	s8 =	sadd.s32 $0xFFFFE003, lr  }
0x1b: {  	s9 =	sadd.s32 $0xFFFFFEF7, lr;
	s5 =	simm.s32 $0xFFFFFFFF;
	p2 =	slt.u32 s8, $0xFFFFF086  }
0x1c: {  	p1 =	slt.u32 s9, $0xF7A;
	s5 =	simm.s32 @!p2 $0x0  }
0x1d: {  	s5 =	simm.s32 @p1 $0x1;
	p0 =	seq.s32 s7, s2  }
0x1e: {  	s7 =	smul.u32 @!p0 $0xF7A, s2;
	p2 =	seq.s32 @!p0 s5, $0x0  }
0x1f: {  	s9 =	smul.u32 $0xF7A, s1;
	s8 =	simm.s32 @!p0 $0x1BF5;
	p2 =	por !p2, p0  }
0x20: {  	[sflag:s8] =	ssyncset.s32 @!p0 $0xFFFFF086;
	s6 =	sadd.s32 @!p0 s3, s7;
	s7 =	simm.s32 @!p0 $0x108  }
0x21: {  	s3 =	sadd.s32 s3, s9;
	s6 =	sadd.s32 @!p0 $0x88, s6;
	s7 =	simm.s32 @p2 $0x1082  }
0x22: {  	[simem:s7], [sflag:s8] =	dma.local @!p0 [hbm:s6], $0xF7A  }
0x23: {  	s9 =	sor.u32 $0xD0000000, s2;
	s6 =	simm.s32 $0x108;
	_ =	swait.ge @!p0 [sflag:s8], $0x0  }
0x24: {  	s3 =	sadd.s32 $0x88, s3;
	s6 =	simm.s32 @!p1 $0x1082;
	[sflag:s4] =	ssyncset.s32 $0xFFFFF086  }
0x25: {  	[simem:s6], [sflag:s4] =	dma.local [hbm:s3], $0xF7A  }
0x26: {  	[smem:$0x3F8A] =	sst s1;
	(tag) =	ssettag s2;
	_ =	strace s9  }
0x27: {  	s1 =	sld [smem:$0x3F9A]  }
0x28: {  	s2 =	sld [smem:$0x3F9B]  }
0x29: {  	s4 =	sld [smem:$0x3F9D]  }
0x2a: {  	p0 =	seq.s32 s5, $0x0;
	s5 =	sld [smem:$0x3F9E]  }
0x2b: {  	s6 =	sld [smem:$0x3F9F]  }
0x2c: {  	s7 =	sld [smem:$0x3FA0]  }
0x2d: {  	s3 =	simm.s32 $0x108;
	s8 =	sld [smem:$0x3FA1]  }
0x2e: {  	s3 =	simm.s32 @!p0 $0x1082;
	s9 =	sld [smem:$0x3FA2]  }
0x2f: {  	lr =	sadd.s32 s0, s3;
	s0 =	sld [smem:$0x3F99]  }
0x30: {  	s3 =	sld [smem:$0x3F9C]  }
0x31: {  	[smem:$0x3FA5] =	sst s10  }
0x32: {  	s10 =	sld [smem:$0x3FA3];
	_ =	sdelay $0x3  }
0x33: {  	p0 =	seq.s32 s10, $0x1;
	s10 =	sld [smem:$0x3FA5];
	_ =	sdelay $0x3  }
0x34: {  	[smem:$0x3FA5] =	sst s10  }
0x35: {  	s10 =	sld [smem:$0x3FA4];
	_ =	sdelay $0x3  }
0x36: {  	p1 =	seq.s32 s10, $0x1;
	s10 =	sld [smem:$0x3FA5];
	_ =	sdelay $0x3  }
0x37: {  	[smem:$0x3FA5] =	sst s10  }
0x38: {  	s10 =	sld [smem:$0x3FA6]  }
0x39: {  	_ = 	snop;
	(pc) =	sbr.ind lr, $3  }
0x3a: {  	_ = 	snop  }
0x3b: {  	_ = 	snop  }
0x3c: {  	p2 =	seq.s32 s10, $0x1;
	s10 =	sld [smem:$0x3FA5]  }
0x3d: {  	_ =	shalt  }
0x3e: {  	_ =	shalt  }
0x3f: {  	_ =	shalt  }
0x40: {  	_ =	shalt  }
0x41: {  	_ =	shalt  }
0x42: {  	_ =	shalt  }
0x43: {  	_ =	shalt  }
0x44: {  	_ =	shalt  }
0x45: {  	_ =	shalt  }
0x46: {  	_ =	shalt  }
0x47: {  	_ =	shalt  }
0x48: {  	_ =	shalt  }
0x49: {  	_ =	shalt  }
0x4a: {  	_ =	shalt  }
0x4b: {  	_ =	shalt  }
0x4c: {  	_ =	shalt  }
0x4d: {  	_ =	shalt  }
0x4e: {  	_ =	shalt  }
0x4f: {  	_ =	shalt  }
0x50: {  	_ =	shalt  }
0x51: {  	_ =	shalt  }
0x52: {  	_ =	shalt  }
0x53: {  	_ =	shalt  }
0x54: {  	_ =	shalt  }
0x55: {  	_ =	shalt  }
0x56: {  	_ =	shalt  }
0x57: {  	_ =	shalt  }
0x58: {  	_ =	shalt  }
0x59: {  	_ =	shalt  }
0x5a: {  	_ =	shalt  }
0x5b: {  	_ =	shalt  }
0x5c: {  	_ =	shalt  }
0x5d: {  	_ =	shalt  }
0x5e: {  	_ =	shalt  }
0x5f: {  	_ =	shalt  }
0x60: {  	_ =	shalt  }
0x61: {  	_ =	shalt  }
0x62: {  	_ =	shalt  }
0x63: {  	_ =	shalt  }
0x64: {  	_ =	shalt  }
0x65: {  	_ =	shalt  }
0x66: {  	_ =	shalt  }
0x67: {  	_ =	shalt  }
0x68: {  	_ =	shalt  }
0x69: {  	_ =	shalt  }
0x6a: {  	_ =	shalt  }
0x6b: {  	_ =	shalt  }
0x6c: {  	_ =	shalt  }
0x6d: {  	_ =	shalt  }
0x6e: {  	_ =	shalt  }
0x6f: {  	_ =	shalt  }
0x70: {  	_ =	shalt  }
0x71: {  	_ =	shalt  }
0x72: {  	_ =	shalt  }
0x73: {  	_ =	shalt  }
0x74: {  	_ =	shalt  }
0x75: {  	_ =	shalt  }
0x76: {  	_ =	shalt  }
0x77: {  	_ =	shalt  }
0x78: {  	_ =	shalt  }
0x79: {  	_ =	shalt  }
0x7a: {  	_ =	shalt  }
0x7b: {  	_ =	shalt  }
0x7c: {  	_ =	shalt  }
0x7d: {  	_ =	shalt  }
0x7e: {  	_ =	shalt  }
0x7f: {  	_ =	shalt  }
0x80: {  	_ =	shalt  }
0x81: {  	_ =	shalt  }
0x82: {  	_ =	shalt  }
0x83: {  	_ =	shalt  }
0x84: {  	_ =	shalt  }
0x85: {  	_ =	shalt  }
0x86: {  	_ =	shalt  }
0x87: {  	_ =	shalt  }
.Lfunc_end0:
.L_simem_size_0:
called_computation_lowered:
.L_overlay_start_0:
0x88: {  	s2 =	sld [smem:$0x3FD9]  }
0x89: {  	s3 =	sld [smem:$0x3FFE];
	_ =	sdelay $0x1  }
0x8a: {  	s1 =	srdreg.scid  }
0x8b: {  	s0 =	sand.u32 $0x1, s1  }
0x8c: {  	s16 =	sshll.u32 s0, $0xA;
	s2 =	sadd.s32 s3, s2  }
0x8d: {  	s2 =	sadd.s32 s2, s16  }
0x8e: {  	[smem:$0x3FB1] =	sst s2  }
0x8f: {  	_ = 	snop  }
0x90: {  	(tm) =	ssettm $0x1  }
0x91: {  	s17 =	sld [smem:$0x3FFB];
	_ =	sdelay $0x3  }
0x92: {  	_ =	strace s17  }
0x93: {  	s2 =	sld [smem:$0x3FFC];
	_ =	sdelay $0x3  }
0x94: {  	_ =	strace s2  }
0x95: {  	s2 =	sld [smem:$0x3FFD];
	_ =	sdelay $0x3  }
0x96: {  	_ =	strace s2  }
0x97: {  	_ =	strace $0x8FFFFFFF  }
0x98: {  	s18 =	sld [smem:$0x3FDB];
	_ =	sdelay $0x1  }
0x99: {  	s19 =	simm.s32 $_scs_section_size  }
0x9a: {  	s4 =	simm.s32 $_size__tile_overlayer_lowered;
	s5 =	simm.s32 $_tile_overlayer_lowered  }
0x9b: {  	s22 =	simm.s32 $0x1BFF;
	s21 =	sshll.u32 s5, $0x1;
	s2 =	sadd.s32 s19, s18  }
0x9c: {  	s6 =	simm.s32 $0x0;
	s20 =	sshll.u32 s4, $0x1;
	s4 =	sadd.s32 s21, s2  }
0x9d: {  	[timem:s6], [sflag:s22] =	dma.local [hbm:s4], s20  }
0x9e: {  	_ =	swait.ge [sflag:s22], s20  }
0x9f: {  	s3 =	ssub.s32 $0x0, s20;
	[sflag:s22] =	ssyncset.done $0x0  }
0xa0: {  	[sflag:s22] =	ssyncadd.s32 s3;
	_ =	sdelay $0x1  }
0xa1: {  	s23 =	simm.s32 $0x1B8B  }
0xa2: {  	_ =	swait.ge [sflag:s23], $0x1  }
0xa3: {  	[sflag:s23] =	ssyncset.done $0x0  }
0xa4: {  	s25 =	simm.s32 $0x1B8E;
	s24 =	sld [smem:$0x3FFE];
	[sflag:s23] =	ssyncadd.s32 $0xFFFFFFFF  }
0xa5: {  	s26 =	simm.s32 $execute0_lowered;
	[smem:$0x3FD2] =	sst s25  }
0xa6: {  	s4 =	sshll.u32 s26, $0x1;
	_ =	strace $0x80000046;
	[dreg:$0x1] =	wrdreg $0xFFFFFFFF  }
0xa7: {  	s28 =	simm.s32 $_size_execute0_lowered;
	s2 =	sadd.s32 s2, s4;
	[dreg:$0x0] =	wrdreg $0x0  }
0xa8: {  	s4 =	sshll.u32 s28, $0x1;
	[dreg:$0x2] =	wrdreg s2  }
0xa9: {  	[dreg:$0x3] =	wrdreg s4  }
0xaa: {  	[dreg:$0x4] =	wrdreg $0xC0  }
0xab: {  	_ =	task [dreg:s6], $0x5FFFF  }
0xac: {  	[dreg:$0x1] =	wrdreg $0xFFFFFFFF  }
0xad: {  	[dreg:$0x0] =	wrdreg $0x60  }
0xae: {  	[dreg:$0x2] =	wrdreg s24  }
0xaf: {  	[dreg:$0x3] =	wrdreg $0x9  }
0xb0: {  	_ =	task.clear_ibuf [dreg:s6], $0x4FFFF;
	_ =	strace $0x90000046  }
0xb1: {  	s29 =	simm.s32 $0x9;
	_ =	strace $0x80000048  }
0xb2: {  	_ =	swait.ge [sflag:s29], $0x1  }
0xb3: {  	[sflag:s29] =	ssyncadd.s32 $0xFFFFFFFF  }
0xb4: {  	_ =	strace $0x90000048  }
0xb5: {  	_ =	sfence  }
0xb6: {  	s30 =	sld [smem:$0x0];
	_ =	sdelay $0x2  }
0xb7: {  	s31 =	sshll.u32 s1, $0xD;
	s1 =	sshrl.u32 s1, $0x2  }
0xb8: {  	s3 =	sand.u32 $0x4000, s31;
	s1 =	sadd.s32 s1, s30  }
0xb9: {  	s0 =	sor.u32 s3, s0;
	s1 =	sshll.u32 s1, $0x11  }
0xba: {  	s0 =	sor.u32 s1, s0  }
0xbb: {  	s0 =	sadd.s32 $0x8F2B, s0  }
0xbc: {  	[sflag:s0] =	ssyncadd.remote.s32 $0x1  }
0xbd: {  	_ =	sfence.sel $0xFFFF  }
0xbe: {  	[dreg:$0x0] =	wrdreg $0xFFFFFFFF;
	(pc) =	sbr.abs _section_cstart, $3  }
0xbf: {  	[dreg:$0x1] =	wrdreg $0xFFFFFFFF  }
0xc0: {  	_ =	task.clear_ibuf [dreg:s6], $0x2FFFF;
	_ =	strace $0x9FFFFFFF  }
0xc1: {  	(tm) =	ssettm $0x7FFFFFFF  }
tec
execute0_lowered:
.L_overlay_start_1:
0x0: {  	(tag) =	ssettag $0x1  }
0x1: {  	s6 =	rddreg [dreg:$0x0]  }
0x2: {  	s0 =	rddreg [dreg:$0x1];
	s3 =	srdreg.scid  }
0x3: {  	s1 =	stileid.u32;
	s2 =	simm.s32 $0x0;
	s18 =	simm.s32 $0x8A80  }
0x4: {  	s19 =	simm.s32 $0x9280;
	s20 =	simm.s32 $0x9A80;
	s21 =	simm.s32 $0x8E80  }
0x5: {  	s22 =	simm.s32 $0x9680;
	s7 =	sand.u32 $0x1, s3;
	s23 =	sshll.u32 s1, $0x1  }
0x6: {  	[smem:$0x7FF] =	sst s2;
	s3 =	sadd.s32 $0x6000, s6;
	s9 =	smul.u32 $0x2800, s1  }
0x7: {  	s5 =	sadd.s32 $0x5400, s6;
	s12 =	sadd.s32 $0xB600, s6;
	s14 =	smul.u32 $0x50, s1  }
0x8: {  	s13 =	sadd.s32 $0x33600, s6;
	s15 =	sadd.s32 $0x5B600, s6;
	s10 =	smul.u32 $0x1400, s7  }
0x9: {  	s4 =	sor.u32 s7, s23;
	_ =	strace $0x80000047;
	s16 =	smul.u32 $0x28, s7  }
0xa: {  	s11 =	ssub.s32 $0x2, s7;
	s23 =	simm.s32 $0x9E80;
	s8 =	smul.u32 $0x280, s4  }
0xb: {  	s4 =	sadd.s32 $0x5A00, s6;
	s24 =	sshrl.u32 s11, $0x1;
	s26 =	sadd.s32 s9, s12  }
0xc: {  	s29 =	sadd.s32 s9, s13;
	s30 =	sadd.s32 s9, s15;
	s25 =	ssub.s32 s11, s24  }
0xd: {  	s28 =	sadd.s32 s16, s14;
	s9 =	sadd.s32 s10, s29;
	s14 =	simm.s32 $0x3  }
0xe: {  	s16 =	simm.s32 $0x3B80;
	s24 =	simm.s32 $0x1;
	s8 =	sadd.s32 s8, s6  }
0xf: {  	s7 =	smax.u32 s25, $0x1;
	s17 =	sshll.u32 s28, $0x7;
	s25 =	simm.s32 $0x2  }
0x10: {  	s6 =	sadd.s32 $0x6600, s8;
	s8 =	sadd.s32 s10, s26;
	s10 =	sadd.s32 s10, s30  }
0x11: {  	s11 =	sadd.s32 s17, s15;
	s13 =	sadd.s32 s17, s13;
	s31 =	sadd.s32 s17, s12  }
0x12: {  	s15 =	simm.s32 $0x1400;
	s17 =	simm.s32 $0x6300;
	s26 =	simm.s32 $0x0  }
0x13: {  	s11 =	sadd.s32 $0x80, s11;
	s12 =	sadd.s32 $0x80, s13;
	s13 =	sadd.s32 $0x80, s31  }
.LBB2_1:
0x14: {  	[tilespmem:s2], [sflag:$0x3] =	stream.linear.gather [hbm4b:s6+s2], $0x1400, $0x38;
	[tilespmem:$0xA280] =	vst v63  }
0x15: {  	_ =	swait.ge [sflag:s14], $0x1400  }
0x16: {  	[sflag:s14] =	ssyncset.done $0x0  }
0x17: {  	[sflag:s14] =	ssyncadd.s32 $0xFFFFEC00  }
0x18: {  	[tilespmem:s15], [sflag:$0x3] =	stream.linear.gather [hbm4b:s3+s2], $0x2780, $0x38;
	[tilespmem:$0xA280] =	vst v63  }
0x19: {  	_ =	swait.ge [sflag:s14], $0x2780  }
0x1a: {  	[sflag:s14] =	ssyncset.done $0x0  }
0x1b: {  	[sflag:s14] =	ssyncadd.s32 $0xFFFFD880  }
0x1c: {  	[tilespmem:s16], [sflag:$0x3] =	stream.linear.gather [hbm4b:s4+s2], $0x2780, $0x38;
	[tilespmem:$0xA280] =	vst v63  }
0x1d: {  	_ =	swait.ge [sflag:s14], $0x2780  }
0x1e: {  	[sflag:s14] =	ssyncset.done $0x0  }
0x1f: {  	[sflag:s14] =	ssyncadd.s32 $0xFFFFD880  }
0x20: {  	[tilespmem:s17], [sflag:$0x3] =	stream.linear.gather [hbm4b:s5+s2], $0x2780, $0x38;
	[tilespmem:$0xA280] =	vst v63  }
0x21: {  	_ =	swait.ge [sflag:s14], $0x2780  }
0x22: {  	[sflag:s14] =	ssyncset.done $0x0  }
0x23: {  	s28 =	simm.s32 $0x80;
	s29 =	simm.s32 $0x0;
	[sflag:s14] =	ssyncadd.s32 $0xFFFFD880  }
.LBB2_2:
0x24: {  	p0 =	seq.s32 s29, $0x0  }
0x25: {  	s30 =	simm.s32 @!p0 $0x1  }
0x26: {  	_ =	swait.ge @!p0 [sflag:s30], $0x400  }
0x27: {  	[sflag:s30] =	ssyncset.done @!p0 $0x0  }
0x28: {  	[sflag:s30] =	ssyncadd.s32 @!p0 $0xFFFFFC00  }
0x29: {  	_ =	swait.ge @!p0 [sflag:s30], $0x400  }
0x2a: {  	[sflag:s30] =	ssyncset.done @!p0 $0x0  }
0x2b: {  	[sflag:s30] =	ssyncadd.s32 @!p0 $0xFFFFFC00  }
0x2c: {  	_ =	swait.ge @!p0 [sflag:s30], $0x400  }
0x2d: {  	[sflag:s30] =	ssyncset.done @!p0 $0x0  }
0x2e: {  	[sflag:s30] =	ssyncadd.s32 @!p0 $0xFFFFFC00  }
0x2f: {  	v0 =	vld [tilespmem:s28+$0xFFFFFF80];
	_ =	sdelay $0x7  }
0x30: {  	v1 =	vld.idx.msk [tilespmem:v0+s15+$0x0], $0xffff;
	_ =	sdelay $0x4  }
0x31: {  	[tilespmem:$0x8A80] =	vst v1  }
0x32: {  	v1 =	vld.idx.msk [tilespmem:v0+s16+$0x0], $0xffff;
	_ =	sdelay $0x4  }
0x33: {  	[tilespmem:$0x9280] =	vst v1  }
0x34: {  	v0 =	vld.idx.msk [tilespmem:v0+s17+$0x0], $0xffff;
	_ =	sdelay $0x4  }
0x35: {  	[tilespmem:$0x9A80] =	vst v0  }
0x36: {  	v0 =	vld [tilespmem:s28+$0xFFFFFF90];
	_ =	sdelay $0x7  }
0x37: {  	v1 =	vld.idx.msk [tilespmem:v0+s15+$0x0], $0xffff;
	_ =	sdelay $0x4  }
0x38: {  	[tilespmem:$0x8B00] =	vst v1  }
0x39: {  	v1 =	vld.idx.msk [tilespmem:v0+s16+$0x0], $0xffff;
	_ =	sdelay $0x4  }
0x3a: {  	[tilespmem:$0x9300] =	vst v1  }
0x3b: {  	v0 =	vld.idx.msk [tilespmem:v0+s17+$0x0], $0xffff;
	_ =	sdelay $0x4  }
0x3c: {  	[tilespmem:$0x9B00] =	vst v0  }
0x3d: {  	v0 =	vld [tilespmem:s28+$0xFFFFFFA0];
	_ =	sdelay $0x7  }
0x3e: {  	v1 =	vld.idx.msk [tilespmem:v0+s15+$0x0], $0xffff;
	_ =	sdelay $0x4  }
0x3f: {  	[tilespmem:$0x8B80] =	vst v1  }
0x40: {  	v1 =	vld.idx.msk [tilespmem:v0+s16+$0x0], $0xffff;
	_ =	sdelay $0x4  }
0x41: {  	[tilespmem:$0x9380] =	vst v1  }
0x42: {  	v0 =	vld.idx.msk [tilespmem:v0+s17+$0x0], $0xffff;
	_ =	sdelay $0x4  }
0x43: {  	[tilespmem:$0x9B80] =	vst v0  }
0x44: {  	v0 =	vld [tilespmem:s28+$0xFFFFFFB0];
	_ =	sdelay $0x7  }
0x45: {  	v1 =	vld.idx.msk [tilespmem:v0+s15+$0x0], $0xffff;
	_ =	sdelay $0x4  }
0x46: {  	[tilespmem:$0x8C00] =	vst v1  }
0x47: {  	v1 =	vld.idx.msk [tilespmem:v0+s16+$0x0], $0xffff;
	_ =	sdelay $0x4  }
0x48: {  	[tilespmem:$0x9400] =	vst v1  }
0x49: {  	v0 =	vld.idx.msk [tilespmem:v0+s17+$0x0], $0xffff;
	_ =	sdelay $0x4  }
0x4a: {  	[tilespmem:$0x9C00] =	vst v0  }
0x4b: {  	v0 =	vld [tilespmem:s28+$0xFFFFFFC0];
	_ =	sdelay $0x7  }
0x4c: {  	v1 =	vld.idx.msk [tilespmem:v0+s15+$0x0], $0xffff;
	_ =	sdelay $0x4  }
0x4d: {  	[tilespmem:$0x8C80] =	vst v1  }
0x4e: {  	v1 =	vld.idx.msk [tilespmem:v0+s16+$0x0], $0xffff;
	_ =	sdelay $0x4  }
0x4f: {  	[tilespmem:$0x9480] =	vst v1  }
0x50: {  	v0 =	vld.idx.msk [tilespmem:v0+s17+$0x0], $0xffff;
	_ =	sdelay $0x4  }
0x51: {  	[tilespmem:$0x9C80] =	vst v0  }
0x52: {  	v0 =	vld [tilespmem:s28+$0xFFFFFFD0];
	_ =	sdelay $0x7  }
0x53: {  	v1 =	vld.idx.msk [tilespmem:v0+s15+$0x0], $0xffff;
	_ =	sdelay $0x4  }
0x54: {  	[tilespmem:$0x8D00] =	vst v1  }
0x55: {  	v1 =	vld.idx.msk [tilespmem:v0+s16+$0x0], $0xffff;
	_ =	sdelay $0x4  }
0x56: {  	[tilespmem:$0x9500] =	vst v1  }
0x57: {  	v0 =	vld.idx.msk [tilespmem:v0+s17+$0x0], $0xffff;
	_ =	sdelay $0x4  }
0x58: {  	[tilespmem:$0x9D00] =	vst v0  }
0x59: {  	v0 =	vld [tilespmem:s28+$0xFFFFFFE0];
	_ =	sdelay $0x7  }
0x5a: {  	v1 =	vld.idx.msk [tilespmem:v0+s15+$0x0], $0xffff;
	_ =	sdelay $0x4  }
0x5b: {  	[tilespmem:$0x8D80] =	vst v1  }
0x5c: {  	v1 =	vld.idx.msk [tilespmem:v0+s16+$0x0], $0xffff;
	_ =	sdelay $0x4  }
0x5d: {  	[tilespmem:$0x9580] =	vst v1  }
0x5e: {  	v0 =	vld.idx.msk [tilespmem:v0+s17+$0x0], $0xffff;
	_ =	sdelay $0x4  }
0x5f: {  	[tilespmem:$0x9D80] =	vst v0  }
0x60: {  	v0 =	vld [tilespmem:s28+$0xFFFFFFF0];
	_ =	sdelay $0x7  }
0x61: {  	v1 =	vld.idx.msk [tilespmem:v0+s15+$0x0], $0xffff;
	_ =	sdelay $0x4  }
0x62: {  	[tilespmem:$0x8E00] =	vst v1  }
0x63: {  	v1 =	vld.idx.msk [tilespmem:v0+s16+$0x0], $0xffff;
	_ =	sdelay $0x4  }
0x64: {  	[tilespmem:$0x9600] =	vst v1  }
0x65: {  	v0 =	vld.idx.msk [tilespmem:v0+s17+$0x0], $0xffff;
	_ =	sdelay $0x4  }
0x66: {  	s31 =	sadd.s32 s29, s8;
	[tilespmem:$0x9E00] =	vst v0  }
0x67: {  	[hbm4b:s31+s2] =	stream.linear.scatter [tilespmem:s18], [sflag:$0x1], $0x400, $0x38;
	[tilespmem:$0xA280] =	vst v63  }
0x68: {  	s31 =	sadd.s32 s29, s9  }
0x69: {  	[hbm4b:s31+s2] =	stream.linear.scatter [tilespmem:s19], [sflag:$0x1], $0x400, $0x38;
	[tilespmem:$0xA280] =	vst v63  }
0x6a: {  	s30 =	simm.s32 @!p0 $0x2;
	s31 =	sadd.s32 s29, s10  }
0x6b: {  	[hbm4b:s31+s2] =	stream.linear.scatter [tilespmem:s20], [sflag:$0x1], $0x400, $0x38;
	[tilespmem:$0xA280] =	vst v63  }
0x6c: {  	_ =	swait.ge @!p0 [sflag:s30], $0x400  }
0x6d: {  	[sflag:s30] =	ssyncset.done @!p0 $0x0  }
0x6e: {  	[sflag:s30] =	ssyncadd.s32 @!p0 $0xFFFFFC00  }
0x6f: {  	_ =	swait.ge @!p0 [sflag:s30], $0x400  }
0x70: {  	[sflag:s30] =	ssyncset.done @!p0 $0x0  }
0x71: {  	[sflag:s30] =	ssyncadd.s32 @!p0 $0xFFFFFC00  }
0x72: {  	_ =	swait.ge @!p0 [sflag:s30], $0x400  }
0x73: {  	[sflag:s30] =	ssyncset.done @!p0 $0x0  }
0x74: {  	[sflag:s30] =	ssyncadd.s32 @!p0 $0xFFFFFC00  }
0x75: {  	v62 =	vld [tilespmem:s28+$0x0];
	_ =	sdelay $0x7  }
0x76: {  	v63 =	vld.idx.msk [tilespmem:v62+s15+$0x0], $0xffff;
	_ =	sdelay $0x4  }
0x77: {  	[tilespmem:$0x8E80] =	vst v63  }
0x78: {  	v1 =	vld.idx.msk [tilespmem:v62+s16+$0x0], $0xffff;
	_ =	sdelay $0x4  }
0x79: {  	[tilespmem:$0x9680] =	vst v1  }
0x7a: {  	v0 =	vld.idx.msk [tilespmem:v62+s17+$0x0], $0xffff;
	_ =	sdelay $0x4  }
0x7b: {  	[tilespmem:$0x9E80] =	vst v0  }
0x7c: {  	v0 =	vld [tilespmem:s28+$0x10];
	_ =	sdelay $0x7  }
0x7d: {  	v1 =	vld.idx.msk [tilespmem:v0+s15+$0x0], $0xffff;
	_ =	sdelay $0x4  }
0x7e: {  	[tilespmem:$0x8F00] =	vst v1  }
0x7f: {  	v1 =	vld.idx.msk [tilespmem:v0+s16+$0x0], $0xffff;
	_ =	sdelay $0x4  }
0x80: {  	[tilespmem:$0x9700] =	vst v1  }
0x81: {  	v0 =	vld.idx.msk [tilespmem:v0+s17+$0x0], $0xffff;
	_ =	sdelay $0x4  }
0x82: {  	[tilespmem:$0x9F00] =	vst v0  }
0x83: {  	v0 =	vld [tilespmem:s28+$0x20];
	_ =	sdelay $0x7  }
0x84: {  	v1 =	vld.idx.msk [tilespmem:v0+s15+$0x0], $0xffff;
	_ =	sdelay $0x4  }
0x85: {  	[tilespmem:$0x8F80] =	vst v1  }
0x86: {  	v1 =	vld.idx.msk [tilespmem:v0+s16+$0x0], $0xffff;
	_ =	sdelay $0x4  }
0x87: {  	[tilespmem:$0x9780] =	vst v1  }
0x88: {  	v0 =	vld.idx.msk [tilespmem:v0+s17+$0x0], $0xffff;
	_ =	sdelay $0x4  }
0x89: {  	[tilespmem:$0x9F80] =	vst v0  }
0x8a: {  	v0 =	vld [tilespmem:s28+$0x30];
	_ =	sdelay $0x7  }
0x8b: {  	v1 =	vld.idx.msk [tilespmem:v0+s15+$0x0], $0xffff;
	_ =	sdelay $0x4  }
0x8c: {  	[tilespmem:$0x9000] =	vst v1  }
0x8d: {  	v1 =	vld.idx.msk [tilespmem:v0+s16+$0x0], $0xffff;
	_ =	sdelay $0x4  }
0x8e: {  	[tilespmem:$0x9800] =	vst v1  }
0x8f: {  	v0 =	vld.idx.msk [tilespmem:v0+s17+$0x0], $0xffff;
	_ =	sdelay $0x4  }
0x90: {  	[tilespmem:$0xA000] =	vst v0  }
0x91: {  	v0 =	vld [tilespmem:s28+$0x40];
	_ =	sdelay $0x7  }
0x92: {  	v1 =	vld.idx.msk [tilespmem:v0+s15+$0x0], $0xffff;
	_ =	sdelay $0x4  }
0x93: {  	[tilespmem:$0x9080] =	vst v1  }
0x94: {  	v1 =	vld.idx.msk [tilespmem:v0+s16+$0x0], $0xffff;
	_ =	sdelay $0x4  }
0x95: {  	[tilespmem:$0x9880] =	vst v1  }
0x96: {  	v0 =	vld.idx.msk [tilespmem:v0+s17+$0x0], $0xffff;
	_ =	sdelay $0x4  }
0x97: {  	[tilespmem:$0xA080] =	vst v0  }
0x98: {  	v0 =	vld [tilespmem:s28+$0x50];
	_ =	sdelay $0x7  }
0x99: {  	v1 =	vld.idx.msk [tilespmem:v0+s15+$0x0], $0xffff;
	_ =	sdelay $0x4  }
0x9a: {  	[tilespmem:$0x9100] =	vst v1  }
0x9b: {  	v1 =	vld.idx.msk [tilespmem:v0+s16+$0x0], $0xffff;
	_ =	sdelay $0x4  }
0x9c: {  	[tilespmem:$0x9900] =	vst v1  }
0x9d: {  	v0 =	vld.idx.msk [tilespmem:v0+s17+$0x0], $0xffff;
	_ =	sdelay $0x4  }
0x9e: {  	[tilespmem:$0xA100] =	vst v0  }
0x9f: {  	v0 =	vld [tilespmem:s28+$0x60];
	_ =	sdelay $0x7  }
0xa0: {  	v1 =	vld.idx.msk [tilespmem:v0+s15+$0x0], $0xffff;
	_ =	sdelay $0x4  }
0xa1: {  	[tilespmem:$0x9180] =	vst v1  }
0xa2: {  	v1 =	vld.idx.msk [tilespmem:v0+s16+$0x0], $0xffff;
	_ =	sdelay $0x4  }
0xa3: {  	[tilespmem:$0x9980] =	vst v1  }
0xa4: {  	v0 =	vld.idx.msk [tilespmem:v0+s17+$0x0], $0xffff;
	_ =	sdelay $0x4  }
0xa5: {  	[tilespmem:$0xA180] =	vst v0  }
0xa6: {  	v0 =	vld [tilespmem:s28+$0x70];
	_ =	sdelay $0x7  }
0xa7: {  	v1 =	vld.idx.msk [tilespmem:v0+s15+$0x0], $0xffff;
	_ =	sdelay $0x4  }
0xa8: {  	[tilespmem:$0x9200] =	vst v1  }
0xa9: {  	v1 =	vld.idx.msk [tilespmem:v0+s16+$0x0], $0xffff;
	_ =	sdelay $0x4  }
0xaa: {  	[tilespmem:$0x9A00] =	vst v1  }
0xab: {  	v0 =	vld.idx.msk [tilespmem:v0+s17+$0x0], $0xffff;
	_ =	sdelay $0x4  }
0xac: {  	s31 =	sadd.s32 s29, s13;
	[tilespmem:$0xA200] =	vst v0  }
0xad: {  	[hbm4b:s31+s2] =	stream.linear.scatter [tilespmem:s21], [sflag:$0x2], $0x400, $0x38;
	[tilespmem:$0xA280] =	vst v63  }
0xae: {  	s31 =	sadd.s32 s29, s12  }
0xaf: {  	[hbm4b:s31+s2] =	stream.linear.scatter [tilespmem:s22], [sflag:$0x2], $0x400, $0x38;
	[tilespmem:$0xA280] =	vst v63  }
0xb0: {  	s31 =	sadd.s32 s29, s11;
	s29 =	sadd.s32 $0x100, s29  }
0xb1: {  	p0 =	sne.s32 s29, $0x1400  }
.Ltmp0:
0xb2: {  	_ = 	snop;
	(pc) =	sbr.rel @p0 .LBB2_2-.Ltmp0, $3  }
0xb3: {  	_ =	sdelay $0x1  }
0xb4: {  	s28 =	sadd.s32 $0x100, s28  }
0xb5: {  	[hbm4b:s31+s2] =	stream.linear.scatter [tilespmem:s23], [sflag:$0x2], $0x400, $0x38;
	[tilespmem:$0xA280] =	vst v63  }
0xb6: {  	_ =	swait.ge [sflag:s24], $0x400  }
0xb7: {  	[sflag:s24] =	ssyncset.done $0x0  }
0xb8: {  	[sflag:s24] =	ssyncadd.s32 $0xFFFFFC00  }
0xb9: {  	_ =	swait.ge [sflag:s24], $0x400  }
0xba: {  	[sflag:s24] =	ssyncset.done $0x0  }
0xbb: {  	[sflag:s24] =	ssyncadd.s32 $0xFFFFFC00  }
0xbc: {  	_ =	swait.ge [sflag:s24], $0x400  }
0xbd: {  	[sflag:s24] =	ssyncset.done $0x0  }
0xbe: {  	[sflag:s24] =	ssyncadd.s32 $0xFFFFFC00  }
0xbf: {  	_ =	swait.ge [sflag:s25], $0x400  }
0xc0: {  	[sflag:s25] =	ssyncset.done $0x0  }
0xc1: {  	s26 =	sadd.s32 $0x1, s26;
	[sflag:s25] =	ssyncadd.s32 $0xFFFFFC00  }
0xc2: {  	p0 =	sne.s32 s26, s7;
	_ =	swait.ge [sflag:s25], $0x400  }
.Ltmp1:
0xc3: {  	[sflag:s25] =	ssyncset.done $0x0;
	(pc) =	sbr.rel @p0 .LBB2_1-.Ltmp1, $4  }
0xc4: {  	[sflag:s25] =	ssyncadd.s32 $0xFFFFFC00  }
0xc5: {  	_ =	swait.ge [sflag:s25], $0x400  }
0xc6: {  	[sflag:s25] =	ssyncset.done $0x0  }
0xc7: {  	[sflag:s25] =	ssyncadd.s32 $0xFFFFFC00  }
0xc8: {  	_ =	sfence.sel $0x180000  }
0xc9: {  	[bflag:$0x0] =	sbarrier.arrive $0xFFFF  }
0xca: {  	p0 =	sne.s32 s1, $0x0;
	_ =	strace $0x90000047  }
0xcb: {  	s0 =	sadd.s32 @!p0 $0x100000, s0;
	[bflag:$0x2] =	sbarrier.arrive $0xFFFF  }
0xcc: {  	[sflag:s0] =	ssyncadd.tile.s32 @!p0 $0x1;
	_ =	shalt  }
.Lfunc_end2:
_tile_overlayer_lowered:
.L_overlay_start_2:
0xcd: {  	(tag) =	ssettag $0x2  }
0xce: {  	s0 =	rddreg [dreg:$0x0];
	s2 =	stileid.u32  }
0xcf: {  	s1 =	rddreg [dreg:$0x1];
	p0 =	sne.s32 s2, $0x0  }
0xd0: {  	s3 =	rddreg [dreg:$0x2];
	[bflag:$0x3] =	sbarrier.arrive $0xFFFF;
	s2 =	simm.s32 @!p0 $0x1C03  }
0xd1: {  	[timem:s3], [sflag:s2] =	dma.local @!p0 [hbm:s0], s1  }
0xd2: {  	s0 =	simm.s32 @!p0 $0x3  }
0xd3: {  	_ =	swait.ge @!p0 [sflag:s0], s1  }
0xd4: {  	s1 =	ssub.s32 @!p0 $0x0, s1;
	[sflag:s0] =	ssyncset.done @!p0 $0x0  }
0xd5: {  	[sflag:s0] =	ssyncadd.s32 @!p0 s1  }
0xd6: {  	[bflag:$0x3] =	sbarrier.arrive $0xFFFF  }
0xd7: {  	_ =	shalt  }

</sc_bundles>
